<compile_context>
chip_gen: v7x
topology: tpu7x:2x2x1
jax: 0.10.2.dev20260603
libtpu: 0.0.44.dev20260713+nightly
codegen_flags: <defaults>
</compile_context>

<pallas_src>
import functools

import jax
import jax.numpy as jnp
from jax import lax
from jax.experimental import pallas as pl
from jax.experimental.pallas import tpu as pltpu
from jax.experimental.pallas import tpu_sc as plsc

N = 10000
E = 320000
D = 128
NC, NS = 2, 16
NW = NC * NS
EPW = E // NW
CH = 80
NCHUNK = EPW // CH
NPAD = 10240
RPT = NPAD // NS
RTC = 1024
GTC = (N + RTC - 1) // RTC


def _tc_log_mm(x_ref, w_ref, b_ref, o_ref):
    xb = x_ref[...]
    n = jnp.maximum(jnp.sqrt(jnp.sum(xb * xb, axis=1, keepdims=True)), 1e-7)
    u = (jnp.arctan2(n, 1.0) / n) * xb
    o_ref[...] = (
        jnp.dot(u, w_ref[...], preferred_element_type=jnp.float32) + b_ref[...]
    )


def _combine(h_ref, a0_ref, a1_ref, d_ref):
    a = a0_ref[...] + a1_ref[...]
    deg = (d_ref[0] + d_ref[1]).reshape(RTC, 1)
    z = jnp.maximum(h_ref[...] + a / jnp.maximum(deg, 1.0), 0.0)
    s = jnp.sqrt(jnp.sum(z * z, axis=1, keepdims=True))
    return z / (s + 1e-7), s


def _tc_combine_mm(h_ref, a0_ref, a1_ref, d_ref, w_ref, b_ref, o_ref):
    z, _ = _combine(h_ref, a0_ref, a1_ref, d_ref)
    o_ref[...] = (
        jnp.dot(z, w_ref[...], preferred_element_type=jnp.float32) + b_ref[...]
    )


def _tc_combine_exp(h_ref, a0_ref, a1_ref, d_ref, o_ref):
    z, s = _combine(h_ref, a0_ref, a1_ref, d_ref)
    n = s / (s + 1e-7)
    n2 = n * n
    n4 = n2 * n2
    factor = (945.0 - 105.0 * n2 + n4) / (945.0 - 420.0 * n2 + 15.0 * n4)
    o_ref[...] = factor * z


def _transform(x, W, b):
    return pl.pallas_call(
        _tc_log_mm,
        grid=(GTC,),
        in_specs=[
            pl.BlockSpec((RTC, D), lambda i: (i, 0)),
            pl.BlockSpec((D, D), lambda i: (0, 0)),
            pl.BlockSpec((1, D), lambda i: (0, 0)),
        ],
        out_specs=pl.BlockSpec((RTC, D), lambda i: (i, 0)),
        out_shape=jax.ShapeDtypeStruct((N, D), jnp.float32),
    )(x, W, b.reshape(1, D))


_A0_SPEC = pl.BlockSpec((RTC, D), lambda i: (i, 0))
_A1_SPEC = pl.BlockSpec((RTC, D), lambda i: (NPAD // RTC + i, 0))
_DEG_SPEC = pl.BlockSpec((NC, RTC), lambda i: (0, i))


def _combine_mm(h, acc, deg, W, b):
    return pl.pallas_call(
        _tc_combine_mm,
        grid=(GTC,),
        in_specs=[
            pl.BlockSpec((RTC, D), lambda i: (i, 0)),
            _A0_SPEC,
            _A1_SPEC,
            _DEG_SPEC,
            pl.BlockSpec((D, D), lambda i: (0, 0)),
            pl.BlockSpec((1, D), lambda i: (0, 0)),
        ],
        out_specs=pl.BlockSpec((RTC, D), lambda i: (i, 0)),
        out_shape=jax.ShapeDtypeStruct((N, D), jnp.float32),
    )(h, acc, acc, deg, W, b.reshape(1, D))


def _combine_exp(h, acc, deg):
    return pl.pallas_call(
        _tc_combine_exp,
        grid=(GTC,),
        in_specs=[
            pl.BlockSpec((RTC, D), lambda i: (i, 0)),
            _A0_SPEC,
            _A1_SPEC,
            _DEG_SPEC,
        ],
        out_specs=pl.BlockSpec((RTC, D), lambda i: (i, 0)),
        out_shape=jax.ShapeDtypeStruct((N, D), jnp.float32),
    )(h, acc, acc, deg)


def _sc_segsum_kernel(layer, h_hbm, adj_hbm, acc_out, deg_out,
                      src_idx, dst_idx, rows0, rows1, ones, zdeg,
                      acc, deg, sem0, sem1, sem2, sem3):
    cid = lax.axis_index("c")
    sid = lax.axis_index("s")
    wid = cid * NS + sid
    src_base = (2 * layer) * E + wid * EPW
    dst_base = (2 * layer + 1) * E + wid * EPW

    pltpu.sync_copy(adj_hbm.at[pl.ds(src_base, EPW)], src_idx)

    zv = jnp.zeros((16,), jnp.float32)
    ov = jnp.ones((16,), jnp.float32)

    @pl.loop(0, CH // 16)
    def _fill_ones(i):
        ones[pl.ds(i * 16, 16)] = ov

    @pl.loop(0, CH)
    def _fill_zrow(r):
        for c in range(D // 16):
            rows0[r, pl.ds(c * 16, 16)] = zv

    @pl.loop(0, RPT // 16)
    def _fill_zdeg(i):
        zdeg[pl.ds(i * 16, 16)] = zv

    base = sid * RPT
    for i in range(RPT // CH):
        pltpu.sync_copy(rows0, acc.at[pl.ds(base + i * CH, CH)])
    pltpu.sync_copy(zdeg, deg.at[pl.ds(base, RPT)])
    plsc.subcore_barrier()

    def g_src(c):
        return h_hbm.at[src_idx.at[pl.ds(c * CH, CH)]]

    def d_src(c):
        return adj_hbm.at[pl.ds(dst_base + c * CH, CH)]

    pltpu.sync_copy(d_src(0), dst_idx.at[0])
    pltpu.sync_copy(d_src(1), dst_idx.at[1])
    pltpu.async_copy(g_src(0), rows0, sem0)

    def w_deg(c):
        pltpu.make_async_copy(ones, deg.at[dst_idx.at[c]], sem3).wait()

    @pl.loop(0, NCHUNK - 1, step=2)
    def _chunks(c):
        d1 = pltpu.async_copy(g_src(c + 1), rows1, sem1)
        pltpu.async_copy(d_src(c + 2), dst_idx.at[c + 2], sem2)
        pltpu.make_async_copy(g_src(c), rows0, sem0).wait()
        pltpu.sync_copy(rows0, acc.at[dst_idx.at[c]], add=True)
        pltpu.async_copy(g_src(c + 2), rows0, sem0)
        pltpu.async_copy(ones, deg.at[dst_idx.at[c]], sem3, add=True)

        @pl.when(c + 3 < NCHUNK)
        def _():
            pltpu.async_copy(d_src(c + 3), dst_idx.at[c + 3], sem2)

        d1.wait()
        pltpu.sync_copy(rows1, acc.at[dst_idx.at[c + 1]], add=True)
        pltpu.async_copy(ones, deg.at[dst_idx.at[c + 1]], sem3, add=True)

        @pl.when(c > 0)
        def _():
            w_deg(c - 2)
            w_deg(c - 1)

        pltpu.make_async_copy(d_src(c + 2), dst_idx.at[c + 2], sem2).wait()

        @pl.when(c + 3 < NCHUNK)
        def _():
            pltpu.make_async_copy(d_src(c + 3), dst_idx.at[c + 3], sem2).wait()

    pltpu.make_async_copy(g_src(NCHUNK - 1), rows0, sem0).wait()
    pltpu.sync_copy(rows0, acc.at[dst_idx.at[NCHUNK - 1]], add=True)
    pltpu.sync_copy(ones, deg.at[dst_idx.at[NCHUNK - 1]], add=True)
    w_deg(NCHUNK - 3)
    w_deg(NCHUNK - 2)

    plsc.subcore_barrier()
    pltpu.sync_copy(acc.at[pl.ds(base, RPT)],
                    acc_out.at[pl.ds(cid * NPAD + base, RPT)])
    pltpu.sync_copy(deg.at[pl.ds(base, RPT)], deg_out.at[cid, pl.ds(base, RPT)])


def _make_sc_segsum(layer):
    return pl.kernel(
        functools.partial(_sc_segsum_kernel, layer),
        out_type=(
            jax.ShapeDtypeStruct((NC * NPAD, D), jnp.float32),
            jax.ShapeDtypeStruct((NC, NPAD), jnp.float32),
        ),
        mesh=plsc.VectorSubcoreMesh(
            core_axis_name="c", subcore_axis_name="s",
            num_cores=NC, num_subcores=NS,
        ),
        scratch_types=(
            pltpu.VMEM((EPW,), jnp.int32),
            pltpu.VMEM((NCHUNK, CH), jnp.int32),
            pltpu.VMEM((CH, D), jnp.float32),
            pltpu.VMEM((CH, D), jnp.float32),
            pltpu.VMEM((CH,), jnp.float32),
            pltpu.VMEM((RPT,), jnp.float32),
            pltpu.VMEM_SHARED((NPAD, D), jnp.float32),
            pltpu.VMEM_SHARED((NPAD,), jnp.float32),
            pltpu.SemaphoreType.DMA,
            pltpu.SemaphoreType.DMA,
            pltpu.SemaphoreType.DMA,
            pltpu.SemaphoreType.DMA,
        ),
    )


_sc_segsum_l0 = _make_sc_segsum(0)
_sc_segsum_l1 = _make_sc_segsum(1)


def kernel(x, adj, W1, b1, W2, b2):
    adj_flat = adj.reshape(2 * 2 * E)

    h1 = _transform(x, W1, b1)
    acc1, deg1 = _sc_segsum_l0(h1, adj_flat)
    h2 = _combine_mm(h1, acc1, deg1, W2, b2)
    acc2, deg2 = _sc_segsum_l1(h2, adj_flat)
    return _combine_exp(h2, acc2, deg2)

# --- scband reference (transcript-rebuilt; emitter-appended) ---
"""Pipeline reference for scband-sph-sageencoder-9869834846902 (READ-ONLY COPY).

The authoritative reference and input builder live on the scoring server;
editing this copy changes nothing except your own understanding.
"""

import jax, jax.numpy as jnp
import numpy as np

N = 10000
E = 320000
DIN = 128
DH = 128
DOUT = 128
K_IN = 1.0
K_OUT = 1.0


def _log0(y, k):
    # kappa-stereographic log map at origin (spherical, k > 0)
    n = jnp.linalg.norm(y, axis=-1, keepdims=True)
    n = jnp.maximum(n, 1e-7)
    sk = jnp.sqrt(k)
    return jnp.arctan(sk * n) / sk * (y / n)


def _exp0(u, k):
    # kappa-stereographic exp map at origin (spherical, k > 0)
    n = jnp.linalg.norm(u, axis=-1, keepdims=True)
    n = jnp.maximum(n, 1e-7)
    sk = jnp.sqrt(k)
    t = jnp.clip(sk * n, 0.0, 1.5)  # stay below pi/2 to avoid tan blow-up
    return jnp.tan(t) / sk * (u / n)


def _sph_sage_layer(x, edge_index, W, b, k_in, k_out):
    # 1) map to tangent space at origin, 2) linear transform,
    # 3) mean neighbor aggregation (scatter-add + degree normalize),
    # 4) combine self + agg, ReLU, row-normalize (use_norm=True),
    # 5) map back onto the output manifold.
    h = _log0(x, k_in) @ W + b
    src = edge_index[0]
    dst = edge_index[1]
    msgs = h[src]
    agg = jax.ops.segment_sum(msgs, dst, num_segments=N)
    deg = jax.ops.segment_sum(jnp.ones((edge_index.shape[1],), dtype=h.dtype), dst, num_segments=N)
    agg = agg / jnp.maximum(deg, 1.0)[:, None]
    out = jax.nn.relu(h + agg)
    out = out / (jnp.linalg.norm(out, axis=-1, keepdims=True) + 1e-7)
    return _exp0(out, k_out)


def setup_inputs(seed: int = 0) -> dict:
    key = jax.random.key(seed)
    ks = jax.random.split(key, 6)
    x = jax.random.normal(ks[0], (N, DIN), dtype=jnp.float32)
    adj = jax.random.randint(ks[1], (2, 2, E), 0, N, dtype=jnp.int32)
    W1 = jax.random.normal(ks[2], (DIN, DH), dtype=jnp.float32) * (1.0 / np.sqrt(DIN))
    b1 = jnp.zeros((DH,), dtype=jnp.float32)
    W2 = jax.random.normal(ks[3], (DH, DOUT), dtype=jnp.float32) * (1.0 / np.sqrt(DH))
    b2 = jnp.zeros((DOUT,), dtype=jnp.float32)
    return {"x": x, "adj": adj, "W1": W1, "b1": b1, "W2": W2, "b2": b2}


def reference(x, adj, W1, b1, W2, b2):
    h = _sph_sage_layer(x, adj[0], W1, b1, K_IN, K_OUT)
    out = _sph_sage_layer(h, adj[1], W2, b2, K_OUT, K_OUT)
    return out

if __name__ == "__main__":
    import jax
    _d = setup_inputs()
    print(jax.jit(kernel)(*tuple(_d.values())))

</pallas_src>

<mosaic_0001>
#map = affine_map<(d0, d1) -> (0, 0)>
#map1 = affine_map<(d0, d1) -> (0)>
module attributes {stable_mosaic.version = 14 : i64} {
  func.func @_sc_segsum_kernel(%arg0: i32, %arg1: i32, %arg2: memref<10000x128xf32, #tpu.memory_space<hbm>>, %arg3: memref<1280000xi32, #tpu.memory_space<hbm>>, %arg4: memref<20480x128xf32, #tpu.memory_space<hbm>>, %arg5: memref<2x10240xf32, #tpu.memory_space<hbm>>, %arg6: memref<10000xi32, #tpu.memory_space<vmem>>, %arg7: memref<125x80xi32, #tpu.memory_space<vmem>>, %arg8: memref<80x128xf32, #tpu.memory_space<vmem>>, %arg9: memref<80x128xf32, #tpu.memory_space<vmem>>, %arg10: memref<80xf32, #tpu.memory_space<vmem>>, %arg11: memref<640xf32, #tpu.memory_space<vmem>>, %arg12: memref<10240x128xf32, #tpu.memory_space<vmem_shared>>, %arg13: memref<10240xf32, #tpu.memory_space<vmem_shared>>, %arg14: memref<!tpu.dma_semaphore, #tpu.memory_space<semaphore_mem>>, %arg15: memref<!tpu.dma_semaphore, #tpu.memory_space<semaphore_mem>>, %arg16: memref<!tpu.dma_semaphore, #tpu.memory_space<semaphore_mem>>, %arg17: memref<!tpu.dma_semaphore, #tpu.memory_space<semaphore_mem>>) attributes {dimension_semantics = [#tpu.dimension_semantics<core_parallel>, #tpu.dimension_semantics<subcore_parallel>], iteration_bounds = array<i64: 2, 16>, scalar_prefetch = 0 : i64, scratch_operands = 12 : i64, tpu.core_type = #tpu.core_type<sc_vector_subcore>, window_params = [{transform_indices = #map}, {transform_indices = #map1}, {transform_indices = #map}, {transform_indices = #map}]} {
    %mul3A = arith.constant 16 : i32
    %mul3A_0 = arith.muli %arg0, %mul3A : i32
    %add3A = arith.addi %mul3A_0, %arg1 : i32
    %mul3A_1 = arith.constant 10000 : i32
    %mul3A_2 = arith.muli %add3A, %mul3A_1 : i32
    %add3A_3 = arith.constant 640000 : i32
    %add3A_4 = arith.addi %add3A_3, %mul3A_2 : i32
    %mul3A_5 = arith.constant 10000 : i32
    %mul3A_6 = arith.muli %add3A, %mul3A_5 : i32
    %add3A_7 = arith.constant 960000 : i32
    %add3A_8 = arith.addi %add3A_7, %mul3A_6 : i32
    "tpu.region"() ({
      %run_scoped3A_80 = tpu.sem_alloc : memref<!tpu.dma_semaphore, #tpu.memory_space<semaphore_mem>>
      %dma_start3A_81 = tpu.memref_slice %arg3[%add3A_4] : memref<1280000xi32, #tpu.memory_space<hbm>> -> memref<10000xi32, #tpu.memory_space<hbm>>
      %dma_start3A_82 = tpu.memref_slice %arg3[%add3A_4] : memref<1280000xi32, #tpu.memory_space<hbm>> -> memref<10000xi32, #tpu.memory_space<hbm>>
      tpu.enqueue_dma source(%dma_start3A_82 : memref<10000xi32, #tpu.memory_space<hbm>>) target(%arg6 : memref<10000xi32, #tpu.memory_space<vmem>>) target_semaphore(%run_scoped3A_80 : memref<!tpu.dma_semaphore, #tpu.memory_space<semaphore_mem>>)
      %dma_wait3A_83 = tpu.memref_slice %arg3[%add3A_4] : memref<1280000xi32, #tpu.memory_space<hbm>> -> memref<10000xi32, #tpu.memory_space<hbm>>
      %dma_wait3A_84 = tpu.memref_slice %arg3[%add3A_4] : memref<1280000xi32, #tpu.memory_space<hbm>> -> memref<10000xi32, #tpu.memory_space<hbm>>
      tpu.wait_dma2 semaphore(%run_scoped3A_80 : memref<!tpu.dma_semaphore, #tpu.memory_space<semaphore_mem>>) src(%dma_wait3A_84 : memref<10000xi32, #tpu.memory_space<hbm>>) dst(%arg6 : memref<10000xi32, #tpu.memory_space<vmem>>)
      tpu.yield
    }) : () -> ()
    %broadcast_in_dim3A = arith.constant 0.000000e+00 : f32
    %broadcast_in_dim3A_9 = vector.broadcast %broadcast_in_dim3A : f32 to vector<16xf32>
    %broadcast_in_dim3A_10 = arith.constant 1.000000e+00 : f32
    %broadcast_in_dim3A_11 = vector.broadcast %broadcast_in_dim3A_10 : f32 to vector<16xf32>
    %scan3A = arith.constant 0 : i32
    %scan3A_12 = arith.constant 5 : i32
    %scan3A_13 = arith.addi %scan3A, %scan3A_12 : i32
    %scan3A_14 = arith.constant 1 : i32
    scf.for %scan3A_80 = %scan3A to %scan3A_13 step %scan3A_14  : i32 {
      %mul3A_81 = arith.constant 1 : i32
      %mul3A_82 = arith.muli %scan3A_80, %mul3A_81 : i32
      %add3A_83 = arith.constant 0 : i32
      %add3A_84 = arith.addi %add3A_83, %mul3A_82 : i32
      %mul3A_85 = arith.constant 16 : i32
      %mul3A_86 = arith.muli %add3A_84, %mul3A_85 : i32
      %swap3A = arith.index_cast %mul3A_86 : i32 to index
      %swap3A_87 = tpu.vector_load %arg10[%swap3A] {strides = array<i32>} : memref<80xf32, #tpu.memory_space<vmem>>, vector<16xf32>,
      %swap3A_88 = vector.shape_cast %swap3A_87 : vector<16xf32> to vector<16xf32>
      %swap3A_89 = vector.shape_cast %broadcast_in_dim3A_11 : vector<16xf32> to vector<16xf32>
      tpu.vector_store %arg10[%swap3A], %swap3A_89 {strides = array<i32>} : memref<80xf32, #tpu.memory_space<vmem>>, vector<16xf32>,
    }
    %scan3A_15 = arith.constant 5 : i32
    %scan3A_16 = arith.constant 0 : i32
    %scan3A_17 = arith.constant 80 : i32
    %scan3A_18 = arith.addi %scan3A_16, %scan3A_17 : i32
    %scan3A_19 = arith.constant 1 : i32
    scf.for %scan3A_80 = %scan3A_16 to %scan3A_18 step %scan3A_19  : i32 {
      %mul3A_81 = arith.constant 1 : i32
      %mul3A_82 = arith.muli %scan3A_80, %mul3A_81 : i32
      %add3A_83 = arith.constant 0 : i32
      %add3A_84 = arith.addi %add3A_83, %mul3A_82 : i32
      %swap3A = arith.index_cast %add3A_84 : i32 to index
      %swap3A_85 = arith.constant 0 : index
      %swap3A_86 = tpu.vector_load %arg8[%swap3A, %swap3A_85] {strides = array<i32>} : memref<80x128xf32, #tpu.memory_space<vmem>>, vector<1x16xf32>,
      %swap3A_87 = vector.shape_cast %swap3A_86 : vector<1x16xf32> to vector<16xf32>
      %swap3A_88 = vector.shape_cast %broadcast_in_dim3A_9 : vector<16xf32> to vector<1x16xf32>
      tpu.vector_store %arg8[%swap3A, %swap3A_85], %swap3A_88 {strides = array<i32>} : memref<80x128xf32, #tpu.memory_space<vmem>>, vector<1x16xf32>,
      %swap3A_89 = arith.index_cast %add3A_84 : i32 to index
      %swap3A_90 = arith.constant 16 : index
      %swap3A_91 = tpu.vector_load %arg8[%swap3A_89, %swap3A_90] {strides = array<i32>} : memref<80x128xf32, #tpu.memory_space<vmem>>, vector<1x16xf32>,
      %swap3A_92 = vector.shape_cast %swap3A_91 : vector<1x16xf32> to vector<16xf32>
      %swap3A_93 = vector.shape_cast %broadcast_in_dim3A_9 : vector<16xf32> to vector<1x16xf32>
      tpu.vector_store %arg8[%swap3A_89, %swap3A_90], %swap3A_93 {strides = array<i32>} : memref<80x128xf32, #tpu.memory_space<vmem>>, vector<1x16xf32>,
      %swap3A_94 = arith.index_cast %add3A_84 : i32 to index
      %swap3A_95 = arith.constant 32 : index
      %swap3A_96 = tpu.vector_load %arg8[%swap3A_94, %swap3A_95] {strides = array<i32>} : memref<80x128xf32, #tpu.memory_space<vmem>>, vector<1x16xf32>,
      %swap3A_97 = vector.shape_cast %swap3A_96 : vector<1x16xf32> to vector<16xf32>
      %swap3A_98 = vector.shape_cast %broadcast_in_dim3A_9 : vector<16xf32> to vector<1x16xf32>
      tpu.vector_store %arg8[%swap3A_94, %swap3A_95], %swap3A_98 {strides = array<i32>} : memref<80x128xf32, #tpu.memory_space<vmem>>, vector<1x16xf32>,
      %swap3A_99 = arith.index_cast %add3A_84 : i32 to index
      %swap3A_100 = arith.constant 48 : index
      %swap3A_101 = tpu.vector_load %arg8[%swap3A_99, %swap3A_100] {strides = array<i32>} : memref<80x128xf32, #tpu.memory_space<vmem>>, vector<1x16xf32>,
      %swap3A_102 = vector.shape_cast %swap3A_101 : vector<1x16xf32> to vector<16xf32>
      %swap3A_103 = vector.shape_cast %broadcast_in_dim3A_9 : vector<16xf32> to vector<1x16xf32>
      tpu.vector_store %arg8[%swap3A_99, %swap3A_100], %swap3A_103 {strides = array<i32>} : memref<80x128xf32, #tpu.memory_space<vmem>>, vector<1x16xf32>,
      %swap3A_104 = arith.index_cast %add3A_84 : i32 to index
      %swap3A_105 = arith.constant 64 : index
      %swap3A_106 = tpu.vector_load %arg8[%swap3A_104, %swap3A_105] {strides = array<i32>} : memref<80x128xf32, #tpu.memory_space<vmem>>, vector<1x16xf32>,
      %swap3A_107 = vector.shape_cast %swap3A_106 : vector<1x16xf32> to vector<16xf32>
      %swap3A_108 = vector.shape_cast %broadcast_in_dim3A_9 : vector<16xf32> to vector<1x16xf32>
      tpu.vector_store %arg8[%swap3A_104, %swap3A_105], %swap3A_108 {strides = array<i32>} : memref<80x128xf32, #tpu.memory_space<vmem>>, vector<1x16xf32>,
      %swap3A_109 = arith.index_cast %add3A_84 : i32 to index
      %swap3A_110 = arith.constant 80 : index
      %swap3A_111 = tpu.vector_load %arg8[%swap3A_109, %swap3A_110] {strides = array<i32>} : memref<80x128xf32, #tpu.memory_space<vmem>>, vector<1x16xf32>,
      %swap3A_112 = vector.shape_cast %swap3A_111 : vector<1x16xf32> to vector<16xf32>
      %swap3A_113 = vector.shape_cast %broadcast_in_dim3A_9 : vector<16xf32> to vector<1x16xf32>
      tpu.vector_store %arg8[%swap3A_109, %swap3A_110], %swap3A_113 {strides = array<i32>} : memref<80x128xf32, #tpu.memory_space<vmem>>, vector<1x16xf32>,
      %swap3A_114 = arith.index_cast %add3A_84 : i32 to index
      %swap3A_115 = arith.constant 96 : index
      %swap3A_116 = tpu.vector_load %arg8[%swap3A_114, %swap3A_115] {strides = array<i32>} : memref<80x128xf32, #tpu.memory_space<vmem>>, vector<1x16xf32>,
      %swap3A_117 = vector.shape_cast %swap3A_116 : vector<1x16xf32> to vector<16xf32>
      %swap3A_118 = vector.shape_cast %broadcast_in_dim3A_9 : vector<16xf32> to vector<1x16xf32>
      tpu.vector_store %arg8[%swap3A_114, %swap3A_115], %swap3A_118 {strides = array<i32>} : memref<80x128xf32, #tpu.memory_space<vmem>>, vector<1x16xf32>,
      %swap3A_119 = arith.index_cast %add3A_84 : i32 to index
      %swap3A_120 = arith.constant 112 : index
      %swap3A_121 = tpu.vector_load %arg8[%swap3A_119, %swap3A_120] {strides = array<i32>} : memref<80x128xf32, #tpu.memory_space<vmem>>, vector<1x16xf32>,
      %swap3A_122 = vector.shape_cast %swap3A_121 : vector<1x16xf32> to vector<16xf32>
      %swap3A_123 = vector.shape_cast %broadcast_in_dim3A_9 : vector<16xf32> to vector<1x16xf32>
      tpu.vector_store %arg8[%swap3A_119, %swap3A_120], %swap3A_123 {strides = array<i32>} : memref<80x128xf32, #tpu.memory_space<vmem>>, vector<1x16xf32>,
    }
    %scan3A_20 = arith.constant 80 : i32
    %scan3A_21 = arith.constant 0 : i32
    %scan3A_22 = arith.constant 40 : i32
    %scan3A_23 = arith.addi %scan3A_21, %scan3A_22 : i32
    %scan3A_24 = arith.constant 1 : i32
    scf.for %scan3A_80 = %scan3A_21 to %scan3A_23 step %scan3A_24  : i32 {
      %mul3A_81 = arith.constant 1 : i32
      %mul3A_82 = arith.muli %scan3A_80, %mul3A_81 : i32
      %add3A_83 = arith.constant 0 : i32
      %add3A_84 = arith.addi %add3A_83, %mul3A_82 : i32
      %mul3A_85 = arith.constant 16 : i32
      %mul3A_86 = arith.muli %add3A_84, %mul3A_85 : i32
      %swap3A = arith.index_cast %mul3A_86 : i32 to index
      %swap3A_87 = tpu.vector_load %arg11[%swap3A] {strides = array<i32>} : memref<640xf32, #tpu.memory_space<vmem>>, vector<16xf32>,
      %swap3A_88 = vector.shape_cast %swap3A_87 : vector<16xf32> to vector<16xf32>
      %swap3A_89 = vector.shape_cast %broadcast_in_dim3A_9 : vector<16xf32> to vector<16xf32>
      tpu.vector_store %arg11[%swap3A], %swap3A_89 {strides = array<i32>} : memref<640xf32, #tpu.memory_space<vmem>>, vector<16xf32>,
    }
    %scan3A_25 = arith.constant 40 : i32
    %mul3A_26 = arith.constant 640 : i32
    %mul3A_27 = arith.muli %arg1, %mul3A_26 : i32
    %add3A_28 = arith.constant 0 : i32
    %add3A_29 = arith.addi %mul3A_27, %add3A_28 : i32
    "tpu.region"() ({
      %run_scoped3A_80 = tpu.sem_alloc : memref<!tpu.dma_semaphore, #tpu.memory_space<semaphore_mem>>
      %dma_start3A_81 = arith.constant 0 : i32
      %dma_start3A_82 = tpu.memref_slice %arg12[%add3A_29, %dma_start3A_81] : memref<10240x128xf32, #tpu.memory_space<vmem_shared>> -> memref<80x128xf32, #tpu.memory_space<vmem_shared>>
      %dma_start3A_83 = arith.constant 0 : i32
      %dma_start3A_84 = tpu.memref_slice %arg12[%add3A_29, %dma_start3A_83] : memref<10240x128xf32, #tpu.memory_space<vmem_shared>> -> memref<80x128xf32, #tpu.memory_space<vmem_shared>>
      tpu.enqueue_dma source(%arg8 : memref<80x128xf32, #tpu.memory_space<vmem>>) target(%dma_start3A_84 : memref<80x128xf32, #tpu.memory_space<vmem_shared>>) target_semaphore(%run_scoped3A_80 : memref<!tpu.dma_semaphore, #tpu.memory_space<semaphore_mem>>)
      %dma_wait3A_85 = arith.constant 0 : i32
      %dma_wait3A_86 = tpu.memref_slice %arg12[%add3A_29, %dma_wait3A_85] : memref<10240x128xf32, #tpu.memory_space<vmem_shared>> -> memref<80x128xf32, #tpu.memory_space<vmem_shared>>
      %dma_wait3A_87 = arith.constant 0 : i32
      %dma_wait3A_88 = tpu.memref_slice %arg12[%add3A_29, %dma_wait3A_87] : memref<10240x128xf32, #tpu.memory_space<vmem_shared>> -> memref<80x128xf32, #tpu.memory_space<vmem_shared>>
      tpu.wait_dma2 semaphore(%run_scoped3A_80 : memref<!tpu.dma_semaphore, #tpu.memory_space<semaphore_mem>>) src(%arg8 : memref<80x128xf32, #tpu.memory_space<vmem>>) dst(%dma_wait3A_88 : memref<80x128xf32, #tpu.memory_space<vmem_shared>>)
      tpu.yield
    }) : () -> ()
    %add3A_30 = arith.constant 80 : i32
    %add3A_31 = arith.addi %mul3A_27, %add3A_30 : i32
    "tpu.region"() ({
      %run_scoped3A_80 = tpu.sem_alloc : memref<!tpu.dma_semaphore, #tpu.memory_space<semaphore_mem>>
      %dma_start3A_81 = arith.constant 0 : i32
      %dma_start3A_82 = tpu.memref_slice %arg12[%add3A_31, %dma_start3A_81] : memref<10240x128xf32, #tpu.memory_space<vmem_shared>> -> memref<80x128xf32, #tpu.memory_space<vmem_shared>>
      %dma_start3A_83 = arith.constant 0 : i32
      %dma_start3A_84 = tpu.memref_slice %arg12[%add3A_31, %dma_start3A_83] : memref<10240x128xf32, #tpu.memory_space<vmem_shared>> -> memref<80x128xf32, #tpu.memory_space<vmem_shared>>
      tpu.enqueue_dma source(%arg8 : memref<80x128xf32, #tpu.memory_space<vmem>>) target(%dma_start3A_84 : memref<80x128xf32, #tpu.memory_space<vmem_shared>>) target_semaphore(%run_scoped3A_80 : memref<!tpu.dma_semaphore, #tpu.memory_space<semaphore_mem>>)
      %dma_wait3A_85 = arith.constant 0 : i32
      %dma_wait3A_86 = tpu.memref_slice %arg12[%add3A_31, %dma_wait3A_85] : memref<10240x128xf32, #tpu.memory_space<vmem_shared>> -> memref<80x128xf32, #tpu.memory_space<vmem_shared>>
      %dma_wait3A_87 = arith.constant 0 : i32
      %dma_wait3A_88 = tpu.memref_slice %arg12[%add3A_31, %dma_wait3A_87] : memref<10240x128xf32, #tpu.memory_space<vmem_shared>> -> memref<80x128xf32, #tpu.memory_space<vmem_shared>>
      tpu.wait_dma2 semaphore(%run_scoped3A_80 : memref<!tpu.dma_semaphore, #tpu.memory_space<semaphore_mem>>) src(%arg8 : memref<80x128xf32, #tpu.memory_space<vmem>>) dst(%dma_wait3A_88 : memref<80x128xf32, #tpu.memory_space<vmem_shared>>)
      tpu.yield
    }) : () -> ()
    %add3A_32 = arith.constant 160 : i32
    %add3A_33 = arith.addi %mul3A_27, %add3A_32 : i32
    "tpu.region"() ({
      %run_scoped3A_80 = tpu.sem_alloc : memref<!tpu.dma_semaphore, #tpu.memory_space<semaphore_mem>>
      %dma_start3A_81 = arith.constant 0 : i32
      %dma_start3A_82 = tpu.memref_slice %arg12[%add3A_33, %dma_start3A_81] : memref<10240x128xf32, #tpu.memory_space<vmem_shared>> -> memref<80x128xf32, #tpu.memory_space<vmem_shared>>
      %dma_start3A_83 = arith.constant 0 : i32
      %dma_start3A_84 = tpu.memref_slice %arg12[%add3A_33, %dma_start3A_83] : memref<10240x128xf32, #tpu.memory_space<vmem_shared>> -> memref<80x128xf32, #tpu.memory_space<vmem_shared>>
      tpu.enqueue_dma source(%arg8 : memref<80x128xf32, #tpu.memory_space<vmem>>) target(%dma_start3A_84 : memref<80x128xf32, #tpu.memory_space<vmem_shared>>) target_semaphore(%run_scoped3A_80 : memref<!tpu.dma_semaphore, #tpu.memory_space<semaphore_mem>>)
      %dma_wait3A_85 = arith.constant 0 : i32
      %dma_wait3A_86 = tpu.memref_slice %arg12[%add3A_33, %dma_wait3A_85] : memref<10240x128xf32, #tpu.memory_space<vmem_shared>> -> memref<80x128xf32, #tpu.memory_space<vmem_shared>>
      %dma_wait3A_87 = arith.constant 0 : i32
      %dma_wait3A_88 = tpu.memref_slice %arg12[%add3A_33, %dma_wait3A_87] : memref<10240x128xf32, #tpu.memory_space<vmem_shared>> -> memref<80x128xf32, #tpu.memory_space<vmem_shared>>
      tpu.wait_dma2 semaphore(%run_scoped3A_80 : memref<!tpu.dma_semaphore, #tpu.memory_space<semaphore_mem>>) src(%arg8 : memref<80x128xf32, #tpu.memory_space<vmem>>) dst(%dma_wait3A_88 : memref<80x128xf32, #tpu.memory_space<vmem_shared>>)
      tpu.yield
    }) : () -> ()
    %add3A_34 = arith.constant 240 : i32
    %add3A_35 = arith.addi %mul3A_27, %add3A_34 : i32
    "tpu.region"() ({
      %run_scoped3A_80 = tpu.sem_alloc : memref<!tpu.dma_semaphore, #tpu.memory_space<semaphore_mem>>
      %dma_start3A_81 = arith.constant 0 : i32
      %dma_start3A_82 = tpu.memref_slice %arg12[%add3A_35, %dma_start3A_81] : memref<10240x128xf32, #tpu.memory_space<vmem_shared>> -> memref<80x128xf32, #tpu.memory_space<vmem_shared>>
      %dma_start3A_83 = arith.constant 0 : i32
      %dma_start3A_84 = tpu.memref_slice %arg12[%add3A_35, %dma_start3A_83] : memref<10240x128xf32, #tpu.memory_space<vmem_shared>> -> memref<80x128xf32, #tpu.memory_space<vmem_shared>>
      tpu.enqueue_dma source(%arg8 : memref<80x128xf32, #tpu.memory_space<vmem>>) target(%dma_start3A_84 : memref<80x128xf32, #tpu.memory_space<vmem_shared>>) target_semaphore(%run_scoped3A_80 : memref<!tpu.dma_semaphore, #tpu.memory_space<semaphore_mem>>)
      %dma_wait3A_85 = arith.constant 0 : i32
      %dma_wait3A_86 = tpu.memref_slice %arg12[%add3A_35, %dma_wait3A_85] : memref<10240x128xf32, #tpu.memory_space<vmem_shared>> -> memref<80x128xf32, #tpu.memory_space<vmem_shared>>
      %dma_wait3A_87 = arith.constant 0 : i32
      %dma_wait3A_88 = tpu.memref_slice %arg12[%add3A_35, %dma_wait3A_87] : memref<10240x128xf32, #tpu.memory_space<vmem_shared>> -> memref<80x128xf32, #tpu.memory_space<vmem_shared>>
      tpu.wait_dma2 semaphore(%run_scoped3A_80 : memref<!tpu.dma_semaphore, #tpu.memory_space<semaphore_mem>>) src(%arg8 : memref<80x128xf32, #tpu.memory_space<vmem>>) dst(%dma_wait3A_88 : memref<80x128xf32, #tpu.memory_space<vmem_shared>>)
      tpu.yield
    }) : () -> ()
    %add3A_36 = arith.constant 320 : i32
    %add3A_37 = arith.addi %mul3A_27, %add3A_36 : i32
    "tpu.region"() ({
      %run_scoped3A_80 = tpu.sem_alloc : memref<!tpu.dma_semaphore, #tpu.memory_space<semaphore_mem>>
      %dma_start3A_81 = arith.constant 0 : i32
      %dma_start3A_82 = tpu.memref_slice %arg12[%add3A_37, %dma_start3A_81] : memref<10240x128xf32, #tpu.memory_space<vmem_shared>> -> memref<80x128xf32, #tpu.memory_space<vmem_shared>>
      %dma_start3A_83 = arith.constant 0 : i32
      %dma_start3A_84 = tpu.memref_slice %arg12[%add3A_37, %dma_start3A_83] : memref<10240x128xf32, #tpu.memory_space<vmem_shared>> -> memref<80x128xf32, #tpu.memory_space<vmem_shared>>
      tpu.enqueue_dma source(%arg8 : memref<80x128xf32, #tpu.memory_space<vmem>>) target(%dma_start3A_84 : memref<80x128xf32, #tpu.memory_space<vmem_shared>>) target_semaphore(%run_scoped3A_80 : memref<!tpu.dma_semaphore, #tpu.memory_space<semaphore_mem>>)
      %dma_wait3A_85 = arith.constant 0 : i32
      %dma_wait3A_86 = tpu.memref_slice %arg12[%add3A_37, %dma_wait3A_85] : memref<10240x128xf32, #tpu.memory_space<vmem_shared>> -> memref<80x128xf32, #tpu.memory_space<vmem_shared>>
      %dma_wait3A_87 = arith.constant 0 : i32
      %dma_wait3A_88 = tpu.memref_slice %arg12[%add3A_37, %dma_wait3A_87] : memref<10240x128xf32, #tpu.memory_space<vmem_shared>> -> memref<80x128xf32, #tpu.memory_space<vmem_shared>>
      tpu.wait_dma2 semaphore(%run_scoped3A_80 : memref<!tpu.dma_semaphore, #tpu.memory_space<semaphore_mem>>) src(%arg8 : memref<80x128xf32, #tpu.memory_space<vmem>>) dst(%dma_wait3A_88 : memref<80x128xf32, #tpu.memory_space<vmem_shared>>)
      tpu.yield
    }) : () -> ()
    %add3A_38 = arith.constant 400 : i32
    %add3A_39 = arith.addi %mul3A_27, %add3A_38 : i32
    "tpu.region"() ({
      %run_scoped3A_80 = tpu.sem_alloc : memref<!tpu.dma_semaphore, #tpu.memory_space<semaphore_mem>>
      %dma_start3A_81 = arith.constant 0 : i32
      %dma_start3A_82 = tpu.memref_slice %arg12[%add3A_39, %dma_start3A_81] : memref<10240x128xf32, #tpu.memory_space<vmem_shared>> -> memref<80x128xf32, #tpu.memory_space<vmem_shared>>
      %dma_start3A_83 = arith.constant 0 : i32
      %dma_start3A_84 = tpu.memref_slice %arg12[%add3A_39, %dma_start3A_83] : memref<10240x128xf32, #tpu.memory_space<vmem_shared>> -> memref<80x128xf32, #tpu.memory_space<vmem_shared>>
      tpu.enqueue_dma source(%arg8 : memref<80x128xf32, #tpu.memory_space<vmem>>) target(%dma_start3A_84 : memref<80x128xf32, #tpu.memory_space<vmem_shared>>) target_semaphore(%run_scoped3A_80 : memref<!tpu.dma_semaphore, #tpu.memory_space<semaphore_mem>>)
      %dma_wait3A_85 = arith.constant 0 : i32
      %dma_wait3A_86 = tpu.memref_slice %arg12[%add3A_39, %dma_wait3A_85] : memref<10240x128xf32, #tpu.memory_space<vmem_shared>> -> memref<80x128xf32, #tpu.memory_space<vmem_shared>>
      %dma_wait3A_87 = arith.constant 0 : i32
      %dma_wait3A_88 = tpu.memref_slice %arg12[%add3A_39, %dma_wait3A_87] : memref<10240x128xf32, #tpu.memory_space<vmem_shared>> -> memref<80x128xf32, #tpu.memory_space<vmem_shared>>
      tpu.wait_dma2 semaphore(%run_scoped3A_80 : memref<!tpu.dma_semaphore, #tpu.memory_space<semaphore_mem>>) src(%arg8 : memref<80x128xf32, #tpu.memory_space<vmem>>) dst(%dma_wait3A_88 : memref<80x128xf32, #tpu.memory_space<vmem_shared>>)
      tpu.yield
    }) : () -> ()
    %add3A_40 = arith.constant 480 : i32
    %add3A_41 = arith.addi %mul3A_27, %add3A_40 : i32
    "tpu.region"() ({
      %run_scoped3A_80 = tpu.sem_alloc : memref<!tpu.dma_semaphore, #tpu.memory_space<semaphore_mem>>
      %dma_start3A_81 = arith.constant 0 : i32
      %dma_start3A_82 = tpu.memref_slice %arg12[%add3A_41, %dma_start3A_81] : memref<10240x128xf32, #tpu.memory_space<vmem_shared>> -> memref<80x128xf32, #tpu.memory_space<vmem_shared>>
      %dma_start3A_83 = arith.constant 0 : i32
      %dma_start3A_84 = tpu.memref_slice %arg12[%add3A_41, %dma_start3A_83] : memref<10240x128xf32, #tpu.memory_space<vmem_shared>> -> memref<80x128xf32, #tpu.memory_space<vmem_shared>>
      tpu.enqueue_dma source(%arg8 : memref<80x128xf32, #tpu.memory_space<vmem>>) target(%dma_start3A_84 : memref<80x128xf32, #tpu.memory_space<vmem_shared>>) target_semaphore(%run_scoped3A_80 : memref<!tpu.dma_semaphore, #tpu.memory_space<semaphore_mem>>)
      %dma_wait3A_85 = arith.constant 0 : i32
      %dma_wait3A_86 = tpu.memref_slice %arg12[%add3A_41, %dma_wait3A_85] : memref<10240x128xf32, #tpu.memory_space<vmem_shared>> -> memref<80x128xf32, #tpu.memory_space<vmem_shared>>
      %dma_wait3A_87 = arith.constant 0 : i32
      %dma_wait3A_88 = tpu.memref_slice %arg12[%add3A_41, %dma_wait3A_87] : memref<10240x128xf32, #tpu.memory_space<vmem_shared>> -> memref<80x128xf32, #tpu.memory_space<vmem_shared>>
      tpu.wait_dma2 semaphore(%run_scoped3A_80 : memref<!tpu.dma_semaphore, #tpu.memory_space<semaphore_mem>>) src(%arg8 : memref<80x128xf32, #tpu.memory_space<vmem>>) dst(%dma_wait3A_88 : memref<80x128xf32, #tpu.memory_space<vmem_shared>>)
      tpu.yield
    }) : () -> ()
    %add3A_42 = arith.constant 560 : i32
    %add3A_43 = arith.addi %mul3A_27, %add3A_42 : i32
    "tpu.region"() ({
      %run_scoped3A_80 = tpu.sem_alloc : memref<!tpu.dma_semaphore, #tpu.memory_space<semaphore_mem>>
      %dma_start3A_81 = arith.constant 0 : i32
      %dma_start3A_82 = tpu.memref_slice %arg12[%add3A_43, %dma_start3A_81] : memref<10240x128xf32, #tpu.memory_space<vmem_shared>> -> memref<80x128xf32, #tpu.memory_space<vmem_shared>>
      %dma_start3A_83 = arith.constant 0 : i32
      %dma_start3A_84 = tpu.memref_slice %arg12[%add3A_43, %dma_start3A_83] : memref<10240x128xf32, #tpu.memory_space<vmem_shared>> -> memref<80x128xf32, #tpu.memory_space<vmem_shared>>
      tpu.enqueue_dma source(%arg8 : memref<80x128xf32, #tpu.memory_space<vmem>>) target(%dma_start3A_84 : memref<80x128xf32, #tpu.memory_space<vmem_shared>>) target_semaphore(%run_scoped3A_80 : memref<!tpu.dma_semaphore, #tpu.memory_space<semaphore_mem>>)
      %dma_wait3A_85 = arith.constant 0 : i32
      %dma_wait3A_86 = tpu.memref_slice %arg12[%add3A_43, %dma_wait3A_85] : memref<10240x128xf32, #tpu.memory_space<vmem_shared>> -> memref<80x128xf32, #tpu.memory_space<vmem_shared>>
      %dma_wait3A_87 = arith.constant 0 : i32
      %dma_wait3A_88 = tpu.memref_slice %arg12[%add3A_43, %dma_wait3A_87] : memref<10240x128xf32, #tpu.memory_space<vmem_shared>> -> memref<80x128xf32, #tpu.memory_space<vmem_shared>>
      tpu.wait_dma2 semaphore(%run_scoped3A_80 : memref<!tpu.dma_semaphore, #tpu.memory_space<semaphore_mem>>) src(%arg8 : memref<80x128xf32, #tpu.memory_space<vmem>>) dst(%dma_wait3A_88 : memref<80x128xf32, #tpu.memory_space<vmem_shared>>)
      tpu.yield
    }) : () -> ()
    "tpu.region"() ({
      %run_scoped3A_80 = tpu.sem_alloc : memref<!tpu.dma_semaphore, #tpu.memory_space<semaphore_mem>>
      %dma_start3A_81 = tpu.memref_slice %arg13[%mul3A_27] : memref<10240xf32, #tpu.memory_space<vmem_shared>> -> memref<640xf32, #tpu.memory_space<vmem_shared>>
      %dma_start3A_82 = tpu.memref_slice %arg13[%mul3A_27] : memref<10240xf32, #tpu.memory_space<vmem_shared>> -> memref<640xf32, #tpu.memory_space<vmem_shared>>
      tpu.enqueue_dma source(%arg11 : memref<640xf32, #tpu.memory_space<vmem>>) target(%dma_start3A_82 : memref<640xf32, #tpu.memory_space<vmem_shared>>) target_semaphore(%run_scoped3A_80 : memref<!tpu.dma_semaphore, #tpu.memory_space<semaphore_mem>>)
      %dma_wait3A_83 = tpu.memref_slice %arg13[%mul3A_27] : memref<10240xf32, #tpu.memory_space<vmem_shared>> -> memref<640xf32, #tpu.memory_space<vmem_shared>>
      %dma_wait3A_84 = tpu.memref_slice %arg13[%mul3A_27] : memref<10240xf32, #tpu.memory_space<vmem_shared>> -> memref<640xf32, #tpu.memory_space<vmem_shared>>
      tpu.wait_dma2 semaphore(%run_scoped3A_80 : memref<!tpu.dma_semaphore, #tpu.memory_space<semaphore_mem>>) src(%arg11 : memref<640xf32, #tpu.memory_space<vmem>>) dst(%dma_wait3A_84 : memref<640xf32, #tpu.memory_space<vmem_shared>>)
      tpu.yield
    }) : () -> ()
    %barrier3A = arith.constant 0 : index
    tpu.barrier barrier_id(%barrier3A)
    %add3A_44 = arith.constant 0 : i32
    %add3A_45 = arith.addi %add3A_8, %add3A_44 : i32
    %run_scoped3A = arith.constant 0 : i32
    "tpu.region"() ({
      %run_scoped3A_80 = tpu.sem_alloc : memref<!tpu.dma_semaphore, #tpu.memory_space<semaphore_mem>>
      %dma_start3A_81 = arith.constant 0 : i32
      %dma_start3A_82 = tpu.memref_slice %arg7[%run_scoped3A, %dma_start3A_81] : memref<125x80xi32, #tpu.memory_space<vmem>> -> memref<1x80xi32, #tpu.memory_space<vmem>>
      %dma_start3A_83 = tpu.memref_squeeze %dma_start3A_82 : memref<1x80xi32, #tpu.memory_space<vmem>> -> memref<80xi32, #tpu.memory_space<vmem>>
      %dma_start3A_84 = tpu.memref_slice %arg3[%add3A_45] : memref<1280000xi32, #tpu.memory_space<hbm>> -> memref<80xi32, #tpu.memory_space<hbm>>
      %dma_start3A_85 = arith.constant 0 : i32
      %dma_start3A_86 = tpu.memref_slice %arg7[%run_scoped3A, %dma_start3A_85] : memref<125x80xi32, #tpu.memory_space<vmem>> -> memref<1x80xi32, #tpu.memory_space<vmem>>
      %dma_start3A_87 = tpu.memref_squeeze %dma_start3A_86 : memref<1x80xi32, #tpu.memory_space<vmem>> -> memref<80xi32, #tpu.memory_space<vmem>>
      %dma_start3A_88 = tpu.memref_slice %arg3[%add3A_45] : memref<1280000xi32, #tpu.memory_space<hbm>> -> memref<80xi32, #tpu.memory_space<hbm>>
      tpu.enqueue_dma source(%dma_start3A_88 : memref<80xi32, #tpu.memory_space<hbm>>) target(%dma_start3A_87 : memref<80xi32, #tpu.memory_space<vmem>>) target_semaphore(%run_scoped3A_80 : memref<!tpu.dma_semaphore, #tpu.memory_space<semaphore_mem>>)
      %dma_wait3A_89 = arith.constant 0 : i32
      %dma_wait3A_90 = tpu.memref_slice %arg7[%run_scoped3A, %dma_wait3A_89] : memref<125x80xi32, #tpu.memory_space<vmem>> -> memref<1x80xi32, #tpu.memory_space<vmem>>
      %dma_wait3A_91 = tpu.memref_squeeze %dma_wait3A_90 : memref<1x80xi32, #tpu.memory_space<vmem>> -> memref<80xi32, #tpu.memory_space<vmem>>
      %dma_wait3A_92 = tpu.memref_slice %arg3[%add3A_45] : memref<1280000xi32, #tpu.memory_space<hbm>> -> memref<80xi32, #tpu.memory_space<hbm>>
      %dma_wait3A_93 = arith.constant 0 : i32
      %dma_wait3A_94 = tpu.memref_slice %arg7[%run_scoped3A, %dma_wait3A_93] : memref<125x80xi32, #tpu.memory_space<vmem>> -> memref<1x80xi32, #tpu.memory_space<vmem>>
      %dma_wait3A_95 = tpu.memref_squeeze %dma_wait3A_94 : memref<1x80xi32, #tpu.memory_space<vmem>> -> memref<80xi32, #tpu.memory_space<vmem>>
      %dma_wait3A_96 = tpu.memref_slice %arg3[%add3A_45] : memref<1280000xi32, #tpu.memory_space<hbm>> -> memref<80xi32, #tpu.memory_space<hbm>>
      tpu.wait_dma2 semaphore(%run_scoped3A_80 : memref<!tpu.dma_semaphore, #tpu.memory_space<semaphore_mem>>) src(%dma_wait3A_96 : memref<80xi32, #tpu.memory_space<hbm>>) dst(%dma_wait3A_95 : memref<80xi32, #tpu.memory_space<vmem>>)
      tpu.yield
    }) : () -> ()
    %add3A_46 = arith.constant 80 : i32
    %add3A_47 = arith.addi %add3A_8, %add3A_46 : i32
    %run_scoped3A_48 = arith.constant 1 : i32
    "tpu.region"() ({
      %run_scoped3A_80 = tpu.sem_alloc : memref<!tpu.dma_semaphore, #tpu.memory_space<semaphore_mem>>
      %dma_start3A_81 = arith.constant 0 : i32
      %dma_start3A_82 = tpu.memref_slice %arg7[%run_scoped3A_48, %dma_start3A_81] : memref<125x80xi32, #tpu.memory_space<vmem>> -> memref<1x80xi32, #tpu.memory_space<vmem>>
      %dma_start3A_83 = tpu.memref_squeeze %dma_start3A_82 : memref<1x80xi32, #tpu.memory_space<vmem>> -> memref<80xi32, #tpu.memory_space<vmem>>
      %dma_start3A_84 = tpu.memref_slice %arg3[%add3A_47] : memref<1280000xi32, #tpu.memory_space<hbm>> -> memref<80xi32, #tpu.memory_space<hbm>>
      %dma_start3A_85 = arith.constant 0 : i32
      %dma_start3A_86 = tpu.memref_slice %arg7[%run_scoped3A_48, %dma_start3A_85] : memref<125x80xi32, #tpu.memory_space<vmem>> -> memref<1x80xi32, #tpu.memory_space<vmem>>
      %dma_start3A_87 = tpu.memref_squeeze %dma_start3A_86 : memref<1x80xi32, #tpu.memory_space<vmem>> -> memref<80xi32, #tpu.memory_space<vmem>>
      %dma_start3A_88 = tpu.memref_slice %arg3[%add3A_47] : memref<1280000xi32, #tpu.memory_space<hbm>> -> memref<80xi32, #tpu.memory_space<hbm>>
      tpu.enqueue_dma source(%dma_start3A_88 : memref<80xi32, #tpu.memory_space<hbm>>) target(%dma_start3A_87 : memref<80xi32, #tpu.memory_space<vmem>>) target_semaphore(%run_scoped3A_80 : memref<!tpu.dma_semaphore, #tpu.memory_space<semaphore_mem>>)
      %dma_wait3A_89 = arith.constant 0 : i32
      %dma_wait3A_90 = tpu.memref_slice %arg7[%run_scoped3A_48, %dma_wait3A_89] : memref<125x80xi32, #tpu.memory_space<vmem>> -> memref<1x80xi32, #tpu.memory_space<vmem>>
      %dma_wait3A_91 = tpu.memref_squeeze %dma_wait3A_90 : memref<1x80xi32, #tpu.memory_space<vmem>> -> memref<80xi32, #tpu.memory_space<vmem>>
      %dma_wait3A_92 = tpu.memref_slice %arg3[%add3A_47] : memref<1280000xi32, #tpu.memory_space<hbm>> -> memref<80xi32, #tpu.memory_space<hbm>>
      %dma_wait3A_93 = arith.constant 0 : i32
      %dma_wait3A_94 = tpu.memref_slice %arg7[%run_scoped3A_48, %dma_wait3A_93] : memref<125x80xi32, #tpu.memory_space<vmem>> -> memref<1x80xi32, #tpu.memory_space<vmem>>
      %dma_wait3A_95 = tpu.memref_squeeze %dma_wait3A_94 : memref<1x80xi32, #tpu.memory_space<vmem>> -> memref<80xi32, #tpu.memory_space<vmem>>
      %dma_wait3A_96 = tpu.memref_slice %arg3[%add3A_47] : memref<1280000xi32, #tpu.memory_space<hbm>> -> memref<80xi32, #tpu.memory_space<hbm>>
      tpu.wait_dma2 semaphore(%run_scoped3A_80 : memref<!tpu.dma_semaphore, #tpu.memory_space<semaphore_mem>>) src(%dma_wait3A_96 : memref<80xi32, #tpu.memory_space<hbm>>) dst(%dma_wait3A_95 : memref<80xi32, #tpu.memory_space<vmem>>)
      tpu.yield
    }) : () -> ()
    %dma_start3A = arith.constant 0 : i32
    %dma_start3A_49 = tpu.memref_slice %arg6[%dma_start3A] : memref<10000xi32, #tpu.memory_space<vmem>> -> memref<80xi32, #tpu.memory_space<vmem>>
    %dma_start3A_50 = arith.constant 0 : i32
    %dma_start3A_51 = arith.constant 0 : i32
    %dma_start3A_52 = tpu.memref_slice %arg2[%dma_start3A_50, %dma_start3A_51] : memref<10000x128xf32, #tpu.memory_space<hbm>> -> memref<10000x128xf32, #tpu.memory_space<hbm>>
    tpu.enqueue_indirect_dma source(%dma_start3A_52 : memref<10000x128xf32, #tpu.memory_space<hbm>>) target(%arg8 : memref<80x128xf32, #tpu.memory_space<vmem>>) offsets(%dma_start3A_49 : memref<80xi32, #tpu.memory_space<vmem>>) semaphore(%arg14 : memref<!tpu.dma_semaphore, #tpu.memory_space<semaphore_mem>>)
    %scan3A_53 = arith.constant 0 : i32
    %scan3A_54 = arith.constant 62 : i32
    %scan3A_55 = arith.addi %scan3A_53, %scan3A_54 : i32
    %scan3A_56 = arith.constant 1 : i32
    scf.for %scan3A_80 = %scan3A_53 to %scan3A_55 step %scan3A_56  : i32 {
      %mul3A_81 = arith.constant 2 : i32
      %mul3A_82 = arith.muli %scan3A_80, %mul3A_81 : i32
      %add3A_83 = arith.constant 0 : i32
      %add3A_84 = arith.addi %add3A_83, %mul3A_82 : i32
      %add3A_85 = arith.constant 1 : i32
      %add3A_86 = arith.addi %add3A_84, %add3A_85 : i32
      %mul3A_87 = arith.constant 80 : i32
      %mul3A_88 = arith.muli %add3A_86, %mul3A_87 : i32
      %dma_start3A_89 = tpu.memref_slice %arg6[%mul3A_88] : memref<10000xi32, #tpu.memory_space<vmem>> -> memref<80xi32, #tpu.memory_space<vmem>>
      %dma_start3A_90 = arith.constant 0 : i32
      %dma_start3A_91 = arith.constant 0 : i32
      %dma_start3A_92 = tpu.memref_slice %arg2[%dma_start3A_90, %dma_start3A_91] : memref<10000x128xf32, #tpu.memory_space<hbm>> -> memref<10000x128xf32, #tpu.memory_space<hbm>>
      tpu.enqueue_indirect_dma source(%dma_start3A_92 : memref<10000x128xf32, #tpu.memory_space<hbm>>) target(%arg9 : memref<80x128xf32, #tpu.memory_space<vmem>>) offsets(%dma_start3A_89 : memref<80xi32, #tpu.memory_space<vmem>>) semaphore(%arg15 : memref<!tpu.dma_semaphore, #tpu.memory_space<semaphore_mem>>)
      %add3A_93 = arith.constant 2 : i32
      %add3A_94 = arith.addi %add3A_84, %add3A_93 : i32
      %mul3A_95 = arith.constant 80 : i32
      %mul3A_96 = arith.muli %add3A_94, %mul3A_95 : i32
      %add3A_97 = arith.addi %add3A_8, %mul3A_96 : i32
      %add3A_98 = arith.constant 2 : i32
      %add3A_99 = arith.addi %add3A_84, %add3A_98 : i32
      %dma_start3A_100 = arith.constant 0 : i32
      %dma_start3A_101 = tpu.memref_slice %arg7[%add3A_99, %dma_start3A_100] : memref<125x80xi32, #tpu.memory_space<vmem>> -> memref<1x80xi32, #tpu.memory_space<vmem>>
      %dma_start3A_102 = tpu.memref_squeeze %dma_start3A_101 : memref<1x80xi32, #tpu.memory_space<vmem>> -> memref<80xi32, #tpu.memory_space<vmem>>
      %dma_start3A_103 = tpu.memref_slice %arg3[%add3A_97] : memref<1280000xi32, #tpu.memory_space<hbm>> -> memref<80xi32, #tpu.memory_space<hbm>>
      %dma_start3A_104 = arith.constant 0 : i32
      %dma_start3A_105 = tpu.memref_slice %arg7[%add3A_99, %dma_start3A_104] : memref<125x80xi32, #tpu.memory_space<vmem>> -> memref<1x80xi32, #tpu.memory_space<vmem>>
      %dma_start3A_106 = tpu.memref_squeeze %dma_start3A_105 : memref<1x80xi32, #tpu.memory_space<vmem>> -> memref<80xi32, #tpu.memory_space<vmem>>
      %dma_start3A_107 = tpu.memref_slice %arg3[%add3A_97] : memref<1280000xi32, #tpu.memory_space<hbm>> -> memref<80xi32, #tpu.memory_space<hbm>>
      tpu.enqueue_dma source(%dma_start3A_107 : memref<80xi32, #tpu.memory_space<hbm>>) target(%dma_start3A_106 : memref<80xi32, #tpu.memory_space<vmem>>) target_semaphore(%arg16 : memref<!tpu.dma_semaphore, #tpu.memory_space<semaphore_mem>>)
      %mul3A_108 = arith.constant 80 : i32
      %mul3A_109 = arith.muli %add3A_84, %mul3A_108 : i32
      %dma_wait3A_110 = tpu.memref_slice %arg6[%mul3A_109] : memref<10000xi32, #tpu.memory_space<vmem>> -> memref<80xi32, #tpu.memory_space<vmem>>
      %dma_wait3A_111 = arith.constant 0 : i32
      %dma_wait3A_112 = arith.constant 0 : i32
      %dma_wait3A_113 = tpu.memref_slice %arg2[%dma_wait3A_111, %dma_wait3A_112] : memref<10000x128xf32, #tpu.memory_space<hbm>> -> memref<10000x128xf32, #tpu.memory_space<hbm>>
      tpu.wait_indirect_dma semaphore(%arg14 : memref<!tpu.dma_semaphore, #tpu.memory_space<semaphore_mem>>) src(%dma_wait3A_113 : memref<10000x128xf32, #tpu.memory_space<hbm>>) dst(%arg8 : memref<80x128xf32, #tpu.memory_space<vmem>>)
      "tpu.region"() ({
        %run_scoped3A_170 = tpu.sem_alloc : memref<!tpu.dma_semaphore, #tpu.memory_space<semaphore_mem>>
        %dma_start3A_171 = arith.constant 0 : i32
        %dma_start3A_172 = tpu.memref_slice %arg7[%add3A_84, %dma_start3A_171] : memref<125x80xi32, #tpu.memory_space<vmem>> -> memref<1x80xi32, #tpu.memory_space<vmem>>
        %dma_start3A_173 = tpu.memref_squeeze %dma_start3A_172 : memref<1x80xi32, #tpu.memory_space<vmem>> -> memref<80xi32, #tpu.memory_space<vmem>>
        %dma_start3A_174 = arith.constant 0 : i32
        %dma_start3A_175 = arith.constant 0 : i32
        %dma_start3A_176 = tpu.memref_slice %arg12[%dma_start3A_174, %dma_start3A_175] : memref<10240x128xf32, #tpu.memory_space<vmem_shared>> -> memref<10240x128xf32, #tpu.memory_space<vmem_shared>>
        tpu.enqueue_indirect_dma source(%arg8 : memref<80x128xf32, #tpu.memory_space<vmem>>) target(%dma_start3A_176 : memref<10240x128xf32, #tpu.memory_space<vmem_shared>>) offsets(%dma_start3A_173 : memref<80xi32, #tpu.memory_space<vmem>>) semaphore(%run_scoped3A_170 : memref<!tpu.dma_semaphore, #tpu.memory_space<semaphore_mem>>) {add = true}
        %dma_wait3A_177 = arith.constant 0 : i32
        %dma_wait3A_178 = tpu.memref_slice %arg7[%add3A_84, %dma_wait3A_177] : memref<125x80xi32, #tpu.memory_space<vmem>> -> memref<1x80xi32, #tpu.memory_space<vmem>>
        %dma_wait3A_179 = tpu.memref_squeeze %dma_wait3A_178 : memref<1x80xi32, #tpu.memory_space<vmem>> -> memref<80xi32, #tpu.memory_space<vmem>>
        %dma_wait3A_180 = arith.constant 0 : i32
        %dma_wait3A_181 = arith.constant 0 : i32
        %dma_wait3A_182 = tpu.memref_slice %arg12[%dma_wait3A_180, %dma_wait3A_181] : memref<10240x128xf32, #tpu.memory_space<vmem_shared>> -> memref<10240x128xf32, #tpu.memory_space<vmem_shared>>
        tpu.wait_indirect_dma semaphore(%run_scoped3A_170 : memref<!tpu.dma_semaphore, #tpu.memory_space<semaphore_mem>>) src(%arg8 : memref<80x128xf32, #tpu.memory_space<vmem>>) dst(%dma_wait3A_182 : memref<10240x128xf32, #tpu.memory_space<vmem_shared>>)
        tpu.yield
      }) : () -> ()
      %add3A_114 = arith.constant 2 : i32
      %add3A_115 = arith.addi %add3A_84, %add3A_114 : i32
      %mul3A_116 = arith.constant 80 : i32
      %mul3A_117 = arith.muli %add3A_115, %mul3A_116 : i32
      %dma_start3A_118 = tpu.memref_slice %arg6[%mul3A_117] : memref<10000xi32, #tpu.memory_space<vmem>> -> memref<80xi32, #tpu.memory_space<vmem>>
      %dma_start3A_119 = arith.constant 0 : i32
      %dma_start3A_120 = arith.constant 0 : i32
      %dma_start3A_121 = tpu.memref_slice %arg2[%dma_start3A_119, %dma_start3A_120] : memref<10000x128xf32, #tpu.memory_space<hbm>> -> memref<10000x128xf32, #tpu.memory_space<hbm>>
      tpu.enqueue_indirect_dma source(%dma_start3A_121 : memref<10000x128xf32, #tpu.memory_space<hbm>>) target(%arg8 : memref<80x128xf32, #tpu.memory_space<vmem>>) offsets(%dma_start3A_118 : memref<80xi32, #tpu.memory_space<vmem>>) semaphore(%arg14 : memref<!tpu.dma_semaphore, #tpu.memory_space<semaphore_mem>>)
      %dma_start3A_122 = arith.constant 0 : i32
      %dma_start3A_123 = tpu.memref_slice %arg7[%add3A_84, %dma_start3A_122] : memref<125x80xi32, #tpu.memory_space<vmem>> -> memref<1x80xi32, #tpu.memory_space<vmem>>
      %dma_start3A_124 = tpu.memref_squeeze %dma_start3A_123 : memref<1x80xi32, #tpu.memory_space<vmem>> -> memref<80xi32, #tpu.memory_space<vmem>>
      %dma_start3A_125 = arith.constant 0 : i32
      %dma_start3A_126 = tpu.memref_slice %arg13[%dma_start3A_125] : memref<10240xf32, #tpu.memory_space<vmem_shared>> -> memref<10240xf32, #tpu.memory_space<vmem_shared>>
      tpu.enqueue_indirect_dma source(%arg10 : memref<80xf32, #tpu.memory_space<vmem>>) target(%dma_start3A_126 : memref<10240xf32, #tpu.memory_space<vmem_shared>>) offsets(%dma_start3A_124 : memref<80xi32, #tpu.memory_space<vmem>>) semaphore(%arg17 : memref<!tpu.dma_semaphore, #tpu.memory_space<semaphore_mem>>) {add = true}
      %add3A_127 = arith.constant 3 : i32
      %add3A_128 = arith.addi %add3A_84, %add3A_127 : i32
      %lt3A = arith.constant 125 : i32
      %lt3A_129 = arith.cmpi slt, %add3A_128, %lt3A : i32
      %convert_element_type3A = arith.extui %lt3A_129 : i1 to i32
      %cond3A = arith.constant 0 : i32
      %cond3A_130 = arith.cmpi ne, %convert_element_type3A, %cond3A : i32
      scf.if %cond3A_130 {
        %add3A_170 = arith.constant 3 : i32
        %add3A_171 = arith.addi %add3A_84, %add3A_170 : i32
        %mul3A_172 = arith.constant 80 : i32
        %mul3A_173 = arith.muli %add3A_171, %mul3A_172 : i32
        %add3A_174 = arith.addi %add3A_8, %mul3A_173 : i32
        %add3A_175 = arith.constant 3 : i32
        %add3A_176 = arith.addi %add3A_84, %add3A_175 : i32
        %dma_start3A_177 = arith.constant 0 : i32
        %dma_start3A_178 = tpu.memref_slice %arg7[%add3A_176, %dma_start3A_177] : memref<125x80xi32, #tpu.memory_space<vmem>> -> memref<1x80xi32, #tpu.memory_space<vmem>>
        %dma_start3A_179 = tpu.memref_squeeze %dma_start3A_178 : memref<1x80xi32, #tpu.memory_space<vmem>> -> memref<80xi32, #tpu.memory_space<vmem>>
        %dma_start3A_180 = tpu.memref_slice %arg3[%add3A_174] : memref<1280000xi32, #tpu.memory_space<hbm>> -> memref<80xi32, #tpu.memory_space<hbm>>
        %dma_start3A_181 = arith.constant 0 : i32
        %dma_start3A_182 = tpu.memref_slice %arg7[%add3A_176, %dma_start3A_181] : memref<125x80xi32, #tpu.memory_space<vmem>> -> memref<1x80xi32, #tpu.memory_space<vmem>>
        %dma_start3A_183 = tpu.memref_squeeze %dma_start3A_182 : memref<1x80xi32, #tpu.memory_space<vmem>> -> memref<80xi32, #tpu.memory_space<vmem>>
        %dma_start3A_184 = tpu.memref_slice %arg3[%add3A_174] : memref<1280000xi32, #tpu.memory_space<hbm>> -> memref<80xi32, #tpu.memory_space<hbm>>
        tpu.enqueue_dma source(%dma_start3A_184 : memref<80xi32, #tpu.memory_space<hbm>>) target(%dma_start3A_183 : memref<80xi32, #tpu.memory_space<vmem>>) target_semaphore(%arg16 : memref<!tpu.dma_semaphore, #tpu.memory_space<semaphore_mem>>)
      } else {
      }
      %dma_wait3A_131 = tpu.memref_slice %arg6[%mul3A_88] : memref<10000xi32, #tpu.memory_space<vmem>> -> memref<80xi32, #tpu.memory_space<vmem>>
      %dma_wait3A_132 = arith.constant 0 : i32
      %dma_wait3A_133 = arith.constant 0 : i32
      %dma_wait3A_134 = tpu.memref_slice %arg2[%dma_wait3A_132, %dma_wait3A_133] : memref<10000x128xf32, #tpu.memory_space<hbm>> -> memref<10000x128xf32, #tpu.memory_space<hbm>>
      tpu.wait_indirect_dma semaphore(%arg15 : memref<!tpu.dma_semaphore, #tpu.memory_space<semaphore_mem>>) src(%dma_wait3A_134 : memref<10000x128xf32, #tpu.memory_space<hbm>>) dst(%arg9 : memref<80x128xf32, #tpu.memory_space<vmem>>)
      %add3A_135 = arith.constant 1 : i32
      %add3A_136 = arith.addi %add3A_84, %add3A_135 : i32
      "tpu.region"() ({
        %run_scoped3A_170 = tpu.sem_alloc : memref<!tpu.dma_semaphore, #tpu.memory_space<semaphore_mem>>
        %dma_start3A_171 = arith.constant 0 : i32
        %dma_start3A_172 = tpu.memref_slice %arg7[%add3A_136, %dma_start3A_171] : memref<125x80xi32, #tpu.memory_space<vmem>> -> memref<1x80xi32, #tpu.memory_space<vmem>>
        %dma_start3A_173 = tpu.memref_squeeze %dma_start3A_172 : memref<1x80xi32, #tpu.memory_space<vmem>> -> memref<80xi32, #tpu.memory_space<vmem>>
        %dma_start3A_174 = arith.constant 0 : i32
        %dma_start3A_175 = arith.constant 0 : i32
        %dma_start3A_176 = tpu.memref_slice %arg12[%dma_start3A_174, %dma_start3A_175] : memref<10240x128xf32, #tpu.memory_space<vmem_shared>> -> memref<10240x128xf32, #tpu.memory_space<vmem_shared>>
        tpu.enqueue_indirect_dma source(%arg9 : memref<80x128xf32, #tpu.memory_space<vmem>>) target(%dma_start3A_176 : memref<10240x128xf32, #tpu.memory_space<vmem_shared>>) offsets(%dma_start3A_173 : memref<80xi32, #tpu.memory_space<vmem>>) semaphore(%run_scoped3A_170 : memref<!tpu.dma_semaphore, #tpu.memory_space<semaphore_mem>>) {add = true}
        %dma_wait3A_177 = arith.constant 0 : i32
        %dma_wait3A_178 = tpu.memref_slice %arg7[%add3A_136, %dma_wait3A_177] : memref<125x80xi32, #tpu.memory_space<vmem>> -> memref<1x80xi32, #tpu.memory_space<vmem>>
        %dma_wait3A_179 = tpu.memref_squeeze %dma_wait3A_178 : memref<1x80xi32, #tpu.memory_space<vmem>> -> memref<80xi32, #tpu.memory_space<vmem>>
        %dma_wait3A_180 = arith.constant 0 : i32
        %dma_wait3A_181 = arith.constant 0 : i32
        %dma_wait3A_182 = tpu.memref_slice %arg12[%dma_wait3A_180, %dma_wait3A_181] : memref<10240x128xf32, #tpu.memory_space<vmem_shared>> -> memref<10240x128xf32, #tpu.memory_space<vmem_shared>>
        tpu.wait_indirect_dma semaphore(%run_scoped3A_170 : memref<!tpu.dma_semaphore, #tpu.memory_space<semaphore_mem>>) src(%arg9 : memref<80x128xf32, #tpu.memory_space<vmem>>) dst(%dma_wait3A_182 : memref<10240x128xf32, #tpu.memory_space<vmem_shared>>)
        tpu.yield
      }) : () -> ()
      %add3A_137 = arith.constant 1 : i32
      %add3A_138 = arith.addi %add3A_84, %add3A_137 : i32
      %dma_start3A_139 = arith.constant 0 : i32
      %dma_start3A_140 = tpu.memref_slice %arg7[%add3A_138, %dma_start3A_139] : memref<125x80xi32, #tpu.memory_space<vmem>> -> memref<1x80xi32, #tpu.memory_space<vmem>>
      %dma_start3A_141 = tpu.memref_squeeze %dma_start3A_140 : memref<1x80xi32, #tpu.memory_space<vmem>> -> memref<80xi32, #tpu.memory_space<vmem>>
      %dma_start3A_142 = arith.constant 0 : i32
      %dma_start3A_143 = tpu.memref_slice %arg13[%dma_start3A_142] : memref<10240xf32, #tpu.memory_space<vmem_shared>> -> memref<10240xf32, #tpu.memory_space<vmem_shared>>
      tpu.enqueue_indirect_dma source(%arg10 : memref<80xf32, #tpu.memory_space<vmem>>) target(%dma_start3A_143 : memref<10240xf32, #tpu.memory_space<vmem_shared>>) offsets(%dma_start3A_141 : memref<80xi32, #tpu.memory_space<vmem>>) semaphore(%arg17 : memref<!tpu.dma_semaphore, #tpu.memory_space<semaphore_mem>>) {add = true}
      %gt3A = arith.constant 0 : i32
      %gt3A_144 = arith.cmpi sgt, %add3A_84, %gt3A : i32
      %convert_element_type3A_145 = arith.extui %gt3A_144 : i1 to i32
      %cond3A_146 = arith.constant 0 : i32
      %cond3A_147 = arith.cmpi ne, %convert_element_type3A_145, %cond3A_146 : i32
      scf.if %cond3A_147 {
        %sub3A = arith.constant 2 : i32
        %sub3A_170 = arith.subi %add3A_84, %sub3A : i32
        %dma_wait3A_171 = arith.constant 0 : i32
        %dma_wait3A_172 = tpu.memref_slice %arg7[%sub3A_170, %dma_wait3A_171] : memref<125x80xi32, #tpu.memory_space<vmem>> -> memref<1x80xi32, #tpu.memory_space<vmem>>
        %dma_wait3A_173 = tpu.memref_squeeze %dma_wait3A_172 : memref<1x80xi32, #tpu.memory_space<vmem>> -> memref<80xi32, #tpu.memory_space<vmem>>
        %dma_wait3A_174 = arith.constant 0 : i32
        %dma_wait3A_175 = tpu.memref_slice %arg13[%dma_wait3A_174] : memref<10240xf32, #tpu.memory_space<vmem_shared>> -> memref<10240xf32, #tpu.memory_space<vmem_shared>>
        tpu.wait_indirect_dma semaphore(%arg17 : memref<!tpu.dma_semaphore, #tpu.memory_space<semaphore_mem>>) src(%arg10 : memref<80xf32, #tpu.memory_space<vmem>>) dst(%dma_wait3A_175 : memref<10240xf32, #tpu.memory_space<vmem_shared>>)
        %sub3A_176 = arith.constant 1 : i32
        %sub3A_177 = arith.subi %add3A_84, %sub3A_176 : i32
        %dma_wait3A_178 = arith.constant 0 : i32
        %dma_wait3A_179 = tpu.memref_slice %arg7[%sub3A_177, %dma_wait3A_178] : memref<125x80xi32, #tpu.memory_space<vmem>> -> memref<1x80xi32, #tpu.memory_space<vmem>>
        %dma_wait3A_180 = tpu.memref_squeeze %dma_wait3A_179 : memref<1x80xi32, #tpu.memory_space<vmem>> -> memref<80xi32, #tpu.memory_space<vmem>>
        %dma_wait3A_181 = arith.constant 0 : i32
        %dma_wait3A_182 = tpu.memref_slice %arg13[%dma_wait3A_181] : memref<10240xf32, #tpu.memory_space<vmem_shared>> -> memref<10240xf32, #tpu.memory_space<vmem_shared>>
        tpu.wait_indirect_dma semaphore(%arg17 : memref<!tpu.dma_semaphore, #tpu.memory_space<semaphore_mem>>) src(%arg10 : memref<80xf32, #tpu.memory_space<vmem>>) dst(%dma_wait3A_182 : memref<10240xf32, #tpu.memory_space<vmem_shared>>)
      } else {
      }
      %add3A_148 = arith.constant 2 : i32
      %add3A_149 = arith.addi %add3A_84, %add3A_148 : i32
      %mul3A_150 = arith.constant 80 : i32
      %mul3A_151 = arith.muli %add3A_149, %mul3A_150 : i32
      %add3A_152 = arith.addi %add3A_8, %mul3A_151 : i32
      %add3A_153 = arith.constant 2 : i32
      %add3A_154 = arith.addi %add3A_84, %add3A_153 : i32
      %dma_wait3A_155 = arith.constant 0 : i32
      %dma_wait3A_156 = tpu.memref_slice %arg7[%add3A_154, %dma_wait3A_155] : memref<125x80xi32, #tpu.memory_space<vmem>> -> memref<1x80xi32, #tpu.memory_space<vmem>>
      %dma_wait3A_157 = tpu.memref_squeeze %dma_wait3A_156 : memref<1x80xi32, #tpu.memory_space<vmem>> -> memref<80xi32, #tpu.memory_space<vmem>>
      %dma_wait3A_158 = tpu.memref_slice %arg3[%add3A_152] : memref<1280000xi32, #tpu.memory_space<hbm>> -> memref<80xi32, #tpu.memory_space<hbm>>
      %dma_wait3A_159 = arith.constant 0 : i32
      %dma_wait3A_160 = tpu.memref_slice %arg7[%add3A_154, %dma_wait3A_159] : memref<125x80xi32, #tpu.memory_space<vmem>> -> memref<1x80xi32, #tpu.memory_space<vmem>>
      %dma_wait3A_161 = tpu.memref_squeeze %dma_wait3A_160 : memref<1x80xi32, #tpu.memory_space<vmem>> -> memref<80xi32, #tpu.memory_space<vmem>>
      %dma_wait3A_162 = tpu.memref_slice %arg3[%add3A_152] : memref<1280000xi32, #tpu.memory_space<hbm>> -> memref<80xi32, #tpu.memory_space<hbm>>
      tpu.wait_dma2 semaphore(%arg16 : memref<!tpu.dma_semaphore, #tpu.memory_space<semaphore_mem>>) src(%dma_wait3A_162 : memref<80xi32, #tpu.memory_space<hbm>>) dst(%dma_wait3A_161 : memref<80xi32, #tpu.memory_space<vmem>>)
      %add3A_163 = arith.constant 3 : i32
      %add3A_164 = arith.addi %add3A_84, %add3A_163 : i32
      %lt3A_165 = arith.constant 125 : i32
      %lt3A_166 = arith.cmpi slt, %add3A_164, %lt3A_165 : i32
      %convert_element_type3A_167 = arith.extui %lt3A_166 : i1 to i32
      %cond3A_168 = arith.constant 0 : i32
      %cond3A_169 = arith.cmpi ne, %convert_element_type3A_167, %cond3A_168 : i32
      scf.if %cond3A_169 {
        %add3A_170 = arith.constant 3 : i32
        %add3A_171 = arith.addi %add3A_84, %add3A_170 : i32
        %mul3A_172 = arith.constant 80 : i32
        %mul3A_173 = arith.muli %add3A_171, %mul3A_172 : i32
        %add3A_174 = arith.addi %add3A_8, %mul3A_173 : i32
        %add3A_175 = arith.constant 3 : i32
        %add3A_176 = arith.addi %add3A_84, %add3A_175 : i32
        %dma_wait3A_177 = arith.constant 0 : i32
        %dma_wait3A_178 = tpu.memref_slice %arg7[%add3A_176, %dma_wait3A_177] : memref<125x80xi32, #tpu.memory_space<vmem>> -> memref<1x80xi32, #tpu.memory_space<vmem>>
        %dma_wait3A_179 = tpu.memref_squeeze %dma_wait3A_178 : memref<1x80xi32, #tpu.memory_space<vmem>> -> memref<80xi32, #tpu.memory_space<vmem>>
        %dma_wait3A_180 = tpu.memref_slice %arg3[%add3A_174] : memref<1280000xi32, #tpu.memory_space<hbm>> -> memref<80xi32, #tpu.memory_space<hbm>>
        %dma_wait3A_181 = arith.constant 0 : i32
        %dma_wait3A_182 = tpu.memref_slice %arg7[%add3A_176, %dma_wait3A_181] : memref<125x80xi32, #tpu.memory_space<vmem>> -> memref<1x80xi32, #tpu.memory_space<vmem>>
        %dma_wait3A_183 = tpu.memref_squeeze %dma_wait3A_182 : memref<1x80xi32, #tpu.memory_space<vmem>> -> memref<80xi32, #tpu.memory_space<vmem>>
        %dma_wait3A_184 = tpu.memref_slice %arg3[%add3A_174] : memref<1280000xi32, #tpu.memory_space<hbm>> -> memref<80xi32, #tpu.memory_space<hbm>>
        tpu.wait_dma2 semaphore(%arg16 : memref<!tpu.dma_semaphore, #tpu.memory_space<semaphore_mem>>) src(%dma_wait3A_184 : memref<80xi32, #tpu.memory_space<hbm>>) dst(%dma_wait3A_183 : memref<80xi32, #tpu.memory_space<vmem>>)
      } else {
      }
    }
    %scan3A_57 = arith.constant 62 : i32
    %dma_wait3A = arith.constant 9920 : i32
    %dma_wait3A_58 = tpu.memref_slice %arg6[%dma_wait3A] : memref<10000xi32, #tpu.memory_space<vmem>> -> memref<80xi32, #tpu.memory_space<vmem>>
    %dma_wait3A_59 = arith.constant 0 : i32
    %dma_wait3A_60 = arith.constant 0 : i32
    %dma_wait3A_61 = tpu.memref_slice %arg2[%dma_wait3A_59, %dma_wait3A_60] : memref<10000x128xf32, #tpu.memory_space<hbm>> -> memref<10000x128xf32, #tpu.memory_space<hbm>>
    tpu.wait_indirect_dma semaphore(%arg14 : memref<!tpu.dma_semaphore, #tpu.memory_space<semaphore_mem>>) src(%dma_wait3A_61 : memref<10000x128xf32, #tpu.memory_space<hbm>>) dst(%arg8 : memref<80x128xf32, #tpu.memory_space<vmem>>)
    %run_scoped3A_62 = arith.constant 124 : i32
    "tpu.region"() ({
      %run_scoped3A_80 = tpu.sem_alloc : memref<!tpu.dma_semaphore, #tpu.memory_space<semaphore_mem>>
      %dma_start3A_81 = arith.constant 0 : i32
      %dma_start3A_82 = tpu.memref_slice %arg7[%run_scoped3A_62, %dma_start3A_81] : memref<125x80xi32, #tpu.memory_space<vmem>> -> memref<1x80xi32, #tpu.memory_space<vmem>>
      %dma_start3A_83 = tpu.memref_squeeze %dma_start3A_82 : memref<1x80xi32, #tpu.memory_space<vmem>> -> memref<80xi32, #tpu.memory_space<vmem>>
      %dma_start3A_84 = arith.constant 0 : i32
      %dma_start3A_85 = arith.constant 0 : i32
      %dma_start3A_86 = tpu.memref_slice %arg12[%dma_start3A_84, %dma_start3A_85] : memref<10240x128xf32, #tpu.memory_space<vmem_shared>> -> memref<10240x128xf32, #tpu.memory_space<vmem_shared>>
      tpu.enqueue_indirect_dma source(%arg8 : memref<80x128xf32, #tpu.memory_space<vmem>>) target(%dma_start3A_86 : memref<10240x128xf32, #tpu.memory_space<vmem_shared>>) offsets(%dma_start3A_83 : memref<80xi32, #tpu.memory_space<vmem>>) semaphore(%run_scoped3A_80 : memref<!tpu.dma_semaphore, #tpu.memory_space<semaphore_mem>>) {add = true}
      %dma_wait3A_87 = arith.constant 0 : i32
      %dma_wait3A_88 = tpu.memref_slice %arg7[%run_scoped3A_62, %dma_wait3A_87] : memref<125x80xi32, #tpu.memory_space<vmem>> -> memref<1x80xi32, #tpu.memory_space<vmem>>
      %dma_wait3A_89 = tpu.memref_squeeze %dma_wait3A_88 : memref<1x80xi32, #tpu.memory_space<vmem>> -> memref<80xi32, #tpu.memory_space<vmem>>
      %dma_wait3A_90 = arith.constant 0 : i32
      %dma_wait3A_91 = arith.constant 0 : i32
      %dma_wait3A_92 = tpu.memref_slice %arg12[%dma_wait3A_90, %dma_wait3A_91] : memref<10240x128xf32, #tpu.memory_space<vmem_shared>> -> memref<10240x128xf32, #tpu.memory_space<vmem_shared>>
      tpu.wait_indirect_dma semaphore(%run_scoped3A_80 : memref<!tpu.dma_semaphore, #tpu.memory_space<semaphore_mem>>) src(%arg8 : memref<80x128xf32, #tpu.memory_space<vmem>>) dst(%dma_wait3A_92 : memref<10240x128xf32, #tpu.memory_space<vmem_shared>>)
      tpu.yield
    }) : () -> ()
    %run_scoped3A_63 = arith.constant 124 : i32
    "tpu.region"() ({
      %run_scoped3A_80 = tpu.sem_alloc : memref<!tpu.dma_semaphore, #tpu.memory_space<semaphore_mem>>
      %dma_start3A_81 = arith.constant 0 : i32
      %dma_start3A_82 = tpu.memref_slice %arg7[%run_scoped3A_63, %dma_start3A_81] : memref<125x80xi32, #tpu.memory_space<vmem>> -> memref<1x80xi32, #tpu.memory_space<vmem>>
      %dma_start3A_83 = tpu.memref_squeeze %dma_start3A_82 : memref<1x80xi32, #tpu.memory_space<vmem>> -> memref<80xi32, #tpu.memory_space<vmem>>
      %dma_start3A_84 = arith.constant 0 : i32
      %dma_start3A_85 = tpu.memref_slice %arg13[%dma_start3A_84] : memref<10240xf32, #tpu.memory_space<vmem_shared>> -> memref<10240xf32, #tpu.memory_space<vmem_shared>>
      tpu.enqueue_indirect_dma source(%arg10 : memref<80xf32, #tpu.memory_space<vmem>>) target(%dma_start3A_85 : memref<10240xf32, #tpu.memory_space<vmem_shared>>) offsets(%dma_start3A_83 : memref<80xi32, #tpu.memory_space<vmem>>) semaphore(%run_scoped3A_80 : memref<!tpu.dma_semaphore, #tpu.memory_space<semaphore_mem>>) {add = true}
      %dma_wait3A_86 = arith.constant 0 : i32
      %dma_wait3A_87 = tpu.memref_slice %arg7[%run_scoped3A_63, %dma_wait3A_86] : memref<125x80xi32, #tpu.memory_space<vmem>> -> memref<1x80xi32, #tpu.memory_space<vmem>>
      %dma_wait3A_88 = tpu.memref_squeeze %dma_wait3A_87 : memref<1x80xi32, #tpu.memory_space<vmem>> -> memref<80xi32, #tpu.memory_space<vmem>>
      %dma_wait3A_89 = arith.constant 0 : i32
      %dma_wait3A_90 = tpu.memref_slice %arg13[%dma_wait3A_89] : memref<10240xf32, #tpu.memory_space<vmem_shared>> -> memref<10240xf32, #tpu.memory_space<vmem_shared>>
      tpu.wait_indirect_dma semaphore(%run_scoped3A_80 : memref<!tpu.dma_semaphore, #tpu.memory_space<semaphore_mem>>) src(%arg10 : memref<80xf32, #tpu.memory_space<vmem>>) dst(%dma_wait3A_90 : memref<10240xf32, #tpu.memory_space<vmem_shared>>)
      tpu.yield
    }) : () -> ()
    %dma_wait3A_64 = arith.constant 122 : i32
    %dma_wait3A_65 = arith.constant 0 : i32
    %dma_wait3A_66 = tpu.memref_slice %arg7[%dma_wait3A_64, %dma_wait3A_65] : memref<125x80xi32, #tpu.memory_space<vmem>> -> memref<1x80xi32, #tpu.memory_space<vmem>>
    %dma_wait3A_67 = tpu.memref_squeeze %dma_wait3A_66 : memref<1x80xi32, #tpu.memory_space<vmem>> -> memref<80xi32, #tpu.memory_space<vmem>>
    %dma_wait3A_68 = arith.constant 0 : i32
    %dma_wait3A_69 = tpu.memref_slice %arg13[%dma_wait3A_68] : memref<10240xf32, #tpu.memory_space<vmem_shared>> -> memref<10240xf32, #tpu.memory_space<vmem_shared>>
    tpu.wait_indirect_dma semaphore(%arg17 : memref<!tpu.dma_semaphore, #tpu.memory_space<semaphore_mem>>) src(%arg10 : memref<80xf32, #tpu.memory_space<vmem>>) dst(%dma_wait3A_69 : memref<10240xf32, #tpu.memory_space<vmem_shared>>)
    %dma_wait3A_70 = arith.constant 123 : i32
    %dma_wait3A_71 = arith.constant 0 : i32
    %dma_wait3A_72 = tpu.memref_slice %arg7[%dma_wait3A_70, %dma_wait3A_71] : memref<125x80xi32, #tpu.memory_space<vmem>> -> memref<1x80xi32, #tpu.memory_space<vmem>>
    %dma_wait3A_73 = tpu.memref_squeeze %dma_wait3A_72 : memref<1x80xi32, #tpu.memory_space<vmem>> -> memref<80xi32, #tpu.memory_space<vmem>>
    %dma_wait3A_74 = arith.constant 0 : i32
    %dma_wait3A_75 = tpu.memref_slice %arg13[%dma_wait3A_74] : memref<10240xf32, #tpu.memory_space<vmem_shared>> -> memref<10240xf32, #tpu.memory_space<vmem_shared>>
    tpu.wait_indirect_dma semaphore(%arg17 : memref<!tpu.dma_semaphore, #tpu.memory_space<semaphore_mem>>) src(%arg10 : memref<80xf32, #tpu.memory_space<vmem>>) dst(%dma_wait3A_75 : memref<10240xf32, #tpu.memory_space<vmem_shared>>)
    %barrier3A_76 = arith.constant 0 : index
    tpu.barrier barrier_id(%barrier3A_76)
    %mul3A_77 = arith.constant 10240 : i32
    %mul3A_78 = arith.muli %arg0, %mul3A_77 : i32
    %add3A_79 = arith.addi %mul3A_78, %mul3A_27 : i32
    "tpu.region"() ({
      %run_scoped3A_80 = tpu.sem_alloc : memref<!tpu.dma_semaphore, #tpu.memory_space<semaphore_mem>>
      %dma_start3A_81 = arith.constant 0 : i32
      %dma_start3A_82 = tpu.memref_slice %arg4[%add3A_79, %dma_start3A_81] : memref<20480x128xf32, #tpu.memory_space<hbm>> -> memref<640x128xf32, #tpu.memory_space<hbm>>
      %dma_start3A_83 = arith.constant 0 : i32
      %dma_start3A_84 = tpu.memref_slice %arg12[%mul3A_27, %dma_start3A_83] : memref<10240x128xf32, #tpu.memory_space<vmem_shared>> -> memref<640x128xf32, #tpu.memory_space<vmem_shared>>
      tpu.enqueue_dma source(%dma_start3A_84 : memref<640x128xf32, #tpu.memory_space<vmem_shared>>) target(%dma_start3A_82 : memref<640x128xf32, #tpu.memory_space<hbm>>) target_semaphore(%run_scoped3A_80 : memref<!tpu.dma_semaphore, #tpu.memory_space<semaphore_mem>>)
      %dma_wait3A_85 = arith.constant 0 : i32
      %dma_wait3A_86 = tpu.memref_slice %arg4[%add3A_79, %dma_wait3A_85] : memref<20480x128xf32, #tpu.memory_space<hbm>> -> memref<640x128xf32, #tpu.memory_space<hbm>>
      %dma_wait3A_87 = arith.constant 0 : i32
      %dma_wait3A_88 = tpu.memref_slice %arg12[%mul3A_27, %dma_wait3A_87] : memref<10240x128xf32, #tpu.memory_space<vmem_shared>> -> memref<640x128xf32, #tpu.memory_space<vmem_shared>>
      tpu.wait_dma2 semaphore(%run_scoped3A_80 : memref<!tpu.dma_semaphore, #tpu.memory_space<semaphore_mem>>) src(%dma_wait3A_88 : memref<640x128xf32, #tpu.memory_space<vmem_shared>>) dst(%dma_wait3A_86 : memref<640x128xf32, #tpu.memory_space<hbm>>)
      tpu.yield
    }) : () -> ()
    "tpu.region"() ({
      %run_scoped3A_80 = tpu.sem_alloc : memref<!tpu.dma_semaphore, #tpu.memory_space<semaphore_mem>>
      %dma_start3A_81 = tpu.memref_slice %arg5[%arg0, %mul3A_27] : memref<2x10240xf32, #tpu.memory_space<hbm>> -> memref<1x640xf32, #tpu.memory_space<hbm>>
      %dma_start3A_82 = tpu.memref_squeeze %dma_start3A_81 : memref<1x640xf32, #tpu.memory_space<hbm>> -> memref<640xf32, #tpu.memory_space<hbm>>
      %dma_start3A_83 = tpu.memref_slice %arg13[%mul3A_27] : memref<10240xf32, #tpu.memory_space<vmem_shared>> -> memref<640xf32, #tpu.memory_space<vmem_shared>>
      tpu.enqueue_dma source(%dma_start3A_83 : memref<640xf32, #tpu.memory_space<vmem_shared>>) target(%dma_start3A_82 : memref<640xf32, #tpu.memory_space<hbm>>) target_semaphore(%run_scoped3A_80 : memref<!tpu.dma_semaphore, #tpu.memory_space<semaphore_mem>>)
      %dma_wait3A_84 = tpu.memref_slice %arg5[%arg0, %mul3A_27] : memref<2x10240xf32, #tpu.memory_space<hbm>> -> memref<1x640xf32, #tpu.memory_space<hbm>>
      %dma_wait3A_85 = tpu.memref_squeeze %dma_wait3A_84 : memref<1x640xf32, #tpu.memory_space<hbm>> -> memref<640xf32, #tpu.memory_space<hbm>>
      %dma_wait3A_86 = tpu.memref_slice %arg13[%mul3A_27] : memref<10240xf32, #tpu.memory_space<vmem_shared>> -> memref<640xf32, #tpu.memory_space<vmem_shared>>
      tpu.wait_dma2 semaphore(%run_scoped3A_80 : memref<!tpu.dma_semaphore, #tpu.memory_space<semaphore_mem>>) src(%dma_wait3A_86 : memref<640xf32, #tpu.memory_space<vmem_shared>>) dst(%dma_wait3A_85 : memref<640xf32, #tpu.memory_space<hbm>>)
      tpu.yield
    }) : () -> ()
    return
  }
}

#map = affine_map<(d0, d1) -> (0, 0)>
#map1 = affine_map<(d0, d1) -> (0)>
module attributes {stable_mosaic.version = 14 : i64} {
  func.func @_sc_segsum_kernel(%arg0: i32, %arg1: i32, %arg2: memref<10000x128xf32, #tpu.memory_space<hbm>>, %arg3: memref<1280000xi32, #tpu.memory_space<hbm>>, %arg4: memref<20480x128xf32, #tpu.memory_space<hbm>>, %arg5: memref<2x10240xf32, #tpu.memory_space<hbm>>, %arg6: memref<10000xi32, #tpu.memory_space<vmem>>, %arg7: memref<125x80xi32, #tpu.memory_space<vmem>>, %arg8: memref<80x128xf32, #tpu.memory_space<vmem>>, %arg9: memref<80x128xf32, #tpu.memory_space<vmem>>, %arg10: memref<80xf32, #tpu.memory_space<vmem>>, %arg11: memref<640xf32, #tpu.memory_space<vmem>>, %arg12: memref<10240x128xf32, #tpu.memory_space<vmem_shared>>, %arg13: memref<10240xf32, #tpu.memory_space<vmem_shared>>, %arg14: memref<!tpu.dma_semaphore, #tpu.memory_space<semaphore_mem>>, %arg15: memref<!tpu.dma_semaphore, #tpu.memory_space<semaphore_mem>>, %arg16: memref<!tpu.dma_semaphore, #tpu.memory_space<semaphore_mem>>, %arg17: memref<!tpu.dma_semaphore, #tpu.memory_space<semaphore_mem>>) attributes {dimension_semantics = [#tpu.dimension_semantics<core_parallel>, #tpu.dimension_semantics<subcore_parallel>], iteration_bounds = array<i64: 2, 16>, scalar_prefetch = 0 : i64, scratch_operands = 12 : i64, tpu.core_type = #tpu.core_type<sc_vector_subcore>, window_params = [{transform_indices = #map}, {transform_indices = #map1}, {transform_indices = #map}, {transform_indices = #map}]} {
    %mul3A = arith.constant 16 : i32
    %mul3A_0 = arith.muli %arg0, %mul3A : i32
    %add3A = arith.addi %mul3A_0, %arg1 : i32
    %mul3A_1 = arith.constant 10000 : i32
    %mul3A_2 = arith.muli %add3A, %mul3A_1 : i32
    %add3A_3 = arith.constant 0 : i32
    %add3A_4 = arith.addi %add3A_3, %mul3A_2 : i32
    %mul3A_5 = arith.constant 10000 : i32
    %mul3A_6 = arith.muli %add3A, %mul3A_5 : i32
    %add3A_7 = arith.constant 320000 : i32
    %add3A_8 = arith.addi %add3A_7, %mul3A_6 : i32
    "tpu.region"() ({
      %run_scoped3A_80 = tpu.sem_alloc : memref<!tpu.dma_semaphore, #tpu.memory_space<semaphore_mem>>
      %dma_start3A_81 = tpu.memref_slice %arg3[%add3A_4] : memref<1280000xi32, #tpu.memory_space<hbm>> -> memref<10000xi32, #tpu.memory_space<hbm>>
      %dma_start3A_82 = tpu.memref_slice %arg3[%add3A_4] : memref<1280000xi32, #tpu.memory_space<hbm>> -> memref<10000xi32, #tpu.memory_space<hbm>>
      tpu.enqueue_dma source(%dma_start3A_82 : memref<10000xi32, #tpu.memory_space<hbm>>) target(%arg6 : memref<10000xi32, #tpu.memory_space<vmem>>) target_semaphore(%run_scoped3A_80 : memref<!tpu.dma_semaphore, #tpu.memory_space<semaphore_mem>>)
      %dma_wait3A_83 = tpu.memref_slice %arg3[%add3A_4] : memref<1280000xi32, #tpu.memory_space<hbm>> -> memref<10000xi32, #tpu.memory_space<hbm>>
      %dma_wait3A_84 = tpu.memref_slice %arg3[%add3A_4] : memref<1280000xi32, #tpu.memory_space<hbm>> -> memref<10000xi32, #tpu.memory_space<hbm>>
      tpu.wait_dma2 semaphore(%run_scoped3A_80 : memref<!tpu.dma_semaphore, #tpu.memory_space<semaphore_mem>>) src(%dma_wait3A_84 : memref<10000xi32, #tpu.memory_space<hbm>>) dst(%arg6 : memref<10000xi32, #tpu.memory_space<vmem>>)
      tpu.yield
    }) : () -> ()
    %broadcast_in_dim3A = arith.constant 0.000000e+00 : f32
    %broadcast_in_dim3A_9 = vector.broadcast %broadcast_in_dim3A : f32 to vector<16xf32>
    %broadcast_in_dim3A_10 = arith.constant 1.000000e+00 : f32
    %broadcast_in_dim3A_11 = vector.broadcast %broadcast_in_dim3A_10 : f32 to vector<16xf32>
    %scan3A = arith.constant 0 : i32
    %scan3A_12 = arith.constant 5 : i32
    %scan3A_13 = arith.addi %scan3A, %scan3A_12 : i32
    %scan3A_14 = arith.constant 1 : i32
    scf.for %scan3A_80 = %scan3A to %scan3A_13 step %scan3A_14  : i32 {
      %mul3A_81 = arith.constant 1 : i32
      %mul3A_82 = arith.muli %scan3A_80, %mul3A_81 : i32
      %add3A_83 = arith.constant 0 : i32
      %add3A_84 = arith.addi %add3A_83, %mul3A_82 : i32
      %mul3A_85 = arith.constant 16 : i32
      %mul3A_86 = arith.muli %add3A_84, %mul3A_85 : i32
      %swap3A = arith.index_cast %mul3A_86 : i32 to index
      %swap3A_87 = tpu.vector_load %arg10[%swap3A] {strides = array<i32>} : memref<80xf32, #tpu.memory_space<vmem>>, vector<16xf32>,
      %swap3A_88 = vector.shape_cast %swap3A_87 : vector<16xf32> to vector<16xf32>
      %swap3A_89 = vector.shape_cast %broadcast_in_dim3A_11 : vector<16xf32> to vector<16xf32>
      tpu.vector_store %arg10[%swap3A], %swap3A_89 {strides = array<i32>} : memref<80xf32, #tpu.memory_space<vmem>>, vector<16xf32>,
    }
    %scan3A_15 = arith.constant 5 : i32
    %scan3A_16 = arith.constant 0 : i32
    %scan3A_17 = arith.constant 80 : i32
    %scan3A_18 = arith.addi %scan3A_16, %scan3A_17 : i32
    %scan3A_19 = arith.constant 1 : i32
    scf.for %scan3A_80 = %scan3A_16 to %scan3A_18 step %scan3A_19  : i32 {
      %mul3A_81 = arith.constant 1 : i32
      %mul3A_82 = arith.muli %scan3A_80, %mul3A_81 : i32
      %add3A_83 = arith.constant 0 : i32
      %add3A_84 = arith.addi %add3A_83, %mul3A_82 : i32
      %swap3A = arith.index_cast %add3A_84 : i32 to index
      %swap3A_85 = arith.constant 0 : index
      %swap3A_86 = tpu.vector_load %arg8[%swap3A, %swap3A_85] {strides = array<i32>} : memref<80x128xf32, #tpu.memory_space<vmem>>, vector<1x16xf32>,
      %swap3A_87 = vector.shape_cast %swap3A_86 : vector<1x16xf32> to vector<16xf32>
      %swap3A_88 = vector.shape_cast %broadcast_in_dim3A_9 : vector<16xf32> to vector<1x16xf32>
      tpu.vector_store %arg8[%swap3A, %swap3A_85], %swap3A_88 {strides = array<i32>} : memref<80x128xf32, #tpu.memory_space<vmem>>, vector<1x16xf32>,
      %swap3A_89 = arith.index_cast %add3A_84 : i32 to index
      %swap3A_90 = arith.constant 16 : index
      %swap3A_91 = tpu.vector_load %arg8[%swap3A_89, %swap3A_90] {strides = array<i32>} : memref<80x128xf32, #tpu.memory_space<vmem>>, vector<1x16xf32>,
      %swap3A_92 = vector.shape_cast %swap3A_91 : vector<1x16xf32> to vector<16xf32>
      %swap3A_93 = vector.shape_cast %broadcast_in_dim3A_9 : vector<16xf32> to vector<1x16xf32>
      tpu.vector_store %arg8[%swap3A_89, %swap3A_90], %swap3A_93 {strides = array<i32>} : memref<80x128xf32, #tpu.memory_space<vmem>>, vector<1x16xf32>,
      %swap3A_94 = arith.index_cast %add3A_84 : i32 to index
      %swap3A_95 = arith.constant 32 : index
      %swap3A_96 = tpu.vector_load %arg8[%swap3A_94, %swap3A_95] {strides = array<i32>} : memref<80x128xf32, #tpu.memory_space<vmem>>, vector<1x16xf32>,
      %swap3A_97 = vector.shape_cast %swap3A_96 : vector<1x16xf32> to vector<16xf32>
      %swap3A_98 = vector.shape_cast %broadcast_in_dim3A_9 : vector<16xf32> to vector<1x16xf32>
      tpu.vector_store %arg8[%swap3A_94, %swap3A_95], %swap3A_98 {strides = array<i32>} : memref<80x128xf32, #tpu.memory_space<vmem>>, vector<1x16xf32>,
      %swap3A_99 = arith.index_cast %add3A_84 : i32 to index
      %swap3A_100 = arith.constant 48 : index
      %swap3A_101 = tpu.vector_load %arg8[%swap3A_99, %swap3A_100] {strides = array<i32>} : memref<80x128xf32, #tpu.memory_space<vmem>>, vector<1x16xf32>,
      %swap3A_102 = vector.shape_cast %swap3A_101 : vector<1x16xf32> to vector<16xf32>
      %swap3A_103 = vector.shape_cast %broadcast_in_dim3A_9 : vector<16xf32> to vector<1x16xf32>
      tpu.vector_store %arg8[%swap3A_99, %swap3A_100], %swap3A_103 {strides = array<i32>} : memref<80x128xf32, #tpu.memory_space<vmem>>, vector<1x16xf32>,
      %swap3A_104 = arith.index_cast %add3A_84 : i32 to index
      %swap3A_105 = arith.constant 64 : index
      %swap3A_106 = tpu.vector_load %arg8[%swap3A_104, %swap3A_105] {strides = array<i32>} : memref<80x128xf32, #tpu.memory_space<vmem>>, vector<1x16xf32>,
      %swap3A_107 = vector.shape_cast %swap3A_106 : vector<1x16xf32> to vector<16xf32>
      %swap3A_108 = vector.shape_cast %broadcast_in_dim3A_9 : vector<16xf32> to vector<1x16xf32>
      tpu.vector_store %arg8[%swap3A_104, %swap3A_105], %swap3A_108 {strides = array<i32>} : memref<80x128xf32, #tpu.memory_space<vmem>>, vector<1x16xf32>,
      %swap3A_109 = arith.index_cast %add3A_84 : i32 to index
      %swap3A_110 = arith.constant 80 : index
      %swap3A_111 = tpu.vector_load %arg8[%swap3A_109, %swap3A_110] {strides = array<i32>} : memref<80x128xf32, #tpu.memory_space<vmem>>, vector<1x16xf32>,
      %swap3A_112 = vector.shape_cast %swap3A_111 : vector<1x16xf32> to vector<16xf32>
      %swap3A_113 = vector.shape_cast %broadcast_in_dim3A_9 : vector<16xf32> to vector<1x16xf32>
      tpu.vector_store %arg8[%swap3A_109, %swap3A_110], %swap3A_113 {strides = array<i32>} : memref<80x128xf32, #tpu.memory_space<vmem>>, vector<1x16xf32>,
      %swap3A_114 = arith.index_cast %add3A_84 : i32 to index
      %swap3A_115 = arith.constant 96 : index
      %swap3A_116 = tpu.vector_load %arg8[%swap3A_114, %swap3A_115] {strides = array<i32>} : memref<80x128xf32, #tpu.memory_space<vmem>>, vector<1x16xf32>,
      %swap3A_117 = vector.shape_cast %swap3A_116 : vector<1x16xf32> to vector<16xf32>
      %swap3A_118 = vector.shape_cast %broadcast_in_dim3A_9 : vector<16xf32> to vector<1x16xf32>
      tpu.vector_store %arg8[%swap3A_114, %swap3A_115], %swap3A_118 {strides = array<i32>} : memref<80x128xf32, #tpu.memory_space<vmem>>, vector<1x16xf32>,
      %swap3A_119 = arith.index_cast %add3A_84 : i32 to index
      %swap3A_120 = arith.constant 112 : index
      %swap3A_121 = tpu.vector_load %arg8[%swap3A_119, %swap3A_120] {strides = array<i32>} : memref<80x128xf32, #tpu.memory_space<vmem>>, vector<1x16xf32>,
      %swap3A_122 = vector.shape_cast %swap3A_121 : vector<1x16xf32> to vector<16xf32>
      %swap3A_123 = vector.shape_cast %broadcast_in_dim3A_9 : vector<16xf32> to vector<1x16xf32>
      tpu.vector_store %arg8[%swap3A_119, %swap3A_120], %swap3A_123 {strides = array<i32>} : memref<80x128xf32, #tpu.memory_space<vmem>>, vector<1x16xf32>,
    }
    %scan3A_20 = arith.constant 80 : i32
    %scan3A_21 = arith.constant 0 : i32
    %scan3A_22 = arith.constant 40 : i32
    %scan3A_23 = arith.addi %scan3A_21, %scan3A_22 : i32
    %scan3A_24 = arith.constant 1 : i32
    scf.for %scan3A_80 = %scan3A_21 to %scan3A_23 step %scan3A_24  : i32 {
      %mul3A_81 = arith.constant 1 : i32
      %mul3A_82 = arith.muli %scan3A_80, %mul3A_81 : i32
      %add3A_83 = arith.constant 0 : i32
      %add3A_84 = arith.addi %add3A_83, %mul3A_82 : i32
      %mul3A_85 = arith.constant 16 : i32
      %mul3A_86 = arith.muli %add3A_84, %mul3A_85 : i32
      %swap3A = arith.index_cast %mul3A_86 : i32 to index
      %swap3A_87 = tpu.vector_load %arg11[%swap3A] {strides = array<i32>} : memref<640xf32, #tpu.memory_space<vmem>>, vector<16xf32>,
      %swap3A_88 = vector.shape_cast %swap3A_87 : vector<16xf32> to vector<16xf32>
      %swap3A_89 = vector.shape_cast %broadcast_in_dim3A_9 : vector<16xf32> to vector<16xf32>
      tpu.vector_store %arg11[%swap3A], %swap3A_89 {strides = array<i32>} : memref<640xf32, #tpu.memory_space<vmem>>, vector<16xf32>,
    }
    %scan3A_25 = arith.constant 40 : i32
    %mul3A_26 = arith.constant 640 : i32
    %mul3A_27 = arith.muli %arg1, %mul3A_26 : i32
    %add3A_28 = arith.constant 0 : i32
    %add3A_29 = arith.addi %mul3A_27, %add3A_28 : i32
    "tpu.region"() ({
      %run_scoped3A_80 = tpu.sem_alloc : memref<!tpu.dma_semaphore, #tpu.memory_space<semaphore_mem>>
      %dma_start3A_81 = arith.constant 0 : i32
      %dma_start3A_82 = tpu.memref_slice %arg12[%add3A_29, %dma_start3A_81] : memref<10240x128xf32, #tpu.memory_space<vmem_shared>> -> memref<80x128xf32, #tpu.memory_space<vmem_shared>>
      %dma_start3A_83 = arith.constant 0 : i32
      %dma_start3A_84 = tpu.memref_slice %arg12[%add3A_29, %dma_start3A_83] : memref<10240x128xf32, #tpu.memory_space<vmem_shared>> -> memref<80x128xf32, #tpu.memory_space<vmem_shared>>
      tpu.enqueue_dma source(%arg8 : memref<80x128xf32, #tpu.memory_space<vmem>>) target(%dma_start3A_84 : memref<80x128xf32, #tpu.memory_space<vmem_shared>>) target_semaphore(%run_scoped3A_80 : memref<!tpu.dma_semaphore, #tpu.memory_space<semaphore_mem>>)
      %dma_wait3A_85 = arith.constant 0 : i32
      %dma_wait3A_86 = tpu.memref_slice %arg12[%add3A_29, %dma_wait3A_85] : memref<10240x128xf32, #tpu.memory_space<vmem_shared>> -> memref<80x128xf32, #tpu.memory_space<vmem_shared>>
      %dma_wait3A_87 = arith.constant 0 : i32
      %dma_wait3A_88 = tpu.memref_slice %arg12[%add3A_29, %dma_wait3A_87] : memref<10240x128xf32, #tpu.memory_space<vmem_shared>> -> memref<80x128xf32, #tpu.memory_space<vmem_shared>>
      tpu.wait_dma2 semaphore(%run_scoped3A_80 : memref<!tpu.dma_semaphore, #tpu.memory_space<semaphore_mem>>) src(%arg8 : memref<80x128xf32, #tpu.memory_space<vmem>>) dst(%dma_wait3A_88 : memref<80x128xf32, #tpu.memory_space<vmem_shared>>)
      tpu.yield
    }) : () -> ()
    %add3A_30 = arith.constant 80 : i32
    %add3A_31 = arith.addi %mul3A_27, %add3A_30 : i32
    "tpu.region"() ({
      %run_scoped3A_80 = tpu.sem_alloc : memref<!tpu.dma_semaphore, #tpu.memory_space<semaphore_mem>>
      %dma_start3A_81 = arith.constant 0 : i32
      %dma_start3A_82 = tpu.memref_slice %arg12[%add3A_31, %dma_start3A_81] : memref<10240x128xf32, #tpu.memory_space<vmem_shared>> -> memref<80x128xf32, #tpu.memory_space<vmem_shared>>
      %dma_start3A_83 = arith.constant 0 : i32
      %dma_start3A_84 = tpu.memref_slice %arg12[%add3A_31, %dma_start3A_83] : memref<10240x128xf32, #tpu.memory_space<vmem_shared>> -> memref<80x128xf32, #tpu.memory_space<vmem_shared>>
      tpu.enqueue_dma source(%arg8 : memref<80x128xf32, #tpu.memory_space<vmem>>) target(%dma_start3A_84 : memref<80x128xf32, #tpu.memory_space<vmem_shared>>) target_semaphore(%run_scoped3A_80 : memref<!tpu.dma_semaphore, #tpu.memory_space<semaphore_mem>>)
      %dma_wait3A_85 = arith.constant 0 : i32
      %dma_wait3A_86 = tpu.memref_slice %arg12[%add3A_31, %dma_wait3A_85] : memref<10240x128xf32, #tpu.memory_space<vmem_shared>> -> memref<80x128xf32, #tpu.memory_space<vmem_shared>>
      %dma_wait3A_87 = arith.constant 0 : i32
      %dma_wait3A_88 = tpu.memref_slice %arg12[%add3A_31, %dma_wait3A_87] : memref<10240x128xf32, #tpu.memory_space<vmem_shared>> -> memref<80x128xf32, #tpu.memory_space<vmem_shared>>
      tpu.wait_dma2 semaphore(%run_scoped3A_80 : memref<!tpu.dma_semaphore, #tpu.memory_space<semaphore_mem>>) src(%arg8 : memref<80x128xf32, #tpu.memory_space<vmem>>) dst(%dma_wait3A_88 : memref<80x128xf32, #tpu.memory_space<vmem_shared>>)
      tpu.yield
    }) : () -> ()
    %add3A_32 = arith.constant 160 : i32
    %add3A_33 = arith.addi %mul3A_27, %add3A_32 : i32
    "tpu.region"() ({
      %run_scoped3A_80 = tpu.sem_alloc : memref<!tpu.dma_semaphore, #tpu.memory_space<semaphore_mem>>
      %dma_start3A_81 = arith.constant 0 : i32
      %dma_start3A_82 = tpu.memref_slice %arg12[%add3A_33, %dma_start3A_81] : memref<10240x128xf32, #tpu.memory_space<vmem_shared>> -> memref<80x128xf32, #tpu.memory_space<vmem_shared>>
      %dma_start3A_83 = arith.constant 0 : i32
      %dma_start3A_84 = tpu.memref_slice %arg12[%add3A_33, %dma_start3A_83] : memref<10240x128xf32, #tpu.memory_space<vmem_shared>> -> memref<80x128xf32, #tpu.memory_space<vmem_shared>>
      tpu.enqueue_dma source(%arg8 : memref<80x128xf32, #tpu.memory_space<vmem>>) target(%dma_start3A_84 : memref<80x128xf32, #tpu.memory_space<vmem_shared>>) target_semaphore(%run_scoped3A_80 : memref<!tpu.dma_semaphore, #tpu.memory_space<semaphore_mem>>)
      %dma_wait3A_85 = arith.constant 0 : i32
      %dma_wait3A_86 = tpu.memref_slice %arg12[%add3A_33, %dma_wait3A_85] : memref<10240x128xf32, #tpu.memory_space<vmem_shared>> -> memref<80x128xf32, #tpu.memory_space<vmem_shared>>
      %dma_wait3A_87 = arith.constant 0 : i32
      %dma_wait3A_88 = tpu.memref_slice %arg12[%add3A_33, %dma_wait3A_87] : memref<10240x128xf32, #tpu.memory_space<vmem_shared>> -> memref<80x128xf32, #tpu.memory_space<vmem_shared>>
      tpu.wait_dma2 semaphore(%run_scoped3A_80 : memref<!tpu.dma_semaphore, #tpu.memory_space<semaphore_mem>>) src(%arg8 : memref<80x128xf32, #tpu.memory_space<vmem>>) dst(%dma_wait3A_88 : memref<80x128xf32, #tpu.memory_space<vmem_shared>>)
      tpu.yield
    }) : () -> ()
    %add3A_34 = arith.constant 240 : i32
    %add3A_35 = arith.addi %mul3A_27, %add3A_34 : i32
    "tpu.region"() ({
      %run_scoped3A_80 = tpu.sem_alloc : memref<!tpu.dma_semaphore, #tpu.memory_space<semaphore_mem>>
      %dma_start3A_81 = arith.constant 0 : i32
      %dma_start3A_82 = tpu.memref_slice %arg12[%add3A_35, %dma_start3A_81] : memref<10240x128xf32, #tpu.memory_space<vmem_shared>> -> memref<80x128xf32, #tpu.memory_space<vmem_shared>>
      %dma_start3A_83 = arith.constant 0 : i32
      %dma_start3A_84 = tpu.memref_slice %arg12[%add3A_35, %dma_start3A_83] : memref<10240x128xf32, #tpu.memory_space<vmem_shared>> -> memref<80x128xf32, #tpu.memory_space<vmem_shared>>
      tpu.enqueue_dma source(%arg8 : memref<80x128xf32, #tpu.memory_space<vmem>>) target(%dma_start3A_84 : memref<80x128xf32, #tpu.memory_space<vmem_shared>>) target_semaphore(%run_scoped3A_80 : memref<!tpu.dma_semaphore, #tpu.memory_space<semaphore_mem>>)
      %dma_wait3A_85 = arith.constant 0 : i32
      %dma_wait3A_86 = tpu.memref_slice %arg12[%add3A_35, %dma_wait3A_85] : memref<10240x128xf32, #tpu.memory_space<vmem_shared>> -> memref<80x128xf32, #tpu.memory_space<vmem_shared>>
      %dma_wait3A_87 = arith.constant 0 : i32
      %dma_wait3A_88 = tpu.memref_slice %arg12[%add3A_35, %dma_wait3A_87] : memref<10240x128xf32, #tpu.memory_space<vmem_shared>> -> memref<80x128xf32, #tpu.memory_space<vmem_shared>>
      tpu.wait_dma2 semaphore(%run_scoped3A_80 : memref<!tpu.dma_semaphore, #tpu.memory_space<semaphore_mem>>) src(%arg8 : memref<80x128xf32, #tpu.memory_space<vmem>>) dst(%dma_wait3A_88 : memref<80x128xf32, #tpu.memory_space<vmem_shared>>)
      tpu.yield
    }) : () -> ()
    %add3A_36 = arith.constant 320 : i32
    %add3A_37 = arith.addi %mul3A_27, %add3A_36 : i32
    "tpu.region"() ({
      %run_scoped3A_80 = tpu.sem_alloc : memref<!tpu.dma_semaphore, #tpu.memory_space<semaphore_mem>>
      %dma_start3A_81 = arith.constant 0 : i32
      %dma_start3A_82 = tpu.memref_slice %arg12[%add3A_37, %dma_start3A_81] : memref<10240x128xf32, #tpu.memory_space<vmem_shared>> -> memref<80x128xf32, #tpu.memory_space<vmem_shared>>
      %dma_start3A_83 = arith.constant 0 : i32
      %dma_start3A_84 = tpu.memref_slice %arg12[%add3A_37, %dma_start3A_83] : memref<10240x128xf32, #tpu.memory_space<vmem_shared>> -> memref<80x128xf32, #tpu.memory_space<vmem_shared>>
      tpu.enqueue_dma source(%arg8 : memref<80x128xf32, #tpu.memory_space<vmem>>) target(%dma_start3A_84 : memref<80x128xf32, #tpu.memory_space<vmem_shared>>) target_semaphore(%run_scoped3A_80 : memref<!tpu.dma_semaphore, #tpu.memory_space<semaphore_mem>>)
      %dma_wait3A_85 = arith.constant 0 : i32
      %dma_wait3A_86 = tpu.memref_slice %arg12[%add3A_37, %dma_wait3A_85] : memref<10240x128xf32, #tpu.memory_space<vmem_shared>> -> memref<80x128xf32, #tpu.memory_space<vmem_shared>>
      %dma_wait3A_87 = arith.constant 0 : i32
      %dma_wait3A_88 = tpu.memref_slice %arg12[%add3A_37, %dma_wait3A_87] : memref<10240x128xf32, #tpu.memory_space<vmem_shared>> -> memref<80x128xf32, #tpu.memory_space<vmem_shared>>
      tpu.wait_dma2 semaphore(%run_scoped3A_80 : memref<!tpu.dma_semaphore, #tpu.memory_space<semaphore_mem>>) src(%arg8 : memref<80x128xf32, #tpu.memory_space<vmem>>) dst(%dma_wait3A_88 : memref<80x128xf32, #tpu.memory_space<vmem_shared>>)
      tpu.yield
    }) : () -> ()
    %add3A_38 = arith.constant 400 : i32
    %add3A_39 = arith.addi %mul3A_27, %add3A_38 : i32
    "tpu.region"() ({
      %run_scoped3A_80 = tpu.sem_alloc : memref<!tpu.dma_semaphore, #tpu.memory_space<semaphore_mem>>
      %dma_start3A_81 = arith.constant 0 : i32
      %dma_start3A_82 = tpu.memref_slice %arg12[%add3A_39, %dma_start3A_81] : memref<10240x128xf32, #tpu.memory_space<vmem_shared>> -> memref<80x128xf32, #tpu.memory_space<vmem_shared>>
      %dma_start3A_83 = arith.constant 0 : i32
      %dma_start3A_84 = tpu.memref_slice %arg12[%add3A_39, %dma_start3A_83] : memref<10240x128xf32, #tpu.memory_space<vmem_shared>> -> memref<80x128xf32, #tpu.memory_space<vmem_shared>>
      tpu.enqueue_dma source(%arg8 : memref<80x128xf32, #tpu.memory_space<vmem>>) target(%dma_start3A_84 : memref<80x128xf32, #tpu.memory_space<vmem_shared>>) target_semaphore(%run_scoped3A_80 : memref<!tpu.dma_semaphore, #tpu.memory_space<semaphore_mem>>)
      %dma_wait3A_85 = arith.constant 0 : i32
      %dma_wait3A_86 = tpu.memref_slice %arg12[%add3A_39, %dma_wait3A_85] : memref<10240x128xf32, #tpu.memory_space<vmem_shared>> -> memref<80x128xf32, #tpu.memory_space<vmem_shared>>
      %dma_wait3A_87 = arith.constant 0 : i32
      %dma_wait3A_88 = tpu.memref_slice %arg12[%add3A_39, %dma_wait3A_87] : memref<10240x128xf32, #tpu.memory_space<vmem_shared>> -> memref<80x128xf32, #tpu.memory_space<vmem_shared>>
      tpu.wait_dma2 semaphore(%run_scoped3A_80 : memref<!tpu.dma_semaphore, #tpu.memory_space<semaphore_mem>>) src(%arg8 : memref<80x128xf32, #tpu.memory_space<vmem>>) dst(%dma_wait3A_88 : memref<80x128xf32, #tpu.memory_space<vmem_shared>>)
      tpu.yield
    }) : () -> ()
    %add3A_40 = arith.constant 480 : i32
    %add3A_41 = arith.addi %mul3A_27, %add3A_40 : i32
    "tpu.region"() ({
      %run_scoped3A_80 = tpu.sem_alloc : memref<!tpu.dma_semaphore, #tpu.memory_space<semaphore_mem>>
      %dma_start3A_81 = arith.constant 0 : i32
      %dma_start3A_82 = tpu.memref_slice %arg12[%add3A_41, %dma_start3A_81] : memref<10240x128xf32, #tpu.memory_space<vmem_shared>> -> memref<80x128xf32, #tpu.memory_space<vmem_shared>>
      %dma_start3A_83 = arith.constant 0 : i32
      %dma_start3A_84 = tpu.memref_slice %arg12[%add3A_41, %dma_start3A_83] : memref<10240x128xf32, #tpu.memory_space<vmem_shared>> -> memref<80x128xf32, #tpu.memory_space<vmem_shared>>
      tpu.enqueue_dma source(%arg8 : memref<80x128xf32, #tpu.memory_space<vmem>>) target(%dma_start3A_84 : memref<80x128xf32, #tpu.memory_space<vmem_shared>>) target_semaphore(%run_scoped3A_80 : memref<!tpu.dma_semaphore, #tpu.memory_space<semaphore_mem>>)
      %dma_wait3A_85 = arith.constant 0 : i32
      %dma_wait3A_86 = tpu.memref_slice %arg12[%add3A_41, %dma_wait3A_85] : memref<10240x128xf32, #tpu.memory_space<vmem_shared>> -> memref<80x128xf32, #tpu.memory_space<vmem_shared>>
      %dma_wait3A_87 = arith.constant 0 : i32
      %dma_wait3A_88 = tpu.memref_slice %arg12[%add3A_41, %dma_wait3A_87] : memref<10240x128xf32, #tpu.memory_space<vmem_shared>> -> memref<80x128xf32, #tpu.memory_space<vmem_shared>>
      tpu.wait_dma2 semaphore(%run_scoped3A_80 : memref<!tpu.dma_semaphore, #tpu.memory_space<semaphore_mem>>) src(%arg8 : memref<80x128xf32, #tpu.memory_space<vmem>>) dst(%dma_wait3A_88 : memref<80x128xf32, #tpu.memory_space<vmem_shared>>)
      tpu.yield
    }) : () -> ()
    %add3A_42 = arith.constant 560 : i32
    %add3A_43 = arith.addi %mul3A_27, %add3A_42 : i32
    "tpu.region"() ({
      %run_scoped3A_80 = tpu.sem_alloc : memref<!tpu.dma_semaphore, #tpu.memory_space<semaphore_mem>>
      %dma_start3A_81 = arith.constant 0 : i32
      %dma_start3A_82 = tpu.memref_slice %arg12[%add3A_43, %dma_start3A_81] : memref<10240x128xf32, #tpu.memory_space<vmem_shared>> -> memref<80x128xf32, #tpu.memory_space<vmem_shared>>
      %dma_start3A_83 = arith.constant 0 : i32
      %dma_start3A_84 = tpu.memref_slice %arg12[%add3A_43, %dma_start3A_83] : memref<10240x128xf32, #tpu.memory_space<vmem_shared>> -> memref<80x128xf32, #tpu.memory_space<vmem_shared>>
      tpu.enqueue_dma source(%arg8 : memref<80x128xf32, #tpu.memory_space<vmem>>) target(%dma_start3A_84 : memref<80x128xf32, #tpu.memory_space<vmem_shared>>) target_semaphore(%run_scoped3A_80 : memref<!tpu.dma_semaphore, #tpu.memory_space<semaphore_mem>>)
      %dma_wait3A_85 = arith.constant 0 : i32
      %dma_wait3A_86 = tpu.memref_slice %arg12[%add3A_43, %dma_wait3A_85] : memref<10240x128xf32, #tpu.memory_space<vmem_shared>> -> memref<80x128xf32, #tpu.memory_space<vmem_shared>>
      %dma_wait3A_87 = arith.constant 0 : i32
      %dma_wait3A_88 = tpu.memref_slice %arg12[%add3A_43, %dma_wait3A_87] : memref<10240x128xf32, #tpu.memory_space<vmem_shared>> -> memref<80x128xf32, #tpu.memory_space<vmem_shared>>
      tpu.wait_dma2 semaphore(%run_scoped3A_80 : memref<!tpu.dma_semaphore, #tpu.memory_space<semaphore_mem>>) src(%arg8 : memref<80x128xf32, #tpu.memory_space<vmem>>) dst(%dma_wait3A_88 : memref<80x128xf32, #tpu.memory_space<vmem_shared>>)
      tpu.yield
    }) : () -> ()
    "tpu.region"() ({
      %run_scoped3A_80 = tpu.sem_alloc : memref<!tpu.dma_semaphore, #tpu.memory_space<semaphore_mem>>
      %dma_start3A_81 = tpu.memref_slice %arg13[%mul3A_27] : memref<10240xf32, #tpu.memory_space<vmem_shared>> -> memref<640xf32, #tpu.memory_space<vmem_shared>>
      %dma_start3A_82 = tpu.memref_slice %arg13[%mul3A_27] : memref<10240xf32, #tpu.memory_space<vmem_shared>> -> memref<640xf32, #tpu.memory_space<vmem_shared>>
      tpu.enqueue_dma source(%arg11 : memref<640xf32, #tpu.memory_space<vmem>>) target(%dma_start3A_82 : memref<640xf32, #tpu.memory_space<vmem_shared>>) target_semaphore(%run_scoped3A_80 : memref<!tpu.dma_semaphore, #tpu.memory_space<semaphore_mem>>)
      %dma_wait3A_83 = tpu.memref_slice %arg13[%mul3A_27] : memref<10240xf32, #tpu.memory_space<vmem_shared>> -> memref<640xf32, #tpu.memory_space<vmem_shared>>
      %dma_wait3A_84 = tpu.memref_slice %arg13[%mul3A_27] : memref<10240xf32, #tpu.memory_space<vmem_shared>> -> memref<640xf32, #tpu.memory_space<vmem_shared>>
      tpu.wait_dma2 semaphore(%run_scoped3A_80 : memref<!tpu.dma_semaphore, #tpu.memory_space<semaphore_mem>>) src(%arg11 : memref<640xf32, #tpu.memory_space<vmem>>) dst(%dma_wait3A_84 : memref<640xf32, #tpu.memory_space<vmem_shared>>)
      tpu.yield
    }) : () -> ()
    %barrier3A = arith.constant 0 : index
    tpu.barrier barrier_id(%barrier3A)
    %add3A_44 = arith.constant 0 : i32
    %add3A_45 = arith.addi %add3A_8, %add3A_44 : i32
    %run_scoped3A = arith.constant 0 : i32
    "tpu.region"() ({
      %run_scoped3A_80 = tpu.sem_alloc : memref<!tpu.dma_semaphore, #tpu.memory_space<semaphore_mem>>
      %dma_start3A_81 = arith.constant 0 : i32
      %dma_start3A_82 = tpu.memref_slice %arg7[%run_scoped3A, %dma_start3A_81] : memref<125x80xi32, #tpu.memory_space<vmem>> -> memref<1x80xi32, #tpu.memory_space<vmem>>
      %dma_start3A_83 = tpu.memref_squeeze %dma_start3A_82 : memref<1x80xi32, #tpu.memory_space<vmem>> -> memref<80xi32, #tpu.memory_space<vmem>>
      %dma_start3A_84 = tpu.memref_slice %arg3[%add3A_45] : memref<1280000xi32, #tpu.memory_space<hbm>> -> memref<80xi32, #tpu.memory_space<hbm>>
      %dma_start3A_85 = arith.constant 0 : i32
      %dma_start3A_86 = tpu.memref_slice %arg7[%run_scoped3A, %dma_start3A_85] : memref<125x80xi32, #tpu.memory_space<vmem>> -> memref<1x80xi32, #tpu.memory_space<vmem>>
      %dma_start3A_87 = tpu.memref_squeeze %dma_start3A_86 : memref<1x80xi32, #tpu.memory_space<vmem>> -> memref<80xi32, #tpu.memory_space<vmem>>
      %dma_start3A_88 = tpu.memref_slice %arg3[%add3A_45] : memref<1280000xi32, #tpu.memory_space<hbm>> -> memref<80xi32, #tpu.memory_space<hbm>>
      tpu.enqueue_dma source(%dma_start3A_88 : memref<80xi32, #tpu.memory_space<hbm>>) target(%dma_start3A_87 : memref<80xi32, #tpu.memory_space<vmem>>) target_semaphore(%run_scoped3A_80 : memref<!tpu.dma_semaphore, #tpu.memory_space<semaphore_mem>>)
      %dma_wait3A_89 = arith.constant 0 : i32
      %dma_wait3A_90 = tpu.memref_slice %arg7[%run_scoped3A, %dma_wait3A_89] : memref<125x80xi32, #tpu.memory_space<vmem>> -> memref<1x80xi32, #tpu.memory_space<vmem>>
      %dma_wait3A_91 = tpu.memref_squeeze %dma_wait3A_90 : memref<1x80xi32, #tpu.memory_space<vmem>> -> memref<80xi32, #tpu.memory_space<vmem>>
      %dma_wait3A_92 = tpu.memref_slice %arg3[%add3A_45] : memref<1280000xi32, #tpu.memory_space<hbm>> -> memref<80xi32, #tpu.memory_space<hbm>>
      %dma_wait3A_93 = arith.constant 0 : i32
      %dma_wait3A_94 = tpu.memref_slice %arg7[%run_scoped3A, %dma_wait3A_93] : memref<125x80xi32, #tpu.memory_space<vmem>> -> memref<1x80xi32, #tpu.memory_space<vmem>>
      %dma_wait3A_95 = tpu.memref_squeeze %dma_wait3A_94 : memref<1x80xi32, #tpu.memory_space<vmem>> -> memref<80xi32, #tpu.memory_space<vmem>>
      %dma_wait3A_96 = tpu.memref_slice %arg3[%add3A_45] : memref<1280000xi32, #tpu.memory_space<hbm>> -> memref<80xi32, #tpu.memory_space<hbm>>
      tpu.wait_dma2 semaphore(%run_scoped3A_80 : memref<!tpu.dma_semaphore, #tpu.memory_space<semaphore_mem>>) src(%dma_wait3A_96 : memref<80xi32, #tpu.memory_space<hbm>>) dst(%dma_wait3A_95 : memref<80xi32, #tpu.memory_space<vmem>>)
      tpu.yield
    }) : () -> ()
    %add3A_46 = arith.constant 80 : i32
    %add3A_47 = arith.addi %add3A_8, %add3A_46 : i32
    %run_scoped3A_48 = arith.constant 1 : i32
    "tpu.region"() ({
      %run_scoped3A_80 = tpu.sem_alloc : memref<!tpu.dma_semaphore, #tpu.memory_space<semaphore_mem>>
      %dma_start3A_81 = arith.constant 0 : i32
      %dma_start3A_82 = tpu.memref_slice %arg7[%run_scoped3A_48, %dma_start3A_81] : memref<125x80xi32, #tpu.memory_space<vmem>> -> memref<1x80xi32, #tpu.memory_space<vmem>>
      %dma_start3A_83 = tpu.memref_squeeze %dma_start3A_82 : memref<1x80xi32, #tpu.memory_space<vmem>> -> memref<80xi32, #tpu.memory_space<vmem>>
      %dma_start3A_84 = tpu.memref_slice %arg3[%add3A_47] : memref<1280000xi32, #tpu.memory_space<hbm>> -> memref<80xi32, #tpu.memory_space<hbm>>
      %dma_start3A_85 = arith.constant 0 : i32
      %dma_start3A_86 = tpu.memref_slice %arg7[%run_scoped3A_48, %dma_start3A_85] : memref<125x80xi32, #tpu.memory_space<vmem>> -> memref<1x80xi32, #tpu.memory_space<vmem>>
      %dma_start3A_87 = tpu.memref_squeeze %dma_start3A_86 : memref<1x80xi32, #tpu.memory_space<vmem>> -> memref<80xi32, #tpu.memory_space<vmem>>
      %dma_start3A_88 = tpu.memref_slice %arg3[%add3A_47] : memref<1280000xi32, #tpu.memory_space<hbm>> -> memref<80xi32, #tpu.memory_space<hbm>>
      tpu.enqueue_dma source(%dma_start3A_88 : memref<80xi32, #tpu.memory_space<hbm>>) target(%dma_start3A_87 : memref<80xi32, #tpu.memory_space<vmem>>) target_semaphore(%run_scoped3A_80 : memref<!tpu.dma_semaphore, #tpu.memory_space<semaphore_mem>>)
      %dma_wait3A_89 = arith.constant 0 : i32
      %dma_wait3A_90 = tpu.memref_slice %arg7[%run_scoped3A_48, %dma_wait3A_89] : memref<125x80xi32, #tpu.memory_space<vmem>> -> memref<1x80xi32, #tpu.memory_space<vmem>>
      %dma_wait3A_91 = tpu.memref_squeeze %dma_wait3A_90 : memref<1x80xi32, #tpu.memory_space<vmem>> -> memref<80xi32, #tpu.memory_space<vmem>>
      %dma_wait3A_92 = tpu.memref_slice %arg3[%add3A_47] : memref<1280000xi32, #tpu.memory_space<hbm>> -> memref<80xi32, #tpu.memory_space<hbm>>
      %dma_wait3A_93 = arith.constant 0 : i32
      %dma_wait3A_94 = tpu.memref_slice %arg7[%run_scoped3A_48, %dma_wait3A_93] : memref<125x80xi32, #tpu.memory_space<vmem>> -> memref<1x80xi32, #tpu.memory_space<vmem>>
      %dma_wait3A_95 = tpu.memref_squeeze %dma_wait3A_94 : memref<1x80xi32, #tpu.memory_space<vmem>> -> memref<80xi32, #tpu.memory_space<vmem>>
      %dma_wait3A_96 = tpu.memref_slice %arg3[%add3A_47] : memref<1280000xi32, #tpu.memory_space<hbm>> -> memref<80xi32, #tpu.memory_space<hbm>>
      tpu.wait_dma2 semaphore(%run_scoped3A_80 : memref<!tpu.dma_semaphore, #tpu.memory_space<semaphore_mem>>) src(%dma_wait3A_96 : memref<80xi32, #tpu.memory_space<hbm>>) dst(%dma_wait3A_95 : memref<80xi32, #tpu.memory_space<vmem>>)
      tpu.yield
    }) : () -> ()
    %dma_start3A = arith.constant 0 : i32
    %dma_start3A_49 = tpu.memref_slice %arg6[%dma_start3A] : memref<10000xi32, #tpu.memory_space<vmem>> -> memref<80xi32, #tpu.memory_space<vmem>>
    %dma_start3A_50 = arith.constant 0 : i32
    %dma_start3A_51 = arith.constant 0 : i32
    %dma_start3A_52 = tpu.memref_slice %arg2[%dma_start3A_50, %dma_start3A_51] : memref<10000x128xf32, #tpu.memory_space<hbm>> -> memref<10000x128xf32, #tpu.memory_space<hbm>>
    tpu.enqueue_indirect_dma source(%dma_start3A_52 : memref<10000x128xf32, #tpu.memory_space<hbm>>) target(%arg8 : memref<80x128xf32, #tpu.memory_space<vmem>>) offsets(%dma_start3A_49 : memref<80xi32, #tpu.memory_space<vmem>>) semaphore(%arg14 : memref<!tpu.dma_semaphore, #tpu.memory_space<semaphore_mem>>)
    %scan3A_53 = arith.constant 0 : i32
    %scan3A_54 = arith.constant 62 : i32
    %scan3A_55 = arith.addi %scan3A_53, %scan3A_54 : i32
    %scan3A_56 = arith.constant 1 : i32
    scf.for %scan3A_80 = %scan3A_53 to %scan3A_55 step %scan3A_56  : i32 {
      %mul3A_81 = arith.constant 2 : i32
      %mul3A_82 = arith.muli %scan3A_80, %mul3A_81 : i32
      %add3A_83 = arith.constant 0 : i32
      %add3A_84 = arith.addi %add3A_83, %mul3A_82 : i32
      %add3A_85 = arith.constant 1 : i32
      %add3A_86 = arith.addi %add3A_84, %add3A_85 : i32
      %mul3A_87 = arith.constant 80 : i32
      %mul3A_88 = arith.muli %add3A_86, %mul3A_87 : i32
      %dma_start3A_89 = tpu.memref_slice %arg6[%mul3A_88] : memref<10000xi32, #tpu.memory_space<vmem>> -> memref<80xi32, #tpu.memory_space<vmem>>
      %dma_start3A_90 = arith.constant 0 : i32
      %dma_start3A_91 = arith.constant 0 : i32
      %dma_start3A_92 = tpu.memref_slice %arg2[%dma_start3A_90, %dma_start3A_91] : memref<10000x128xf32, #tpu.memory_space<hbm>> -> memref<10000x128xf32, #tpu.memory_space<hbm>>
      tpu.enqueue_indirect_dma source(%dma_start3A_92 : memref<10000x128xf32, #tpu.memory_space<hbm>>) target(%arg9 : memref<80x128xf32, #tpu.memory_space<vmem>>) offsets(%dma_start3A_89 : memref<80xi32, #tpu.memory_space<vmem>>) semaphore(%arg15 : memref<!tpu.dma_semaphore, #tpu.memory_space<semaphore_mem>>)
      %add3A_93 = arith.constant 2 : i32
      %add3A_94 = arith.addi %add3A_84, %add3A_93 : i32
      %mul3A_95 = arith.constant 80 : i32
      %mul3A_96 = arith.muli %add3A_94, %mul3A_95 : i32
      %add3A_97 = arith.addi %add3A_8, %mul3A_96 : i32
      %add3A_98 = arith.constant 2 : i32
      %add3A_99 = arith.addi %add3A_84, %add3A_98 : i32
      %dma_start3A_100 = arith.constant 0 : i32
      %dma_start3A_101 = tpu.memref_slice %arg7[%add3A_99, %dma_start3A_100] : memref<125x80xi32, #tpu.memory_space<vmem>> -> memref<1x80xi32, #tpu.memory_space<vmem>>
      %dma_start3A_102 = tpu.memref_squeeze %dma_start3A_101 : memref<1x80xi32, #tpu.memory_space<vmem>> -> memref<80xi32, #tpu.memory_space<vmem>>
      %dma_start3A_103 = tpu.memref_slice %arg3[%add3A_97] : memref<1280000xi32, #tpu.memory_space<hbm>> -> memref<80xi32, #tpu.memory_space<hbm>>
      %dma_start3A_104 = arith.constant 0 : i32
      %dma_start3A_105 = tpu.memref_slice %arg7[%add3A_99, %dma_start3A_104] : memref<125x80xi32, #tpu.memory_space<vmem>> -> memref<1x80xi32, #tpu.memory_space<vmem>>
      %dma_start3A_106 = tpu.memref_squeeze %dma_start3A_105 : memref<1x80xi32, #tpu.memory_space<vmem>> -> memref<80xi32, #tpu.memory_space<vmem>>
      %dma_start3A_107 = tpu.memref_slice %arg3[%add3A_97] : memref<1280000xi32, #tpu.memory_space<hbm>> -> memref<80xi32, #tpu.memory_space<hbm>>
      tpu.enqueue_dma source(%dma_start3A_107 : memref<80xi32, #tpu.memory_space<hbm>>) target(%dma_start3A_106 : memref<80xi32, #tpu.memory_space<vmem>>) target_semaphore(%arg16 : memref<!tpu.dma_semaphore, #tpu.memory_space<semaphore_mem>>)
      %mul3A_108 = arith.constant 80 : i32
      %mul3A_109 = arith.muli %add3A_84, %mul3A_108 : i32
      %dma_wait3A_110 = tpu.memref_slice %arg6[%mul3A_109] : memref<10000xi32, #tpu.memory_space<vmem>> -> memref<80xi32, #tpu.memory_space<vmem>>
      %dma_wait3A_111 = arith.constant 0 : i32
      %dma_wait3A_112 = arith.constant 0 : i32
      %dma_wait3A_113 = tpu.memref_slice %arg2[%dma_wait3A_111, %dma_wait3A_112] : memref<10000x128xf32, #tpu.memory_space<hbm>> -> memref<10000x128xf32, #tpu.memory_space<hbm>>
      tpu.wait_indirect_dma semaphore(%arg14 : memref<!tpu.dma_semaphore, #tpu.memory_space<semaphore_mem>>) src(%dma_wait3A_113 : memref<10000x128xf32, #tpu.memory_space<hbm>>) dst(%arg8 : memref<80x128xf32, #tpu.memory_space<vmem>>)
      "tpu.region"() ({
        %run_scoped3A_170 = tpu.sem_alloc : memref<!tpu.dma_semaphore, #tpu.memory_space<semaphore_mem>>
        %dma_start3A_171 = arith.constant 0 : i32
        %dma_start3A_172 = tpu.memref_slice %arg7[%add3A_84, %dma_start3A_171] : memref<125x80xi32, #tpu.memory_space<vmem>> -> memref<1x80xi32, #tpu.memory_space<vmem>>
        %dma_start3A_173 = tpu.memref_squeeze %dma_start3A_172 : memref<1x80xi32, #tpu.memory_space<vmem>> -> memref<80xi32, #tpu.memory_space<vmem>>
        %dma_start3A_174 = arith.constant 0 : i32
        %dma_start3A_175 = arith.constant 0 : i32
        %dma_start3A_176 = tpu.memref_slice %arg12[%dma_start3A_174, %dma_start3A_175] : memref<10240x128xf32, #tpu.memory_space<vmem_shared>> -> memref<10240x128xf32, #tpu.memory_space<vmem_shared>>
        tpu.enqueue_indirect_dma source(%arg8 : memref<80x128xf32, #tpu.memory_space<vmem>>) target(%dma_start3A_176 : memref<10240x128xf32, #tpu.memory_space<vmem_shared>>) offsets(%dma_start3A_173 : memref<80xi32, #tpu.memory_space<vmem>>) semaphore(%run_scoped3A_170 : memref<!tpu.dma_semaphore, #tpu.memory_space<semaphore_mem>>) {add = true}
        %dma_wait3A_177 = arith.constant 0 : i32
        %dma_wait3A_178 = tpu.memref_slice %arg7[%add3A_84, %dma_wait3A_177] : memref<125x80xi32, #tpu.memory_space<vmem>> -> memref<1x80xi32, #tpu.memory_space<vmem>>
        %dma_wait3A_179 = tpu.memref_squeeze %dma_wait3A_178 : memref<1x80xi32, #tpu.memory_space<vmem>> -> memref<80xi32, #tpu.memory_space<vmem>>
        %dma_wait3A_180 = arith.constant 0 : i32
        %dma_wait3A_181 = arith.constant 0 : i32
        %dma_wait3A_182 = tpu.memref_slice %arg12[%dma_wait3A_180, %dma_wait3A_181] : memref<10240x128xf32, #tpu.memory_space<vmem_shared>> -> memref<10240x128xf32, #tpu.memory_space<vmem_shared>>
        tpu.wait_indirect_dma semaphore(%run_scoped3A_170 : memref<!tpu.dma_semaphore, #tpu.memory_space<semaphore_mem>>) src(%arg8 : memref<80x128xf32, #tpu.memory_space<vmem>>) dst(%dma_wait3A_182 : memref<10240x128xf32, #tpu.memory_space<vmem_shared>>)
        tpu.yield
      }) : () -> ()
      %add3A_114 = arith.constant 2 : i32
      %add3A_115 = arith.addi %add3A_84, %add3A_114 : i32
      %mul3A_116 = arith.constant 80 : i32
      %mul3A_117 = arith.muli %add3A_115, %mul3A_116 : i32
      %dma_start3A_118 = tpu.memref_slice %arg6[%mul3A_117] : memref<10000xi32, #tpu.memory_space<vmem>> -> memref<80xi32, #tpu.memory_space<vmem>>
      %dma_start3A_119 = arith.constant 0 : i32
      %dma_start3A_120 = arith.constant 0 : i32
      %dma_start3A_121 = tpu.memref_slice %arg2[%dma_start3A_119, %dma_start3A_120] : memref<10000x128xf32, #tpu.memory_space<hbm>> -> memref<10000x128xf32, #tpu.memory_space<hbm>>
      tpu.enqueue_indirect_dma source(%dma_start3A_121 : memref<10000x128xf32, #tpu.memory_space<hbm>>) target(%arg8 : memref<80x128xf32, #tpu.memory_space<vmem>>) offsets(%dma_start3A_118 : memref<80xi32, #tpu.memory_space<vmem>>) semaphore(%arg14 : memref<!tpu.dma_semaphore, #tpu.memory_space<semaphore_mem>>)
      %dma_start3A_122 = arith.constant 0 : i32
      %dma_start3A_123 = tpu.memref_slice %arg7[%add3A_84, %dma_start3A_122] : memref<125x80xi32, #tpu.memory_space<vmem>> -> memref<1x80xi32, #tpu.memory_space<vmem>>
      %dma_start3A_124 = tpu.memref_squeeze %dma_start3A_123 : memref<1x80xi32, #tpu.memory_space<vmem>> -> memref<80xi32, #tpu.memory_space<vmem>>
      %dma_start3A_125 = arith.constant 0 : i32
      %dma_start3A_126 = tpu.memref_slice %arg13[%dma_start3A_125] : memref<10240xf32, #tpu.memory_space<vmem_shared>> -> memref<10240xf32, #tpu.memory_space<vmem_shared>>
      tpu.enqueue_indirect_dma source(%arg10 : memref<80xf32, #tpu.memory_space<vmem>>) target(%dma_start3A_126 : memref<10240xf32, #tpu.memory_space<vmem_shared>>) offsets(%dma_start3A_124 : memref<80xi32, #tpu.memory_space<vmem>>) semaphore(%arg17 : memref<!tpu.dma_semaphore, #tpu.memory_space<semaphore_mem>>) {add = true}
      %add3A_127 = arith.constant 3 : i32
      %add3A_128 = arith.addi %add3A_84, %add3A_127 : i32
      %lt3A = arith.constant 125 : i32
      %lt3A_129 = arith.cmpi slt, %add3A_128, %lt3A : i32
      %convert_element_type3A = arith.extui %lt3A_129 : i1 to i32
      %cond3A = arith.constant 0 : i32
      %cond3A_130 = arith.cmpi ne, %convert_element_type3A, %cond3A : i32
      scf.if %cond3A_130 {
        %add3A_170 = arith.constant 3 : i32
        %add3A_171 = arith.addi %add3A_84, %add3A_170 : i32
        %mul3A_172 = arith.constant 80 : i32
        %mul3A_173 = arith.muli %add3A_171, %mul3A_172 : i32
        %add3A_174 = arith.addi %add3A_8, %mul3A_173 : i32
        %add3A_175 = arith.constant 3 : i32
        %add3A_176 = arith.addi %add3A_84, %add3A_175 : i32
        %dma_start3A_177 = arith.constant 0 : i32
        %dma_start3A_178 = tpu.memref_slice %arg7[%add3A_176, %dma_start3A_177] : memref<125x80xi32, #tpu.memory_space<vmem>> -> memref<1x80xi32, #tpu.memory_space<vmem>>
        %dma_start3A_179 = tpu.memref_squeeze %dma_start3A_178 : memref<1x80xi32, #tpu.memory_space<vmem>> -> memref<80xi32, #tpu.memory_space<vmem>>
        %dma_start3A_180 = tpu.memref_slice %arg3[%add3A_174] : memref<1280000xi32, #tpu.memory_space<hbm>> -> memref<80xi32, #tpu.memory_space<hbm>>
        %dma_start3A_181 = arith.constant 0 : i32
        %dma_start3A_182 = tpu.memref_slice %arg7[%add3A_176, %dma_start3A_181] : memref<125x80xi32, #tpu.memory_space<vmem>> -> memref<1x80xi32, #tpu.memory_space<vmem>>
        %dma_start3A_183 = tpu.memref_squeeze %dma_start3A_182 : memref<1x80xi32, #tpu.memory_space<vmem>> -> memref<80xi32, #tpu.memory_space<vmem>>
        %dma_start3A_184 = tpu.memref_slice %arg3[%add3A_174] : memref<1280000xi32, #tpu.memory_space<hbm>> -> memref<80xi32, #tpu.memory_space<hbm>>
        tpu.enqueue_dma source(%dma_start3A_184 : memref<80xi32, #tpu.memory_space<hbm>>) target(%dma_start3A_183 : memref<80xi32, #tpu.memory_space<vmem>>) target_semaphore(%arg16 : memref<!tpu.dma_semaphore, #tpu.memory_space<semaphore_mem>>)
      } else {
      }
      %dma_wait3A_131 = tpu.memref_slice %arg6[%mul3A_88] : memref<10000xi32, #tpu.memory_space<vmem>> -> memref<80xi32, #tpu.memory_space<vmem>>
      %dma_wait3A_132 = arith.constant 0 : i32
      %dma_wait3A_133 = arith.constant 0 : i32
      %dma_wait3A_134 = tpu.memref_slice %arg2[%dma_wait3A_132, %dma_wait3A_133] : memref<10000x128xf32, #tpu.memory_space<hbm>> -> memref<10000x128xf32, #tpu.memory_space<hbm>>
      tpu.wait_indirect_dma semaphore(%arg15 : memref<!tpu.dma_semaphore, #tpu.memory_space<semaphore_mem>>) src(%dma_wait3A_134 : memref<10000x128xf32, #tpu.memory_space<hbm>>) dst(%arg9 : memref<80x128xf32, #tpu.memory_space<vmem>>)
      %add3A_135 = arith.constant 1 : i32
      %add3A_136 = arith.addi %add3A_84, %add3A_135 : i32
      "tpu.region"() ({
        %run_scoped3A_170 = tpu.sem_alloc : memref<!tpu.dma_semaphore, #tpu.memory_space<semaphore_mem>>
        %dma_start3A_171 = arith.constant 0 : i32
        %dma_start3A_172 = tpu.memref_slice %arg7[%add3A_136, %dma_start3A_171] : memref<125x80xi32, #tpu.memory_space<vmem>> -> memref<1x80xi32, #tpu.memory_space<vmem>>
        %dma_start3A_173 = tpu.memref_squeeze %dma_start3A_172 : memref<1x80xi32, #tpu.memory_space<vmem>> -> memref<80xi32, #tpu.memory_space<vmem>>
        %dma_start3A_174 = arith.constant 0 : i32
        %dma_start3A_175 = arith.constant 0 : i32
        %dma_start3A_176 = tpu.memref_slice %arg12[%dma_start3A_174, %dma_start3A_175] : memref<10240x128xf32, #tpu.memory_space<vmem_shared>> -> memref<10240x128xf32, #tpu.memory_space<vmem_shared>>
        tpu.enqueue_indirect_dma source(%arg9 : memref<80x128xf32, #tpu.memory_space<vmem>>) target(%dma_start3A_176 : memref<10240x128xf32, #tpu.memory_space<vmem_shared>>) offsets(%dma_start3A_173 : memref<80xi32, #tpu.memory_space<vmem>>) semaphore(%run_scoped3A_170 : memref<!tpu.dma_semaphore, #tpu.memory_space<semaphore_mem>>) {add = true}
        %dma_wait3A_177 = arith.constant 0 : i32
        %dma_wait3A_178 = tpu.memref_slice %arg7[%add3A_136, %dma_wait3A_177] : memref<125x80xi32, #tpu.memory_space<vmem>> -> memref<1x80xi32, #tpu.memory_space<vmem>>
        %dma_wait3A_179 = tpu.memref_squeeze %dma_wait3A_178 : memref<1x80xi32, #tpu.memory_space<vmem>> -> memref<80xi32, #tpu.memory_space<vmem>>
        %dma_wait3A_180 = arith.constant 0 : i32
        %dma_wait3A_181 = arith.constant 0 : i32
        %dma_wait3A_182 = tpu.memref_slice %arg12[%dma_wait3A_180, %dma_wait3A_181] : memref<10240x128xf32, #tpu.memory_space<vmem_shared>> -> memref<10240x128xf32, #tpu.memory_space<vmem_shared>>
        tpu.wait_indirect_dma semaphore(%run_scoped3A_170 : memref<!tpu.dma_semaphore, #tpu.memory_space<semaphore_mem>>) src(%arg9 : memref<80x128xf32, #tpu.memory_space<vmem>>) dst(%dma_wait3A_182 : memref<10240x128xf32, #tpu.memory_space<vmem_shared>>)
        tpu.yield
      }) : () -> ()
      %add3A_137 = arith.constant 1 : i32
      %add3A_138 = arith.addi %add3A_84, %add3A_137 : i32
      %dma_start3A_139 = arith.constant 0 : i32
      %dma_start3A_140 = tpu.memref_slice %arg7[%add3A_138, %dma_start3A_139] : memref<125x80xi32, #tpu.memory_space<vmem>> -> memref<1x80xi32, #tpu.memory_space<vmem>>
      %dma_start3A_141 = tpu.memref_squeeze %dma_start3A_140 : memref<1x80xi32, #tpu.memory_space<vmem>> -> memref<80xi32, #tpu.memory_space<vmem>>
      %dma_start3A_142 = arith.constant 0 : i32
      %dma_start3A_143 = tpu.memref_slice %arg13[%dma_start3A_142] : memref<10240xf32, #tpu.memory_space<vmem_shared>> -> memref<10240xf32, #tpu.memory_space<vmem_shared>>
      tpu.enqueue_indirect_dma source(%arg10 : memref<80xf32, #tpu.memory_space<vmem>>) target(%dma_start3A_143 : memref<10240xf32, #tpu.memory_space<vmem_shared>>) offsets(%dma_start3A_141 : memref<80xi32, #tpu.memory_space<vmem>>) semaphore(%arg17 : memref<!tpu.dma_semaphore, #tpu.memory_space<semaphore_mem>>) {add = true}
      %gt3A = arith.constant 0 : i32
      %gt3A_144 = arith.cmpi sgt, %add3A_84, %gt3A : i32
      %convert_element_type3A_145 = arith.extui %gt3A_144 : i1 to i32
      %cond3A_146 = arith.constant 0 : i32
      %cond3A_147 = arith.cmpi ne, %convert_element_type3A_145, %cond3A_146 : i32
      scf.if %cond3A_147 {
        %sub3A = arith.constant 2 : i32
        %sub3A_170 = arith.subi %add3A_84, %sub3A : i32
        %dma_wait3A_171 = arith.constant 0 : i32
        %dma_wait3A_172 = tpu.memref_slice %arg7[%sub3A_170, %dma_wait3A_171] : memref<125x80xi32, #tpu.memory_space<vmem>> -> memref<1x80xi32, #tpu.memory_space<vmem>>
        %dma_wait3A_173 = tpu.memref_squeeze %dma_wait3A_172 : memref<1x80xi32, #tpu.memory_space<vmem>> -> memref<80xi32, #tpu.memory_space<vmem>>
        %dma_wait3A_174 = arith.constant 0 : i32
        %dma_wait3A_175 = tpu.memref_slice %arg13[%dma_wait3A_174] : memref<10240xf32, #tpu.memory_space<vmem_shared>> -> memref<10240xf32, #tpu.memory_space<vmem_shared>>
        tpu.wait_indirect_dma semaphore(%arg17 : memref<!tpu.dma_semaphore, #tpu.memory_space<semaphore_mem>>) src(%arg10 : memref<80xf32, #tpu.memory_space<vmem>>) dst(%dma_wait3A_175 : memref<10240xf32, #tpu.memory_space<vmem_shared>>)
        %sub3A_176 = arith.constant 1 : i32
        %sub3A_177 = arith.subi %add3A_84, %sub3A_176 : i32
        %dma_wait3A_178 = arith.constant 0 : i32
        %dma_wait3A_179 = tpu.memref_slice %arg7[%sub3A_177, %dma_wait3A_178] : memref<125x80xi32, #tpu.memory_space<vmem>> -> memref<1x80xi32, #tpu.memory_space<vmem>>
        %dma_wait3A_180 = tpu.memref_squeeze %dma_wait3A_179 : memref<1x80xi32, #tpu.memory_space<vmem>> -> memref<80xi32, #tpu.memory_space<vmem>>
        %dma_wait3A_181 = arith.constant 0 : i32
        %dma_wait3A_182 = tpu.memref_slice %arg13[%dma_wait3A_181] : memref<10240xf32, #tpu.memory_space<vmem_shared>> -> memref<10240xf32, #tpu.memory_space<vmem_shared>>
        tpu.wait_indirect_dma semaphore(%arg17 : memref<!tpu.dma_semaphore, #tpu.memory_space<semaphore_mem>>) src(%arg10 : memref<80xf32, #tpu.memory_space<vmem>>) dst(%dma_wait3A_182 : memref<10240xf32, #tpu.memory_space<vmem_shared>>)
      } else {
      }
      %add3A_148 = arith.constant 2 : i32
      %add3A_149 = arith.addi %add3A_84, %add3A_148 : i32
      %mul3A_150 = arith.constant 80 : i32
      %mul3A_151 = arith.muli %add3A_149, %mul3A_150 : i32
      %add3A_152 = arith.addi %add3A_8, %mul3A_151 : i32
      %add3A_153 = arith.constant 2 : i32
      %add3A_154 = arith.addi %add3A_84, %add3A_153 : i32
      %dma_wait3A_155 = arith.constant 0 : i32
      %dma_wait3A_156 = tpu.memref_slice %arg7[%add3A_154, %dma_wait3A_155] : memref<125x80xi32, #tpu.memory_space<vmem>> -> memref<1x80xi32, #tpu.memory_space<vmem>>
      %dma_wait3A_157 = tpu.memref_squeeze %dma_wait3A_156 : memref<1x80xi32, #tpu.memory_space<vmem>> -> memref<80xi32, #tpu.memory_space<vmem>>
      %dma_wait3A_158 = tpu.memref_slice %arg3[%add3A_152] : memref<1280000xi32, #tpu.memory_space<hbm>> -> memref<80xi32, #tpu.memory_space<hbm>>
      %dma_wait3A_159 = arith.constant 0 : i32
      %dma_wait3A_160 = tpu.memref_slice %arg7[%add3A_154, %dma_wait3A_159] : memref<125x80xi32, #tpu.memory_space<vmem>> -> memref<1x80xi32, #tpu.memory_space<vmem>>
      %dma_wait3A_161 = tpu.memref_squeeze %dma_wait3A_160 : memref<1x80xi32, #tpu.memory_space<vmem>> -> memref<80xi32, #tpu.memory_space<vmem>>
      %dma_wait3A_162 = tpu.memref_slice %arg3[%add3A_152] : memref<1280000xi32, #tpu.memory_space<hbm>> -> memref<80xi32, #tpu.memory_space<hbm>>
      tpu.wait_dma2 semaphore(%arg16 : memref<!tpu.dma_semaphore, #tpu.memory_space<semaphore_mem>>) src(%dma_wait3A_162 : memref<80xi32, #tpu.memory_space<hbm>>) dst(%dma_wait3A_161 : memref<80xi32, #tpu.memory_space<vmem>>)
      %add3A_163 = arith.constant 3 : i32
      %add3A_164 = arith.addi %add3A_84, %add3A_163 : i32
      %lt3A_165 = arith.constant 125 : i32
      %lt3A_166 = arith.cmpi slt, %add3A_164, %lt3A_165 : i32
      %convert_element_type3A_167 = arith.extui %lt3A_166 : i1 to i32
      %cond3A_168 = arith.constant 0 : i32
      %cond3A_169 = arith.cmpi ne, %convert_element_type3A_167, %cond3A_168 : i32
      scf.if %cond3A_169 {
        %add3A_170 = arith.constant 3 : i32
        %add3A_171 = arith.addi %add3A_84, %add3A_170 : i32
        %mul3A_172 = arith.constant 80 : i32
        %mul3A_173 = arith.muli %add3A_171, %mul3A_172 : i32
        %add3A_174 = arith.addi %add3A_8, %mul3A_173 : i32
        %add3A_175 = arith.constant 3 : i32
        %add3A_176 = arith.addi %add3A_84, %add3A_175 : i32
        %dma_wait3A_177 = arith.constant 0 : i32
        %dma_wait3A_178 = tpu.memref_slice %arg7[%add3A_176, %dma_wait3A_177] : memref<125x80xi32, #tpu.memory_space<vmem>> -> memref<1x80xi32, #tpu.memory_space<vmem>>
        %dma_wait3A_179 = tpu.memref_squeeze %dma_wait3A_178 : memref<1x80xi32, #tpu.memory_space<vmem>> -> memref<80xi32, #tpu.memory_space<vmem>>
        %dma_wait3A_180 = tpu.memref_slice %arg3[%add3A_174] : memref<1280000xi32, #tpu.memory_space<hbm>> -> memref<80xi32, #tpu.memory_space<hbm>>
        %dma_wait3A_181 = arith.constant 0 : i32
        %dma_wait3A_182 = tpu.memref_slice %arg7[%add3A_176, %dma_wait3A_181] : memref<125x80xi32, #tpu.memory_space<vmem>> -> memref<1x80xi32, #tpu.memory_space<vmem>>
        %dma_wait3A_183 = tpu.memref_squeeze %dma_wait3A_182 : memref<1x80xi32, #tpu.memory_space<vmem>> -> memref<80xi32, #tpu.memory_space<vmem>>
        %dma_wait3A_184 = tpu.memref_slice %arg3[%add3A_174] : memref<1280000xi32, #tpu.memory_space<hbm>> -> memref<80xi32, #tpu.memory_space<hbm>>
        tpu.wait_dma2 semaphore(%arg16 : memref<!tpu.dma_semaphore, #tpu.memory_space<semaphore_mem>>) src(%dma_wait3A_184 : memref<80xi32, #tpu.memory_space<hbm>>) dst(%dma_wait3A_183 : memref<80xi32, #tpu.memory_space<vmem>>)
      } else {
      }
    }
    %scan3A_57 = arith.constant 62 : i32
    %dma_wait3A = arith.constant 9920 : i32
    %dma_wait3A_58 = tpu.memref_slice %arg6[%dma_wait3A] : memref<10000xi32, #tpu.memory_space<vmem>> -> memref<80xi32, #tpu.memory_space<vmem>>
    %dma_wait3A_59 = arith.constant 0 : i32
    %dma_wait3A_60 = arith.constant 0 : i32
    %dma_wait3A_61 = tpu.memref_slice %arg2[%dma_wait3A_59, %dma_wait3A_60] : memref<10000x128xf32, #tpu.memory_space<hbm>> -> memref<10000x128xf32, #tpu.memory_space<hbm>>
    tpu.wait_indirect_dma semaphore(%arg14 : memref<!tpu.dma_semaphore, #tpu.memory_space<semaphore_mem>>) src(%dma_wait3A_61 : memref<10000x128xf32, #tpu.memory_space<hbm>>) dst(%arg8 : memref<80x128xf32, #tpu.memory_space<vmem>>)
    %run_scoped3A_62 = arith.constant 124 : i32
    "tpu.region"() ({
      %run_scoped3A_80 = tpu.sem_alloc : memref<!tpu.dma_semaphore, #tpu.memory_space<semaphore_mem>>
      %dma_start3A_81 = arith.constant 0 : i32
      %dma_start3A_82 = tpu.memref_slice %arg7[%run_scoped3A_62, %dma_start3A_81] : memref<125x80xi32, #tpu.memory_space<vmem>> -> memref<1x80xi32, #tpu.memory_space<vmem>>
      %dma_start3A_83 = tpu.memref_squeeze %dma_start3A_82 : memref<1x80xi32, #tpu.memory_space<vmem>> -> memref<80xi32, #tpu.memory_space<vmem>>
      %dma_start3A_84 = arith.constant 0 : i32
      %dma_start3A_85 = arith.constant 0 : i32
      %dma_start3A_86 = tpu.memref_slice %arg12[%dma_start3A_84, %dma_start3A_85] : memref<10240x128xf32, #tpu.memory_space<vmem_shared>> -> memref<10240x128xf32, #tpu.memory_space<vmem_shared>>
      tpu.enqueue_indirect_dma source(%arg8 : memref<80x128xf32, #tpu.memory_space<vmem>>) target(%dma_start3A_86 : memref<10240x128xf32, #tpu.memory_space<vmem_shared>>) offsets(%dma_start3A_83 : memref<80xi32, #tpu.memory_space<vmem>>) semaphore(%run_scoped3A_80 : memref<!tpu.dma_semaphore, #tpu.memory_space<semaphore_mem>>) {add = true}
      %dma_wait3A_87 = arith.constant 0 : i32
      %dma_wait3A_88 = tpu.memref_slice %arg7[%run_scoped3A_62, %dma_wait3A_87] : memref<125x80xi32, #tpu.memory_space<vmem>> -> memref<1x80xi32, #tpu.memory_space<vmem>>
      %dma_wait3A_89 = tpu.memref_squeeze %dma_wait3A_88 : memref<1x80xi32, #tpu.memory_space<vmem>> -> memref<80xi32, #tpu.memory_space<vmem>>
      %dma_wait3A_90 = arith.constant 0 : i32
      %dma_wait3A_91 = arith.constant 0 : i32
      %dma_wait3A_92 = tpu.memref_slice %arg12[%dma_wait3A_90, %dma_wait3A_91] : memref<10240x128xf32, #tpu.memory_space<vmem_shared>> -> memref<10240x128xf32, #tpu.memory_space<vmem_shared>>
      tpu.wait_indirect_dma semaphore(%run_scoped3A_80 : memref<!tpu.dma_semaphore, #tpu.memory_space<semaphore_mem>>) src(%arg8 : memref<80x128xf32, #tpu.memory_space<vmem>>) dst(%dma_wait3A_92 : memref<10240x128xf32, #tpu.memory_space<vmem_shared>>)
      tpu.yield
    }) : () -> ()
    %run_scoped3A_63 = arith.constant 124 : i32
    "tpu.region"() ({
      %run_scoped3A_80 = tpu.sem_alloc : memref<!tpu.dma_semaphore, #tpu.memory_space<semaphore_mem>>
      %dma_start3A_81 = arith.constant 0 : i32
      %dma_start3A_82 = tpu.memref_slice %arg7[%run_scoped3A_63, %dma_start3A_81] : memref<125x80xi32, #tpu.memory_space<vmem>> -> memref<1x80xi32, #tpu.memory_space<vmem>>
      %dma_start3A_83 = tpu.memref_squeeze %dma_start3A_82 : memref<1x80xi32, #tpu.memory_space<vmem>> -> memref<80xi32, #tpu.memory_space<vmem>>
      %dma_start3A_84 = arith.constant 0 : i32
      %dma_start3A_85 = tpu.memref_slice %arg13[%dma_start3A_84] : memref<10240xf32, #tpu.memory_space<vmem_shared>> -> memref<10240xf32, #tpu.memory_space<vmem_shared>>
      tpu.enqueue_indirect_dma source(%arg10 : memref<80xf32, #tpu.memory_space<vmem>>) target(%dma_start3A_85 : memref<10240xf32, #tpu.memory_space<vmem_shared>>) offsets(%dma_start3A_83 : memref<80xi32, #tpu.memory_space<vmem>>) semaphore(%run_scoped3A_80 : memref<!tpu.dma_semaphore, #tpu.memory_space<semaphore_mem>>) {add = true}
      %dma_wait3A_86 = arith.constant 0 : i32
      %dma_wait3A_87 = tpu.memref_slice %arg7[%run_scoped3A_63, %dma_wait3A_86] : memref<125x80xi32, #tpu.memory_space<vmem>> -> memref<1x80xi32, #tpu.memory_space<vmem>>
      %dma_wait3A_88 = tpu.memref_squeeze %dma_wait3A_87 : memref<1x80xi32, #tpu.memory_space<vmem>> -> memref<80xi32, #tpu.memory_space<vmem>>
      %dma_wait3A_89 = arith.constant 0 : i32
      %dma_wait3A_90 = tpu.memref_slice %arg13[%dma_wait3A_89] : memref<10240xf32, #tpu.memory_space<vmem_shared>> -> memref<10240xf32, #tpu.memory_space<vmem_shared>>
      tpu.wait_indirect_dma semaphore(%run_scoped3A_80 : memref<!tpu.dma_semaphore, #tpu.memory_space<semaphore_mem>>) src(%arg10 : memref<80xf32, #tpu.memory_space<vmem>>) dst(%dma_wait3A_90 : memref<10240xf32, #tpu.memory_space<vmem_shared>>)
      tpu.yield
    }) : () -> ()
    %dma_wait3A_64 = arith.constant 122 : i32
    %dma_wait3A_65 = arith.constant 0 : i32
    %dma_wait3A_66 = tpu.memref_slice %arg7[%dma_wait3A_64, %dma_wait3A_65] : memref<125x80xi32, #tpu.memory_space<vmem>> -> memref<1x80xi32, #tpu.memory_space<vmem>>
    %dma_wait3A_67 = tpu.memref_squeeze %dma_wait3A_66 : memref<1x80xi32, #tpu.memory_space<vmem>> -> memref<80xi32, #tpu.memory_space<vmem>>
    %dma_wait3A_68 = arith.constant 0 : i32
    %dma_wait3A_69 = tpu.memref_slice %arg13[%dma_wait3A_68] : memref<10240xf32, #tpu.memory_space<vmem_shared>> -> memref<10240xf32, #tpu.memory_space<vmem_shared>>
    tpu.wait_indirect_dma semaphore(%arg17 : memref<!tpu.dma_semaphore, #tpu.memory_space<semaphore_mem>>) src(%arg10 : memref<80xf32, #tpu.memory_space<vmem>>) dst(%dma_wait3A_69 : memref<10240xf32, #tpu.memory_space<vmem_shared>>)
    %dma_wait3A_70 = arith.constant 123 : i32
    %dma_wait3A_71 = arith.constant 0 : i32
    %dma_wait3A_72 = tpu.memref_slice %arg7[%dma_wait3A_70, %dma_wait3A_71] : memref<125x80xi32, #tpu.memory_space<vmem>> -> memref<1x80xi32, #tpu.memory_space<vmem>>
    %dma_wait3A_73 = tpu.memref_squeeze %dma_wait3A_72 : memref<1x80xi32, #tpu.memory_space<vmem>> -> memref<80xi32, #tpu.memory_space<vmem>>
    %dma_wait3A_74 = arith.constant 0 : i32
    %dma_wait3A_75 = tpu.memref_slice %arg13[%dma_wait3A_74] : memref<10240xf32, #tpu.memory_space<vmem_shared>> -> memref<10240xf32, #tpu.memory_space<vmem_shared>>
    tpu.wait_indirect_dma semaphore(%arg17 : memref<!tpu.dma_semaphore, #tpu.memory_space<semaphore_mem>>) src(%arg10 : memref<80xf32, #tpu.memory_space<vmem>>) dst(%dma_wait3A_75 : memref<10240xf32, #tpu.memory_space<vmem_shared>>)
    %barrier3A_76 = arith.constant 0 : index
    tpu.barrier barrier_id(%barrier3A_76)
    %mul3A_77 = arith.constant 10240 : i32
    %mul3A_78 = arith.muli %arg0, %mul3A_77 : i32
    %add3A_79 = arith.addi %mul3A_78, %mul3A_27 : i32
    "tpu.region"() ({
      %run_scoped3A_80 = tpu.sem_alloc : memref<!tpu.dma_semaphore, #tpu.memory_space<semaphore_mem>>
      %dma_start3A_81 = arith.constant 0 : i32
      %dma_start3A_82 = tpu.memref_slice %arg4[%add3A_79, %dma_start3A_81] : memref<20480x128xf32, #tpu.memory_space<hbm>> -> memref<640x128xf32, #tpu.memory_space<hbm>>
      %dma_start3A_83 = arith.constant 0 : i32
      %dma_start3A_84 = tpu.memref_slice %arg12[%mul3A_27, %dma_start3A_83] : memref<10240x128xf32, #tpu.memory_space<vmem_shared>> -> memref<640x128xf32, #tpu.memory_space<vmem_shared>>
      tpu.enqueue_dma source(%dma_start3A_84 : memref<640x128xf32, #tpu.memory_space<vmem_shared>>) target(%dma_start3A_82 : memref<640x128xf32, #tpu.memory_space<hbm>>) target_semaphore(%run_scoped3A_80 : memref<!tpu.dma_semaphore, #tpu.memory_space<semaphore_mem>>)
      %dma_wait3A_85 = arith.constant 0 : i32
      %dma_wait3A_86 = tpu.memref_slice %arg4[%add3A_79, %dma_wait3A_85] : memref<20480x128xf32, #tpu.memory_space<hbm>> -> memref<640x128xf32, #tpu.memory_space<hbm>>
      %dma_wait3A_87 = arith.constant 0 : i32
      %dma_wait3A_88 = tpu.memref_slice %arg12[%mul3A_27, %dma_wait3A_87] : memref<10240x128xf32, #tpu.memory_space<vmem_shared>> -> memref<640x128xf32, #tpu.memory_space<vmem_shared>>
      tpu.wait_dma2 semaphore(%run_scoped3A_80 : memref<!tpu.dma_semaphore, #tpu.memory_space<semaphore_mem>>) src(%dma_wait3A_88 : memref<640x128xf32, #tpu.memory_space<vmem_shared>>) dst(%dma_wait3A_86 : memref<640x128xf32, #tpu.memory_space<hbm>>)
      tpu.yield
    }) : () -> ()
    "tpu.region"() ({
      %run_scoped3A_80 = tpu.sem_alloc : memref<!tpu.dma_semaphore, #tpu.memory_space<semaphore_mem>>
      %dma_start3A_81 = tpu.memref_slice %arg5[%arg0, %mul3A_27] : memref<2x10240xf32, #tpu.memory_space<hbm>> -> memref<1x640xf32, #tpu.memory_space<hbm>>
      %dma_start3A_82 = tpu.memref_squeeze %dma_start3A_81 : memref<1x640xf32, #tpu.memory_space<hbm>> -> memref<640xf32, #tpu.memory_space<hbm>>
      %dma_start3A_83 = tpu.memref_slice %arg13[%mul3A_27] : memref<10240xf32, #tpu.memory_space<vmem_shared>> -> memref<640xf32, #tpu.memory_space<vmem_shared>>
      tpu.enqueue_dma source(%dma_start3A_83 : memref<640xf32, #tpu.memory_space<vmem_shared>>) target(%dma_start3A_82 : memref<640xf32, #tpu.memory_space<hbm>>) target_semaphore(%run_scoped3A_80 : memref<!tpu.dma_semaphore, #tpu.memory_space<semaphore_mem>>)
      %dma_wait3A_84 = tpu.memref_slice %arg5[%arg0, %mul3A_27] : memref<2x10240xf32, #tpu.memory_space<hbm>> -> memref<1x640xf32, #tpu.memory_space<hbm>>
      %dma_wait3A_85 = tpu.memref_squeeze %dma_wait3A_84 : memref<1x640xf32, #tpu.memory_space<hbm>> -> memref<640xf32, #tpu.memory_space<hbm>>
      %dma_wait3A_86 = tpu.memref_slice %arg13[%mul3A_27] : memref<10240xf32, #tpu.memory_space<vmem_shared>> -> memref<640xf32, #tpu.memory_space<vmem_shared>>
      tpu.wait_dma2 semaphore(%run_scoped3A_80 : memref<!tpu.dma_semaphore, #tpu.memory_space<semaphore_mem>>) src(%dma_wait3A_86 : memref<640xf32, #tpu.memory_space<vmem_shared>>) dst(%dma_wait3A_85 : memref<640xf32, #tpu.memory_space<hbm>>)
      tpu.yield
    }) : () -> ()
    return
  }
}

module attributes {stable_mosaic.version = 14 : i64} {
  func.func @_tc_combine_mm(%arg0: i32, %arg1: memref<1024x128xf32, #tpu.memory_space<vmem>>, %arg2: memref<1024x128xf32, #tpu.memory_space<vmem>>, %arg3: memref<1024x128xf32, #tpu.memory_space<vmem>>, %arg4: memref<2x1024xf32, #tpu.memory_space<vmem>>, %arg5: memref<128x128xf32, #tpu.memory_space<vmem>>, %arg6: memref<1x128xf32, #tpu.memory_space<vmem>>, %arg7: memref<1024x128xf32, #tpu.memory_space<vmem>>) attributes {dimension_semantics = [#tpu.dimension_semantics<arbitrary>], iteration_bounds = array<i64: 10>, scalar_prefetch = 0 : i64, scratch_operands = 0 : i64, tpu.core_type = #tpu.core_type<tc>, window_params = [{transform_indices = @transform_0, window_bounds = array<i64: 1024, 128>}, {transform_indices = @transform_1, window_bounds = array<i64: 1024, 128>}, {transform_indices = @transform_2, window_bounds = array<i64: 1024, 128>}, {transform_indices = @transform_3, window_bounds = array<i64: 2, 1024>}, {pipeline_mode = #tpu.pipeline_mode<synchronous>, transform_indices = @transform_4, window_bounds = array<i64: 128, 128>}, {pipeline_mode = #tpu.pipeline_mode<synchronous>, transform_indices = @transform_5, window_bounds = array<i64: 1, 128>}, {transform_indices = @transform_6, window_bounds = array<i64: 1024, 128>}]} {
    %get3A = arith.constant 0 : index
    %get3A_0 = arith.constant 0 : index
    %get3A_1 = vector.load %arg2[%get3A, %get3A_0] : memref<1024x128xf32, #tpu.memory_space<vmem>>, vector<1024x128xf32>
    %get3A_2 = arith.constant 0 : index
    %get3A_3 = arith.constant 0 : index
    %get3A_4 = vector.load %arg3[%get3A_2, %get3A_3] : memref<1024x128xf32, #tpu.memory_space<vmem>>, vector<1024x128xf32>
    %add3A = arith.addf %get3A_1, %get3A_4 : vector<1024x128xf32>
    %get3A_5 = arith.constant 0 : index
    %get3A_6 = arith.constant 0 : index
    %get3A_7 = vector.load %arg4[%get3A_5, %get3A_6] : memref<2x1024xf32, #tpu.memory_space<vmem>>, vector<1x1024xf32>
    %get3A_8 = vector.shape_cast %get3A_7 : vector<1x1024xf32> to vector<1024xf32>
    %get3A_9 = arith.constant 1 : index
    %get3A_10 = arith.constant 0 : index
    %get3A_11 = vector.load %arg4[%get3A_9, %get3A_10] : memref<2x1024xf32, #tpu.memory_space<vmem>>, vector<1x1024xf32>
    %get3A_12 = vector.shape_cast %get3A_11 : vector<1x1024xf32> to vector<1024xf32>
    %add3A_13 = arith.addf %get3A_8, %get3A_12 : vector<1024xf32>
    %reshape3A = vector.shape_cast %add3A_13 : vector<1024xf32> to vector<1024x1xf32>
    %get3A_14 = arith.constant 0 : index
    %get3A_15 = arith.constant 0 : index
    %get3A_16 = vector.load %arg1[%get3A_14, %get3A_15] : memref<1024x128xf32, #tpu.memory_space<vmem>>, vector<1024x128xf32>
    %max3A = arith.constant 1.000000e+00 : f32
    %max3A_17 = vector.broadcast %max3A : f32 to vector<1024x1xf32>
    %max3A_18 = arith.maximumf %reshape3A, %max3A_17 : vector<1024x1xf32>
    %div3A = vector.broadcast %max3A_18 : vector<1024x1xf32> to vector<1024x128xf32>
    %div3A_19 = arith.divf %add3A, %div3A : vector<1024x128xf32>
    %add3A_20 = arith.addf %get3A_16, %div3A_19 : vector<1024x128xf32>
    %max3A_21 = arith.constant 0.000000e+00 : f32
    %max3A_22 = vector.broadcast %max3A_21 : f32 to vector<1024x128xf32>
    %max3A_23 = arith.maximumf %add3A_20, %max3A_22 : vector<1024x128xf32>
    %mul3A = arith.mulf %max3A_23, %max3A_23 : vector<1024x128xf32>
    %reduce_sum3A = arith.constant dense<0.000000e+00> : vector<1024xf32>
    %reduce_sum3A_24 = vector.multi_reduction <add>, %mul3A, %reduce_sum3A [1] : vector<1024x128xf32> to vector<1024xf32>
    %broadcast_in_dim3A = vector.shape_cast %reduce_sum3A_24 : vector<1024xf32> to vector<1024x1xf32>
    %sqrt3A = math.sqrt %broadcast_in_dim3A : vector<1024x1xf32>
    %add3A_25 = arith.constant 1.000000e-07 : f32
    %add3A_26 = vector.broadcast %add3A_25 : f32 to vector<1024x1xf32>
    %add3A_27 = arith.addf %sqrt3A, %add3A_26 : vector<1024x1xf32>
    %div3A_28 = vector.broadcast %add3A_27 : vector<1024x1xf32> to vector<1024x128xf32>
    %div3A_29 = arith.divf %max3A_23, %div3A_28 : vector<1024x128xf32>
    %get3A_30 = arith.constant 0 : index
    %get3A_31 = arith.constant 0 : index
    %get3A_32 = vector.load %arg5[%get3A_30, %get3A_31] : memref<128x128xf32, #tpu.memory_space<vmem>>, vector<128x128xf32>
    %dot_general3A = arith.constant dense<0.000000e+00> : vector<1024x128xf32>
    %dot_general3A_33 = tpu.matmul %div3A_29, %get3A_32, %dot_general3A {dimension_numbers = #tpu.dot_dimension_numbers<[1], [0], [0], [1], [0, 0, 1, 1], [], []>, transpose_lhs_hint = false} : vector<1024x128xf32>, vector<128x128xf32>, vector<1024x128xf32> -> vector<1024x128xf32>
    %get3A_34 = arith.constant 0 : index
    %get3A_35 = arith.constant 0 : index
    %get3A_36 = vector.load %arg6[%get3A_34, %get3A_35] : memref<1x128xf32, #tpu.memory_space<vmem>>, vector<1x128xf32>
    %add3A_37 = vector.broadcast %get3A_36 : vector<1x128xf32> to vector<1024x128xf32>
    %add3A_38 = arith.addf %dot_general3A_33, %add3A_37 : vector<1024x128xf32>
    %swap3A = arith.constant 0 : index
    %swap3A_39 = arith.constant 0 : index
    %swap3A_40 = vector.load %arg7[%swap3A, %swap3A_39] : memref<1024x128xf32, #tpu.memory_space<vmem>>, vector<1024x128xf32>
    tpu.vector_store %arg7[%swap3A, %swap3A_39], %add3A_38 {strides = array<i32>} : memref<1024x128xf32, #tpu.memory_space<vmem>>, vector<1024x128xf32>,
    return
  }
  func.func @transform_0(%arg0: i32) -> (i32, i32) {
    %c0_i32 = arith.constant 0 : i32
    %c0_i32_0 = arith.constant 0 : i32
    return %arg0, %c0_i32 : i32, i32
  }
  func.func @transform_1(%arg0: i32) -> (i32, i32) {
    %c0_i32 = arith.constant 0 : i32
    %c0_i32_0 = arith.constant 0 : i32
    return %arg0, %c0_i32 : i32, i32
  }
  func.func @transform_2(%arg0: i32) -> (i32, i32) {
    %add3A = arith.constant 10 : i32
    %add3A_0 = arith.addi %add3A, %arg0 : i32
    %c0_i32 = arith.constant 0 : i32
    %c0_i32_1 = arith.constant 0 : i32
    return %add3A_0, %c0_i32 : i32, i32
  }
  func.func @transform_3(%arg0: i32) -> (i32, i32) {
    %c0_i32 = arith.constant 0 : i32
    %c0_i32_0 = arith.constant 0 : i32
    return %c0_i32, %arg0 : i32, i32
  }
  func.func @transform_4(%arg0: i32) -> (i32, i32) {
    %c0_i32 = arith.constant 0 : i32
    %c0_i32_0 = arith.constant 0 : i32
    %c0_i32_1 = arith.constant 0 : i32
    return %c0_i32, %c0_i32_0 : i32, i32
  }
  func.func @transform_5(%arg0: i32) -> (i32, i32) {
    %c0_i32 = arith.constant 0 : i32
    %c0_i32_0 = arith.constant 0 : i32
    %c0_i32_1 = arith.constant 0 : i32
    return %c0_i32, %c0_i32_0 : i32, i32
  }
  func.func @transform_6(%arg0: i32) -> (i32, i32) {
    %c0_i32 = arith.constant 0 : i32
    %c0_i32_0 = arith.constant 0 : i32
    return %arg0, %c0_i32 : i32, i32
  }
}

module attributes {stable_mosaic.version = 14 : i64} {
  func.func @_tc_combine_exp(%arg0: i32, %arg1: memref<1024x128xf32, #tpu.memory_space<vmem>>, %arg2: memref<1024x128xf32, #tpu.memory_space<vmem>>, %arg3: memref<1024x128xf32, #tpu.memory_space<vmem>>, %arg4: memref<2x1024xf32, #tpu.memory_space<vmem>>, %arg5: memref<1024x128xf32, #tpu.memory_space<vmem>>) attributes {dimension_semantics = [#tpu.dimension_semantics<arbitrary>], iteration_bounds = array<i64: 10>, scalar_prefetch = 0 : i64, scratch_operands = 0 : i64, tpu.core_type = #tpu.core_type<tc>, window_params = [{transform_indices = @transform_0, window_bounds = array<i64: 1024, 128>}, {transform_indices = @transform_1, window_bounds = array<i64: 1024, 128>}, {transform_indices = @transform_2, window_bounds = array<i64: 1024, 128>}, {transform_indices = @transform_3, window_bounds = array<i64: 2, 1024>}, {transform_indices = @transform_4, window_bounds = array<i64: 1024, 128>}]} {
    %get3A = arith.constant 0 : index
    %get3A_0 = arith.constant 0 : index
    %get3A_1 = vector.load %arg2[%get3A, %get3A_0] : memref<1024x128xf32, #tpu.memory_space<vmem>>, vector<1024x128xf32>
    %get3A_2 = arith.constant 0 : index
    %get3A_3 = arith.constant 0 : index
    %get3A_4 = vector.load %arg3[%get3A_2, %get3A_3] : memref<1024x128xf32, #tpu.memory_space<vmem>>, vector<1024x128xf32>
    %add3A = arith.addf %get3A_1, %get3A_4 : vector<1024x128xf32>
    %get3A_5 = arith.constant 0 : index
    %get3A_6 = arith.constant 0 : index
    %get3A_7 = vector.load %arg4[%get3A_5, %get3A_6] : memref<2x1024xf32, #tpu.memory_space<vmem>>, vector<1x1024xf32>
    %get3A_8 = vector.shape_cast %get3A_7 : vector<1x1024xf32> to vector<1024xf32>
    %get3A_9 = arith.constant 1 : index
    %get3A_10 = arith.constant 0 : index
    %get3A_11 = vector.load %arg4[%get3A_9, %get3A_10] : memref<2x1024xf32, #tpu.memory_space<vmem>>, vector<1x1024xf32>
    %get3A_12 = vector.shape_cast %get3A_11 : vector<1x1024xf32> to vector<1024xf32>
    %add3A_13 = arith.addf %get3A_8, %get3A_12 : vector<1024xf32>
    %reshape3A = vector.shape_cast %add3A_13 : vector<1024xf32> to vector<1024x1xf32>
    %get3A_14 = arith.constant 0 : index
    %get3A_15 = arith.constant 0 : index
    %get3A_16 = vector.load %arg1[%get3A_14, %get3A_15] : memref<1024x128xf32, #tpu.memory_space<vmem>>, vector<1024x128xf32>
    %max3A = arith.constant 1.000000e+00 : f32
    %max3A_17 = vector.broadcast %max3A : f32 to vector<1024x1xf32>
    %max3A_18 = arith.maximumf %reshape3A, %max3A_17 : vector<1024x1xf32>
    %div3A = vector.broadcast %max3A_18 : vector<1024x1xf32> to vector<1024x128xf32>
    %div3A_19 = arith.divf %add3A, %div3A : vector<1024x128xf32>
    %add3A_20 = arith.addf %get3A_16, %div3A_19 : vector<1024x128xf32>
    %max3A_21 = arith.constant 0.000000e+00 : f32
    %max3A_22 = vector.broadcast %max3A_21 : f32 to vector<1024x128xf32>
    %max3A_23 = arith.maximumf %add3A_20, %max3A_22 : vector<1024x128xf32>
    %mul3A = arith.mulf %max3A_23, %max3A_23 : vector<1024x128xf32>
    %reduce_sum3A = arith.constant dense<0.000000e+00> : vector<1024xf32>
    %reduce_sum3A_24 = vector.multi_reduction <add>, %mul3A, %reduce_sum3A [1] : vector<1024x128xf32> to vector<1024xf32>
    %broadcast_in_dim3A = vector.shape_cast %reduce_sum3A_24 : vector<1024xf32> to vector<1024x1xf32>
    %sqrt3A = math.sqrt %broadcast_in_dim3A : vector<1024x1xf32>
    %add3A_25 = arith.constant 1.000000e-07 : f32
    %add3A_26 = vector.broadcast %add3A_25 : f32 to vector<1024x1xf32>
    %add3A_27 = arith.addf %sqrt3A, %add3A_26 : vector<1024x1xf32>
    %div3A_28 = vector.broadcast %add3A_27 : vector<1024x1xf32> to vector<1024x128xf32>
    %div3A_29 = arith.divf %max3A_23, %div3A_28 : vector<1024x128xf32>
    %add3A_30 = arith.constant 1.000000e-07 : f32
    %add3A_31 = vector.broadcast %add3A_30 : f32 to vector<1024x1xf32>
    %add3A_32 = arith.addf %sqrt3A, %add3A_31 : vector<1024x1xf32>
    %div3A_33 = arith.divf %sqrt3A, %add3A_32 : vector<1024x1xf32>
    %mul3A_34 = arith.mulf %div3A_33, %div3A_33 : vector<1024x1xf32>
    %mul3A_35 = arith.mulf %mul3A_34, %mul3A_34 : vector<1024x1xf32>
    %mul3A_36 = arith.constant 1.050000e+02 : f32
    %mul3A_37 = vector.broadcast %mul3A_36 : f32 to vector<1024x1xf32>
    %mul3A_38 = arith.mulf %mul3A_37, %mul3A_34 : vector<1024x1xf32>
    %sub3A = arith.constant 9.450000e+02 : f32
    %sub3A_39 = vector.broadcast %sub3A : f32 to vector<1024x1xf32>
    %sub3A_40 = arith.subf %sub3A_39, %mul3A_38 : vector<1024x1xf32>
    %add3A_41 = arith.addf %sub3A_40, %mul3A_35 : vector<1024x1xf32>
    %mul3A_42 = arith.constant 4.200000e+02 : f32
    %mul3A_43 = vector.broadcast %mul3A_42 : f32 to vector<1024x1xf32>
    %mul3A_44 = arith.mulf %mul3A_43, %mul3A_34 : vector<1024x1xf32>
    %sub3A_45 = arith.constant 9.450000e+02 : f32
    %sub3A_46 = vector.broadcast %sub3A_45 : f32 to vector<1024x1xf32>
    %sub3A_47 = arith.subf %sub3A_46, %mul3A_44 : vector<1024x1xf32>
    %mul3A_48 = arith.constant 1.500000e+01 : f32
    %mul3A_49 = vector.broadcast %mul3A_48 : f32 to vector<1024x1xf32>
    %mul3A_50 = arith.mulf %mul3A_49, %mul3A_35 : vector<1024x1xf32>
    %add3A_51 = arith.addf %sub3A_47, %mul3A_50 : vector<1024x1xf32>
    %div3A_52 = arith.divf %add3A_41, %add3A_51 : vector<1024x1xf32>
    %mul3A_53 = vector.broadcast %div3A_52 : vector<1024x1xf32> to vector<1024x128xf32>
    %mul3A_54 = arith.mulf %mul3A_53, %div3A_29 : vector<1024x128xf32>
    %swap3A = arith.constant 0 : index
    %swap3A_55 = arith.constant 0 : index
    %swap3A_56 = vector.load %arg5[%swap3A, %swap3A_55] : memref<1024x128xf32, #tpu.memory_space<vmem>>, vector<1024x128xf32>
    tpu.vector_store %arg5[%swap3A, %swap3A_55], %mul3A_54 {strides = array<i32>} : memref<1024x128xf32, #tpu.memory_space<vmem>>, vector<1024x128xf32>,
    return
  }
  func.func @transform_0(%arg0: i32) -> (i32, i32) {
    %c0_i32 = arith.constant 0 : i32
    %c0_i32_0 = arith.constant 0 : i32
    return %arg0, %c0_i32 : i32, i32
  }
  func.func @transform_1(%arg0: i32) -> (i32, i32) {
    %c0_i32 = arith.constant 0 : i32
    %c0_i32_0 = arith.constant 0 : i32
    return %arg0, %c0_i32 : i32, i32
  }
  func.func @transform_2(%arg0: i32) -> (i32, i32) {
    %add3A = arith.constant 10 : i32
    %add3A_0 = arith.addi %add3A, %arg0 : i32
    %c0_i32 = arith.constant 0 : i32
    %c0_i32_1 = arith.constant 0 : i32
    return %add3A_0, %c0_i32 : i32, i32
  }
  func.func @transform_3(%arg0: i32) -> (i32, i32) {
    %c0_i32 = arith.constant 0 : i32
    %c0_i32_0 = arith.constant 0 : i32
    return %c0_i32, %arg0 : i32, i32
  }
  func.func @transform_4(%arg0: i32) -> (i32, i32) {
    %c0_i32 = arith.constant 0 : i32
    %c0_i32_0 = arith.constant 0 : i32
    return %arg0, %c0_i32 : i32, i32
  }
}

module attributes {stable_mosaic.version = 14 : i64} {
  func.func @_tc_log_mm(%arg0: i32, %arg1: memref<1024x128xf32, #tpu.memory_space<vmem>>, %arg2: memref<128x128xf32, #tpu.memory_space<vmem>>, %arg3: memref<1x128xf32, #tpu.memory_space<vmem>>, %arg4: memref<1024x128xf32, #tpu.memory_space<vmem>>) attributes {dimension_semantics = [#tpu.dimension_semantics<arbitrary>], iteration_bounds = array<i64: 10>, scalar_prefetch = 0 : i64, scratch_operands = 0 : i64, tpu.core_type = #tpu.core_type<tc>, window_params = [{transform_indices = @transform_0, window_bounds = array<i64: 1024, 128>}, {pipeline_mode = #tpu.pipeline_mode<synchronous>, transform_indices = @transform_1, window_bounds = array<i64: 128, 128>}, {pipeline_mode = #tpu.pipeline_mode<synchronous>, transform_indices = @transform_2, window_bounds = array<i64: 1, 128>}, {transform_indices = @transform_3, window_bounds = array<i64: 1024, 128>}]} {
    %get3A = arith.constant 0 : index
    %get3A_0 = arith.constant 0 : index
    %get3A_1 = vector.load %arg1[%get3A, %get3A_0] : memref<1024x128xf32, #tpu.memory_space<vmem>>, vector<1024x128xf32>
    %mul3A = arith.mulf %get3A_1, %get3A_1 : vector<1024x128xf32>
    %reduce_sum3A = arith.constant dense<0.000000e+00> : vector<1024xf32>
    %reduce_sum3A_2 = vector.multi_reduction <add>, %mul3A, %reduce_sum3A [1] : vector<1024x128xf32> to vector<1024xf32>
    %broadcast_in_dim3A = vector.shape_cast %reduce_sum3A_2 : vector<1024xf32> to vector<1024x1xf32>
    %sqrt3A = math.sqrt %broadcast_in_dim3A : vector<1024x1xf32>
    %max3A = arith.constant 1.000000e-07 : f32
    %max3A_3 = vector.broadcast %max3A : f32 to vector<1024x1xf32>
    %max3A_4 = arith.maximumf %sqrt3A, %max3A_3 : vector<1024x1xf32>
    %atan23A = arith.constant 1.000000e+00 : f32
    %atan23A_5 = vector.broadcast %atan23A : f32 to vector<1024x1xf32>
    %atan23A_6 = math.atan2 %max3A_4, %atan23A_5 : vector<1024x1xf32>
    %div3A = arith.divf %atan23A_6, %max3A_4 : vector<1024x1xf32>
    %mul3A_7 = vector.broadcast %div3A : vector<1024x1xf32> to vector<1024x128xf32>
    %mul3A_8 = arith.mulf %mul3A_7, %get3A_1 : vector<1024x128xf32>
    %get3A_9 = arith.constant 0 : index
    %get3A_10 = arith.constant 0 : index
    %get3A_11 = vector.load %arg2[%get3A_9, %get3A_10] : memref<128x128xf32, #tpu.memory_space<vmem>>, vector<128x128xf32>
    %dot_general3A = arith.constant dense<0.000000e+00> : vector<1024x128xf32>
    %dot_general3A_12 = tpu.matmul %mul3A_8, %get3A_11, %dot_general3A {dimension_numbers = #tpu.dot_dimension_numbers<[1], [0], [0], [1], [0, 0, 1, 1], [], []>, transpose_lhs_hint = false} : vector<1024x128xf32>, vector<128x128xf32>, vector<1024x128xf32> -> vector<1024x128xf32>
    %get3A_13 = arith.constant 0 : index
    %get3A_14 = arith.constant 0 : index
    %get3A_15 = vector.load %arg3[%get3A_13, %get3A_14] : memref<1x128xf32, #tpu.memory_space<vmem>>, vector<1x128xf32>
    %add3A = vector.broadcast %get3A_15 : vector<1x128xf32> to vector<1024x128xf32>
    %add3A_16 = arith.addf %dot_general3A_12, %add3A : vector<1024x128xf32>
    %swap3A = arith.constant 0 : index
    %swap3A_17 = arith.constant 0 : index
    %swap3A_18 = vector.load %arg4[%swap3A, %swap3A_17] : memref<1024x128xf32, #tpu.memory_space<vmem>>, vector<1024x128xf32>
    tpu.vector_store %arg4[%swap3A, %swap3A_17], %add3A_16 {strides = array<i32>} : memref<1024x128xf32, #tpu.memory_space<vmem>>, vector<1024x128xf32>,
    return
  }
  func.func @transform_0(%arg0: i32) -> (i32, i32) {
    %c0_i32 = arith.constant 0 : i32
    %c0_i32_0 = arith.constant 0 : i32
    return %arg0, %c0_i32 : i32, i32
  }
  func.func @transform_1(%arg0: i32) -> (i32, i32) {
    %c0_i32 = arith.constant 0 : i32
    %c0_i32_0 = arith.constant 0 : i32
    %c0_i32_1 = arith.constant 0 : i32
    return %c0_i32, %c0_i32_0 : i32, i32
  }
  func.func @transform_2(%arg0: i32) -> (i32, i32) {
    %c0_i32 = arith.constant 0 : i32
    %c0_i32_0 = arith.constant 0 : i32
    %c0_i32_1 = arith.constant 0 : i32
    return %c0_i32, %c0_i32_0 : i32, i32
  }
  func.func @transform_3(%arg0: i32) -> (i32, i32) {
    %c0_i32 = arith.constant 0 : i32
    %c0_i32_0 = arith.constant 0 : i32
    return %arg0, %c0_i32 : i32, i32
  }
}

</mosaic_0001>

<sc_bundles>
// kernel: kernel.10.cloned.1.call-start
scs
__scs_entry_jumppad:
0x0: {  	(pc) =	sbr.rel $0x88, $3  }
0x1: {  	(tag) =	ssettag $0x0;
	lr =	simm.s32 $0x1  }
0x2: {  	[smem:$0x3F9B] =	sst lr;
	_ =	strace $0xD0000000  }
0x3: {  	_ = 	snop  }
0x4: {  	_ = 	snop  }
0x5: {  	_ = 	snop  }
0x6: {  	_ = 	snop  }
0x7: {  	_ = 	snop  }
__scs_overlays_trampoline_lowered:
0x8: {  	[smem:$0x3FAA] =	sst s0  }
0x9: {  	[smem:$0x3FAB] =	sst s1  }
0xa: {  	[smem:$0x3FAC] =	sst s2  }
0xb: {  	[smem:$0x3FAD] =	sst s3  }
0xc: {  	[smem:$0x3FAE] =	sst s4  }
0xd: {  	[smem:$0x3FAF] =	sst s5  }
0xe: {  	[smem:$0x3FB0] =	sst s6  }
0xf: {  	[smem:$0x3FB1] =	sst s7  }
0x10: {  	[smem:$0x3FB2] =	sst s8  }
0x11: {  	[smem:$0x3FB3] =	sst s9;
	s0 =	simm.s32 @!p0 $0x0  }
0x12: {  	s1 =	sld [smem:$0x3F99];
	s0 =	simm.s32 @p0 $0x1  }
0x13: {  	[smem:$0x3FB4] =	sst s0;
	s0 =	simm.s32 @!p1 $0x0  }
0x14: {  	s2 =	sld [smem:$0x3F98];
	s0 =	simm.s32 @p1 $0x1  }
0x15: {  	[smem:$0x3FB5] =	sst s0;
	s0 =	simm.s32 @!p2 $0x0  }
0x16: {  	s3 =	sld [smem:$0x3FDB];
	s0 =	simm.s32 @p2 $0x1  }
0x17: {  	s4 =	simm.s32 $0x1BF5;
	[smem:$0x3FB7] =	sst s0  }
0x18: {  	s0 =	sld [smem:$0x3F9A];
	_ =	swait.ge [sflag:s4], $0x0  }
0x19: {  	s7 =	sld [smem:$0x3F9B]  }
0x1a: {  	s8 =	sadd.s32 $0xFFFFE003, lr  }
0x1b: {  	s9 =	sadd.s32 $0xFFFFFEF7, lr;
	s5 =	simm.s32 $0xFFFFFFFF;
	p2 =	slt.u32 s8, $0xFFFFF086  }
0x1c: {  	p1 =	slt.u32 s9, $0xF7A;
	s5 =	simm.s32 @!p2 $0x0  }
0x1d: {  	s5 =	simm.s32 @p1 $0x1;
	p0 =	seq.s32 s7, s2  }
0x1e: {  	s7 =	smul.u32 @!p0 $0xF7A, s2;
	p2 =	seq.s32 @!p0 s5, $0x0  }
0x1f: {  	s9 =	smul.u32 $0xF7A, s1;
	s8 =	simm.s32 @!p0 $0x1BF5;
	p2 =	por !p2, p0  }
0x20: {  	[sflag:s8] =	ssyncset.s32 @!p0 $0xFFFFF086;
	s6 =	sadd.s32 @!p0 s3, s7;
	s7 =	simm.s32 @!p0 $0x108  }
0x21: {  	s3 =	sadd.s32 s3, s9;
	s6 =	sadd.s32 @!p0 $0x88, s6;
	s7 =	simm.s32 @p2 $0x1082  }
0x22: {  	[simem:s7], [sflag:s8] =	dma.local @!p0 [hbm:s6], $0xF7A  }
0x23: {  	s9 =	sor.u32 $0xD0000000, s2;
	s6 =	simm.s32 $0x108;
	_ =	swait.ge @!p0 [sflag:s8], $0x0  }
0x24: {  	s3 =	sadd.s32 $0x88, s3;
	s6 =	simm.s32 @!p1 $0x1082;
	[sflag:s4] =	ssyncset.s32 $0xFFFFF086  }
0x25: {  	[simem:s6], [sflag:s4] =	dma.local [hbm:s3], $0xF7A  }
0x26: {  	[smem:$0x3F9B] =	sst s1;
	(tag) =	ssettag s2;
	_ =	strace s9  }
0x27: {  	s1 =	sld [smem:$0x3FAB]  }
0x28: {  	s2 =	sld [smem:$0x3FAC]  }
0x29: {  	s4 =	sld [smem:$0x3FAE]  }
0x2a: {  	p0 =	seq.s32 s5, $0x0;
	s5 =	sld [smem:$0x3FAF]  }
0x2b: {  	s6 =	sld [smem:$0x3FB0]  }
0x2c: {  	s7 =	sld [smem:$0x3FB1]  }
0x2d: {  	s3 =	simm.s32 $0x108;
	s8 =	sld [smem:$0x3FB2]  }
0x2e: {  	s3 =	simm.s32 @!p0 $0x1082;
	s9 =	sld [smem:$0x3FB3]  }
0x2f: {  	lr =	sadd.s32 s0, s3;
	s0 =	sld [smem:$0x3FAA]  }
0x30: {  	s3 =	sld [smem:$0x3FAD]  }
0x31: {  	[smem:$0x3FB6] =	sst s10  }
0x32: {  	s10 =	sld [smem:$0x3FB4];
	_ =	sdelay $0x3  }
0x33: {  	p0 =	seq.s32 s10, $0x1;
	s10 =	sld [smem:$0x3FB6];
	_ =	sdelay $0x3  }
0x34: {  	[smem:$0x3FB6] =	sst s10  }
0x35: {  	s10 =	sld [smem:$0x3FB5];
	_ =	sdelay $0x3  }
0x36: {  	p1 =	seq.s32 s10, $0x1;
	s10 =	sld [smem:$0x3FB6];
	_ =	sdelay $0x3  }
0x37: {  	[smem:$0x3FB6] =	sst s10  }
0x38: {  	s10 =	sld [smem:$0x3FB7]  }
0x39: {  	_ = 	snop;
	(pc) =	sbr.ind lr, $3  }
0x3a: {  	_ = 	snop  }
0x3b: {  	_ = 	snop  }
0x3c: {  	p2 =	seq.s32 s10, $0x1;
	s10 =	sld [smem:$0x3FB6]  }
0x3d: {  	_ =	shalt  }
0x3e: {  	_ =	shalt  }
0x3f: {  	_ =	shalt  }
0x40: {  	_ =	shalt  }
0x41: {  	_ =	shalt  }
0x42: {  	_ =	shalt  }
0x43: {  	_ =	shalt  }
0x44: {  	_ =	shalt  }
0x45: {  	_ =	shalt  }
0x46: {  	_ =	shalt  }
0x47: {  	_ =	shalt  }
0x48: {  	_ =	shalt  }
0x49: {  	_ =	shalt  }
0x4a: {  	_ =	shalt  }
0x4b: {  	_ =	shalt  }
0x4c: {  	_ =	shalt  }
0x4d: {  	_ =	shalt  }
0x4e: {  	_ =	shalt  }
0x4f: {  	_ =	shalt  }
0x50: {  	_ =	shalt  }
0x51: {  	_ =	shalt  }
0x52: {  	_ =	shalt  }
0x53: {  	_ =	shalt  }
0x54: {  	_ =	shalt  }
0x55: {  	_ =	shalt  }
0x56: {  	_ =	shalt  }
0x57: {  	_ =	shalt  }
0x58: {  	_ =	shalt  }
0x59: {  	_ =	shalt  }
0x5a: {  	_ =	shalt  }
0x5b: {  	_ =	shalt  }
0x5c: {  	_ =	shalt  }
0x5d: {  	_ =	shalt  }
0x5e: {  	_ =	shalt  }
0x5f: {  	_ =	shalt  }
0x60: {  	_ =	shalt  }
0x61: {  	_ =	shalt  }
0x62: {  	_ =	shalt  }
0x63: {  	_ =	shalt  }
0x64: {  	_ =	shalt  }
0x65: {  	_ =	shalt  }
0x66: {  	_ =	shalt  }
0x67: {  	_ =	shalt  }
0x68: {  	_ =	shalt  }
0x69: {  	_ =	shalt  }
0x6a: {  	_ =	shalt  }
0x6b: {  	_ =	shalt  }
0x6c: {  	_ =	shalt  }
0x6d: {  	_ =	shalt  }
0x6e: {  	_ =	shalt  }
0x6f: {  	_ =	shalt  }
0x70: {  	_ =	shalt  }
0x71: {  	_ =	shalt  }
0x72: {  	_ =	shalt  }
0x73: {  	_ =	shalt  }
0x74: {  	_ =	shalt  }
0x75: {  	_ =	shalt  }
0x76: {  	_ =	shalt  }
0x77: {  	_ =	shalt  }
0x78: {  	_ =	shalt  }
0x79: {  	_ =	shalt  }
0x7a: {  	_ =	shalt  }
0x7b: {  	_ =	shalt  }
0x7c: {  	_ =	shalt  }
0x7d: {  	_ =	shalt  }
0x7e: {  	_ =	shalt  }
0x7f: {  	_ =	shalt  }
0x80: {  	_ =	shalt  }
0x81: {  	_ =	shalt  }
0x82: {  	_ =	shalt  }
0x83: {  	_ =	shalt  }
0x84: {  	_ =	shalt  }
0x85: {  	_ =	shalt  }
0x86: {  	_ =	shalt  }
0x87: {  	_ =	shalt  }
.Lfunc_end0:
.L_simem_size_0:
called_computation.1_lowered:
.L_overlay_start_0:
0x88: {  	s2 =	sld [smem:$0x3FD9]  }
0x89: {  	s3 =	sld [smem:$0x3FFE];
	_ =	sdelay $0x1  }
0x8a: {  	s1 =	srdreg.scid  }
0x8b: {  	s0 =	sand.u32 $0x1, s1  }
0x8c: {  	s17 =	sshll.u32 s0, $0xA;
	s2 =	sadd.s32 s3, s2  }
0x8d: {  	s2 =	sadd.s32 s2, s17  }
0x8e: {  	[smem:$0x3FC2] =	sst s2  }
0x8f: {  	_ = 	snop  }
0x90: {  	s2 =	sld [smem:$0x3FD0];
	(tm) =	ssettm $0x1  }
0x91: {  	s18 =	sld [smem:$0x3FFB];
	_ =	sdelay $0x3  }
0x92: {  	_ =	strace s18  }
0x93: {  	s3 =	sld [smem:$0x3FFC];
	_ =	sdelay $0x3  }
0x94: {  	_ =	strace s3  }
0x95: {  	s3 =	sld [smem:$0x3FFD];
	_ =	sdelay $0x3  }
0x96: {  	_ =	strace s3  }
0x97: {  	_ =	strace $0x8FFFFFFF  }
0x98: {  	s19 =	sld [smem:$0x3FDB];
	_ =	sdelay $0x1  }
0x99: {  	s4 =	simm.s32 $_scs_section_size  }
0x9a: {  	s5 =	simm.s32 $_size__tile_overlayer_lowered;
	s6 =	simm.s32 $_tile_overlayer_lowered  }
0x9b: {  	s22 =	simm.s32 $0x1BFF;
	s21 =	sshll.u32 s6, $0x1;
	s3 =	sadd.s32 s4, s19  }
0x9c: {  	s7 =	simm.s32 $0x0;
	s20 =	sshll.u32 s5, $0x1;
	s5 =	sadd.s32 s21, s3  }
0x9d: {  	[timem:s7], [sflag:s22] =	dma.local [hbm:s5], s20  }
0x9e: {  	_ =	swait.ge [sflag:s22], s20  }
0x9f: {  	s4 =	ssub.s32 $0x0, s20;
	[sflag:s22] =	ssyncset.done $0x0  }
0xa0: {  	[sflag:s22] =	ssyncadd.s32 s4;
	_ =	sdelay $0x1  }
0xa1: {  	s23 =	simm.s32 $0x1B8B  }
0xa2: {  	_ =	swait.ge [sflag:s23], $0x1  }
0xa3: {  	[sflag:s23] =	ssyncset.done $0x0  }
0xa4: {  	s25 =	simm.s32 $0x1B8E;
	s24 =	sld [smem:$0x3FFE];
	[sflag:s23] =	ssyncadd.s32 $0xFFFFFFFF  }
0xa5: {  	s26 =	simm.s32 $execute0_lowered;
	[smem:$0x3FD2] =	sst s25  }
0xa6: {  	s5 =	sshll.u32 s26, $0x1;
	_ =	strace $0x80000049;
	[dreg:$0x1] =	wrdreg $0xFFFFFFFF  }
0xa7: {  	s28 =	simm.s32 $_size_execute0_lowered;
	s3 =	sadd.s32 s3, s5;
	[dreg:$0x0] =	wrdreg $0x0  }
0xa8: {  	s5 =	sshll.u32 s28, $0x1;
	[dreg:$0x2] =	wrdreg s3  }
0xa9: {  	[dreg:$0x3] =	wrdreg s5  }
0xaa: {  	[dreg:$0x4] =	wrdreg $0xC0  }
0xab: {  	_ =	task [dreg:s7], $0x5FFFF  }
0xac: {  	[dreg:$0x1] =	wrdreg $0xFFFFFFFF  }
0xad: {  	[dreg:$0x0] =	wrdreg $0x60  }
0xae: {  	[dreg:$0x2] =	wrdreg s2  }
0xaf: {  	[dreg:$0x3] =	wrdreg s24  }
0xb0: {  	[dreg:$0x4] =	wrdreg $0xBA800  }
0xb1: {  	[dreg:$0x5] =	wrdreg $0x1FA800  }
0xb2: {  	[dreg:$0x6] =	wrdreg $0x9  }
0xb3: {  	_ =	task.clear_ibuf [dreg:s7], $0x7FFFF;
	_ =	strace $0x90000049  }
0xb4: {  	s29 =	simm.s32 $0x9;
	_ =	strace $0x8000004B  }
0xb5: {  	_ =	swait.ge [sflag:s29], $0x1  }
0xb6: {  	[sflag:s29] =	ssyncadd.s32 $0xFFFFFFFF  }
0xb7: {  	_ =	strace $0x9000004B  }
0xb8: {  	_ =	sfence  }
0xb9: {  	s30 =	sld [smem:$0x0];
	_ =	sdelay $0x2  }
0xba: {  	s31 =	sshll.u32 s1, $0xD;
	s1 =	sshrl.u32 s1, $0x2  }
0xbb: {  	s3 =	sand.u32 $0x4000, s31;
	s1 =	sadd.s32 s1, s30  }
0xbc: {  	s0 =	sor.u32 s3, s0;
	s1 =	sshll.u32 s1, $0x11  }
0xbd: {  	s0 =	sor.u32 s1, s0  }
0xbe: {  	s0 =	sadd.s32 $0x8F2B, s0  }
0xbf: {  	[sflag:s0] =	ssyncadd.remote.s32 $0x1  }
0xc0: {  	_ =	sfence.sel $0xFFFF  }
0xc1: {  	[dreg:$0x0] =	wrdreg $0xFFFFFFFF;
	(pc) =	sbr.abs _section_cstart, $3  }
0xc2: {  	[dreg:$0x1] =	wrdreg $0xFFFFFFFF  }
0xc3: {  	_ =	task.clear_ibuf [dreg:s7], $0x2FFFF;
	_ =	strace $0x9FFFFFFF  }
0xc4: {  	(tm) =	ssettm $0x7FFFFFFF  }
0xc5: {  	_ =	shalt  }
tec
execute0_lowered:
.L_overlay_start_1:
0x0: {  	(tag) =	ssettag $0x1  }
0x1: {  	s1 =	rddreg [dreg:$0x0]  }
0x2: {  	s0 =	rddreg [dreg:$0x1]  }
0x3: {  	s3 =	rddreg [dreg:$0x2]  }
0x4: {  	s2 =	srdreg.scid;
	s14 =	stileid.u32  }
0x5: {  	s4 =	rddreg [dreg:$0x3];
	s5 =	simm.s32 $0x0;
	s29 =	simm.s32 $0x2780  }
0x6: {  	s30 =	simm.s32 $0x2800;
	s31 =	simm.s32 $0x50;
	s7 =	smul.u32 $0x280, s14  }
0x7: {  	s28 =	simm.s32 $0x1;
	s2 =	sand.u32 $0x1, s2;
	s8 =	smul.u32 $0x500, s14  }
0x8: {  	[smem:$0x7FF] =	sst s5;
	s22 =	smul.u32 $0x50000, s14;
	s11 =	sadd.s32 $0x2A00, s0  }
0x9: {  	s6 =	smul.u32 $0x2800, s2;
	s9 =	sshll.u32 s2, $0x4;
	_ =	strace $0x8000004A  }
0xa: {  	s10 =	sshll.u32 s2, $0x7;
	s23 =	ssub.s32 $0x2, s2;
	s2 =	smul.u32 $0x27100, s2  }
0xb: {  	s9 =	sor.u32 s14, s9;
	s8 =	sor.u32 s10, s8;
	s25 =	sshrl.u32 s22, $0x2  }
0xc: {  	s26 =	sshrl.u32 s23, $0x1;
	s22 =	smul.u32 $0x2710, s14;
	s6 =	sadd.s32 s7, s6  }
0xd: {  	s9 =	smul.u32 $0x2710, s9;
	s8 =	sshrl.u32 s8, $0x3;
	s6 =	sshll.u32 s6, $0x4  }
0xe: {  	s12 =	sadd.s32 s6, s0;
	s0 =	sadd.s32 s8, s0;
	s6 =	sadd.s32 s25, s3  }
0xf: {  	s24 =	sshrl.u32 s9, $0x3;
	s8 =	ssub.s32 s23, s26;
	s15 =	sadd.s32 $0x2800, s6  }
0x10: {  	s26 =	sadd.s32 s22, s2;
	s16 =	sadd.s32 $0x5000, s6;
	[dreg:$0x6] =	wrdreg s15  }
0x11: {  	s9 =	simm.s32 $0x4;
	s17 =	sadd.s32 $0x7800, s6;
	[dreg:$0x7] =	wrdreg s16  }
0x12: {  	s13 =	sadd.s32 s11, s24;
	s18 =	sadd.s32 $0xA000, s6;
	[dreg:$0x8] =	wrdreg s17  }
0x13: {  	s19 =	sadd.s32 $0xC800, s6;
	s20 =	sadd.s32 $0xF000, s6;
	[dreg:$0x9] =	wrdreg s18  }
0x14: {  	s21 =	sadd.s32 $0x11800, s6;
	s25 =	sadd.s32 $0x29C00, s12;
	[dreg:$0xa] =	wrdreg s19  }
0x15: {  	s0 =	sadd.s32 $0x79C00, s0;
	s2 =	sadd.s32 $0xEA740, s26;
	[dreg:$0xb] =	wrdreg s20  }
0x16: {  	s10 =	sadd.s32 $0x13880, s13;
	[dreg:$0xc] =	wrdreg s21;
	s15 =	sadd.s32 s7, s4  }
0x17: {  	s23 =	sadd.s32 $0x1D4C0, s13;
	s24 =	sadd.s32 $0x1D4CA, s13;
	[dreg:$0xf] =	wrdreg s25  }
0x18: {  	[dreg:$0x10] =	wrdreg s0;
	s20 =	smax.u32 s8, $0x1;
	s21 =	sadd.s32 $0x1D4D4, s13  }
0x19: {  	s0 =	sadd.s32 $0xEA790, s26;
	s22 =	sadd.s32 $0x1D4DE, s13;
	s2 =	sshrl.u32 s2, $0x3  }
.Ltmp0:
0x1a: {  	s25 =	simm.s32 $0x5;
	[dreg:$0x5] =	wrdreg s10;
	(pc) =	sbr.rel .LBB2_1-.Ltmp0, $4  }
0x1b: {  	s26 =	simm.s32 $0x6780;
	s7 =	simm.s32 $0x2;
	[dreg:$0xd] =	wrdreg s23  }
0x1c: {  	s8 =	simm.s32 $0x3;
	[dreg:$0xe] =	wrdreg s24;
	s0 =	sshrl.u32 s0, $0x3  }
0x1d: {  	s16 =	sadd.s32 s2, s11;
	s2 =	simm.s32 $0x8F80;
	s10 =	simm.s32 $0x6580  }
0x1e: {  	v0 =	vimm.f32 $1.000000000e+00;
	v1 =	vimm.f32 $0.0e+00;
	s14 =	sadd.s32 s0, s11;
	s0 =	simm.s32 $0xB780;
	s11 =	simm.s32 $0x0  }
.LBB2_6:
0x1f: {  	_ =	swait.ge [sflag:s28], $0x2800  }
0x20: {  	[sflag:s28] =	ssyncset.done $0x0  }
0x21: {  	[sflag:s28] =	ssyncadd.s32 $0xFFFFD800  }
0x22: {  	[spmem:s3] =	stream.indirect.scatter.add.f32 [tilespmem:s26], [sflag:$0x5], $0x80, s10, s31, $0xb8;
	[tilespmem:$0x1FD00] =	vst v63  }
0x23: {  	_ =	swait.ge [sflag:s25], $0x2800  }
0x24: {  	[sflag:s25] =	ssyncset.done $0x0  }
0x25: {  	[sflag:s25] =	ssyncadd.s32 $0xFFFFD800  }
0x26: {  	[spmem:s4] =	stream.indirect.scatter.add.f32 [tilespmem:s0], [sflag:$0x5], $0x1, s10, s31, $0xb8;
	[tilespmem:$0x1FD00] =	vst v63  }
0x27: {  	_ =	swait.ge [sflag:s25], $0x50  }
0x28: {  	[sflag:s25] =	ssyncset.done $0x0  }
0x29: {  	[sflag:s25] =	ssyncadd.s32 $0xFFFFFFB0  }
0x2a: {  	_ =	swait.ge [sflag:s9], $0x50  }
0x2b: {  	[sflag:s9] =	ssyncset.done $0x0  }
0x2c: {  	[sflag:s9] =	ssyncadd.s32 $0xFFFFFFB0  }
0x2d: {  	_ =	swait.ge [sflag:s9], $0x50  }
0x2e: {  	[sflag:s9] =	ssyncset.done $0x0  }
0x2f: {  	s12 =	stileid.u32;
	[sflag:s9] =	ssyncadd.s32 $0xFFFFFFB0  }
0x30: {  	s13 =	sshrl.u32 s6, $0x3;
	s12 =	sshll.u32 s12, $0x6;
	[bflag:$0x0] =	sbarrier.arrive $0xFFFF  }
0x31: {  	s23 =	sshrl.u32 s15, $0x3;
	s12 =	sor.u32 $0x1C05, s12;
	s17 =	rddreg [dreg:$0xf]  }
0x32: {  	[hbm:s17], [sflag:s12] =	dma.local [spmem:s13], $0x2800  }
0x33: {  	s18 =	simm.s32 $0x20;
	s11 =	sadd.s32 $0x1, s11;
	_ =	swait.ge [sflag:s25], $0x2800  }
0x34: {  	s19 =	simm.s32 $0x10;
	p0 =	sne.s32 s11, s20;
	[sflag:s25] =	ssyncset.done $0x0  }
.Ltmp1:
0x35: {  	s24 =	rddreg [dreg:$0x10];
	[sflag:s25] =	ssyncadd.s32 $0xFFFFD800;
	(pc) =	sbr.rel @!p0 .LBB2_7-.Ltmp1, $4  }
0x36: {  	[hbm:s24@s18], [sflag:s12] =	dma.strided [spmem:s23@s19], $0x50, s28, $0x10   }
0x37: {  	_ =	swait.ge [sflag:s25], $0x50  }
0x38: {  	[sflag:s25] =	ssyncset.done $0x0  }
0x39: {  	[sflag:s25] =	ssyncadd.s32 $0xFFFFFFB0  }
.LBB2_1:
0x3a: {  	s12 =	rddreg [dreg:$0x5]  }
0x3b: {  	[tilespmem:s5], [sflag:$0x5] =	stream.linear.gather [hbm4b:s12+s5], $0x2710, $0x38;
	[tilespmem:$0x1FD00] =	vst v63  }
0x3c: {  	_ =	swait.ge [sflag:s25], $0x2710  }
0x3d: {  	[sflag:s25] =	ssyncset.done $0x0  }
0x3e: {  	[sflag:s25] =	ssyncadd.s32 $0xFFFFD8F0  }
0x3f: {  	[tilespmem:$0xB780] =	vst v0  }
0x40: {  	[tilespmem:$0xB790] =	vst v0  }
0x41: {  	[tilespmem:$0xB7A0] =	vst v0  }
0x42: {  	[tilespmem:$0xB7B0] =	vst v0  }
0x43: {  	s13 =	simm.s32 $0x200;
	s12 =	simm.s32 $0x0;
	[tilespmem:$0xB7C0] =	vst v0  }
.LBB2_2:
0x44: {  	p0 =	sne.s32 s13, $0x9E00;
	[tilespmem:s12+$0x67F0] =	vst v1  }
0x45: {  	[tilespmem:s12+$0x6780] =	vst v1  }
0x46: {  	[tilespmem:s12+$0x6790] =	vst v1  }
.Ltmp2:
0x47: {  	[tilespmem:s12+$0x67A0] =	vst v1;
	(pc) =	sbr.rel @p0 .LBB2_2-.Ltmp2, $4  }
0x48: {  	[tilespmem:s12+$0x67B0] =	vst v1  }
0x49: {  	[tilespmem:s12+$0x67C0] =	vst v1  }
0x4a: {  	[tilespmem:s12+$0x67D0] =	vst v1  }
0x4b: {  	[tilespmem:s12+$0x67E0] =	vst v1;
	s12 =	sshra.s32 s13, $0x2;
	s13 =	sadd.s32 $0x200, s13  }
0x4c: {  	[tilespmem:s12+$0x67F0] =	vst v1  }
0x4d: {  	[tilespmem:s12+$0x6780] =	vst v1  }
0x4e: {  	[tilespmem:s12+$0x6790] =	vst v1  }
0x4f: {  	[tilespmem:s12+$0x67A0] =	vst v1  }
0x50: {  	[tilespmem:s12+$0x67B0] =	vst v1  }
0x51: {  	[tilespmem:s12+$0x67C0] =	vst v1  }
0x52: {  	[tilespmem:s12+$0x67D0] =	vst v1  }
0x53: {  	[tilespmem:s12+$0x67E0] =	vst v1  }
0x54: {  	[tilespmem:$0xB800] =	vst v1  }
0x55: {  	[tilespmem:$0xB810] =	vst v1  }
0x56: {  	[tilespmem:$0xB820] =	vst v1  }
0x57: {  	[tilespmem:$0xB830] =	vst v1  }
0x58: {  	[tilespmem:$0xB840] =	vst v1  }
0x59: {  	[tilespmem:$0xB850] =	vst v1  }
0x5a: {  	[tilespmem:$0xB860] =	vst v1  }
0x5b: {  	[tilespmem:$0xB870] =	vst v1  }
0x5c: {  	[tilespmem:$0xB880] =	vst v1  }
0x5d: {  	[tilespmem:$0xB890] =	vst v1  }
0x5e: {  	[tilespmem:$0xB8A0] =	vst v1  }
0x5f: {  	[tilespmem:$0xB8B0] =	vst v1  }
0x60: {  	[tilespmem:$0xB8C0] =	vst v1  }
0x61: {  	[tilespmem:$0xB8D0] =	vst v1  }
0x62: {  	[tilespmem:$0xB8E0] =	vst v1  }
0x63: {  	[tilespmem:$0xB8F0] =	vst v1  }
0x64: {  	[tilespmem:$0xB900] =	vst v1  }
0x65: {  	[tilespmem:$0xB910] =	vst v1  }
0x66: {  	[tilespmem:$0xB920] =	vst v1  }
0x67: {  	[tilespmem:$0xB930] =	vst v1  }
0x68: {  	[tilespmem:$0xB940] =	vst v1  }
0x69: {  	[tilespmem:$0xB950] =	vst v1  }
0x6a: {  	[tilespmem:$0xB960] =	vst v1  }
0x6b: {  	[tilespmem:$0xB970] =	vst v1  }
0x6c: {  	[tilespmem:$0xB980] =	vst v1  }
0x6d: {  	[tilespmem:$0xB990] =	vst v1  }
0x6e: {  	[tilespmem:$0xB9A0] =	vst v1  }
0x6f: {  	[tilespmem:$0xB9B0] =	vst v1  }
0x70: {  	[tilespmem:$0xB9C0] =	vst v1  }
0x71: {  	[tilespmem:$0xB9D0] =	vst v1  }
0x72: {  	[tilespmem:$0xB9E0] =	vst v1  }
0x73: {  	[tilespmem:$0xB9F0] =	vst v1  }
0x74: {  	[tilespmem:$0xBA00] =	vst v1  }
0x75: {  	[tilespmem:$0xBA10] =	vst v1  }
0x76: {  	[tilespmem:$0xBA20] =	vst v1  }
0x77: {  	[tilespmem:$0xBA30] =	vst v1  }
0x78: {  	[tilespmem:$0xBA40] =	vst v1  }
0x79: {  	[tilespmem:$0xBA50] =	vst v1  }
0x7a: {  	[tilespmem:$0xBA60] =	vst v1  }
0x7b: {  	[tilespmem:$0xBA70] =	vst v1  }
0x7c: {  	[spmem:s6] =	stream.linear.scatter [tilespmem:s26], [sflag:$0x5], $0x2800, $0x38;
	[tilespmem:$0x1FD00] =	vst v63  }
0x7d: {  	_ =	swait.ge [sflag:s25], $0x2800  }
0x7e: {  	[sflag:s25] =	ssyncset.done $0x0  }
0x7f: {  	s13 =	rddreg [dreg:$0x6];
	[sflag:s25] =	ssyncadd.s32 $0xFFFFD800  }
0x80: {  	[spmem:s13] =	stream.linear.scatter [tilespmem:s26], [sflag:$0x5], $0x2800, $0x38;
	[tilespmem:$0x1FD00] =	vst v63  }
0x81: {  	_ =	swait.ge [sflag:s25], $0x2800  }
0x82: {  	[sflag:s25] =	ssyncset.done $0x0  }
0x83: {  	s17 =	rddreg [dreg:$0x7];
	[sflag:s25] =	ssyncadd.s32 $0xFFFFD800  }
0x84: {  	[spmem:s17] =	stream.linear.scatter [tilespmem:s26], [sflag:$0x5], $0x2800, $0x38;
	[tilespmem:$0x1FD00] =	vst v63  }
0x85: {  	_ =	swait.ge [sflag:s25], $0x2800  }
0x86: {  	[sflag:s25] =	ssyncset.done $0x0  }
0x87: {  	s18 =	rddreg [dreg:$0x8];
	[sflag:s25] =	ssyncadd.s32 $0xFFFFD800  }
0x88: {  	[spmem:s18] =	stream.linear.scatter [tilespmem:s26], [sflag:$0x5], $0x2800, $0x38;
	[tilespmem:$0x1FD00] =	vst v63  }
0x89: {  	_ =	swait.ge [sflag:s25], $0x2800  }
0x8a: {  	[sflag:s25] =	ssyncset.done $0x0  }
0x8b: {  	s19 =	rddreg [dreg:$0x9];
	[sflag:s25] =	ssyncadd.s32 $0xFFFFD800  }
0x8c: {  	[spmem:s19] =	stream.linear.scatter [tilespmem:s26], [sflag:$0x5], $0x2800, $0x38;
	[tilespmem:$0x1FD00] =	vst v63  }
0x8d: {  	_ =	swait.ge [sflag:s25], $0x2800  }
0x8e: {  	[sflag:s25] =	ssyncset.done $0x0  }
0x8f: {  	s23 =	rddreg [dreg:$0xa];
	[sflag:s25] =	ssyncadd.s32 $0xFFFFD800  }
0x90: {  	[spmem:s23] =	stream.linear.scatter [tilespmem:s26], [sflag:$0x5], $0x2800, $0x38;
	[tilespmem:$0x1FD00] =	vst v63  }
0x91: {  	_ =	swait.ge [sflag:s25], $0x2800  }
0x92: {  	[sflag:s25] =	ssyncset.done $0x0  }
0x93: {  	s24 =	rddreg [dreg:$0xb];
	[sflag:s25] =	ssyncadd.s32 $0xFFFFD800  }
0x94: {  	[spmem:s24] =	stream.linear.scatter [tilespmem:s26], [sflag:$0x5], $0x2800, $0x38;
	[tilespmem:$0x1FD00] =	vst v63  }
0x95: {  	_ =	swait.ge [sflag:s25], $0x2800  }
0x96: {  	[sflag:s25] =	ssyncset.done $0x0  }
0x97: {  	s13 =	rddreg [dreg:$0xc];
	[sflag:s25] =	ssyncadd.s32 $0xFFFFD800  }
0x98: {  	[spmem:s13] =	stream.linear.scatter [tilespmem:s26], [sflag:$0x5], $0x2800, $0x38;
	[tilespmem:$0x1FD00] =	vst v63  }
0x99: {  	_ =	swait.ge [sflag:s25], $0x2800  }
0x9a: {  	[sflag:s25] =	ssyncset.done $0x0  }
0x9b: {  	s17 =	simm.s32 $0xB800;
	[sflag:s25] =	ssyncadd.s32 $0xFFFFD800  }
0x9c: {  	[spmem:s15] =	stream.linear.scatter [tilespmem:s17], [sflag:$0x5], $0x280, $0x38;
	[tilespmem:$0x1FD00] =	vst v63  }
0x9d: {  	_ =	swait.ge [sflag:s25], $0x280  }
0x9e: {  	[sflag:s25] =	ssyncset.done $0x0  }
0x9f: {  	[sflag:s25] =	ssyncadd.s32 $0xFFFFFD80  }
0xa0: {  	[bflag:$0x0] =	sbarrier.arrive $0xFFFF  }
0xa1: {  	s12 =	simm.s32 $0x0;
	s13 =	rddreg [dreg:$0xd]  }
0xa2: {  	[tilespmem:s29], [sflag:$0x5] =	stream.linear.gather [hbm4b:s13+s12], $0x50, $0x38;
	[tilespmem:$0x1FD00] =	vst v63  }
0xa3: {  	_ =	swait.ge [sflag:s25], $0x50  }
0xa4: {  	[sflag:s25] =	ssyncset.done $0x0  }
0xa5: {  	s18 =	rddreg [dreg:$0xe];
	[sflag:s25] =	ssyncadd.s32 $0xFFFFFFB0  }
0xa6: {  	[tilespmem:s30], [sflag:$0x5] =	stream.linear.gather [hbm4b:s18+s12], $0x50, $0x38;
	[tilespmem:$0x1FD00] =	vst v63  }
0xa7: {  	_ =	swait.ge [sflag:s25], $0x50  }
0xa8: {  	[sflag:s25] =	ssyncset.done $0x0  }
0xa9: {  	[sflag:s25] =	ssyncadd.s32 $0xFFFFFFB0  }
0xaa: {  	[tilespmem:s26], [sflag:$0x1] =	stream.indirect.gather [hbm4b:s1+s31], $0x80, s12, s31, $0xb8;
	[tilespmem:$0x1FD00] =	vst v63  }
0xab: {  	_ = 	snop  }
0xac: {  	[tilespmem:s2], [sflag:$0x2] =	stream.indirect.gather [hbm4b:s1+s31], $0x80, s31, s31, $0xb8;
	[tilespmem:$0x1FD00] =	vst v63  }
0xad: {  	s19 =	simm.s32 $0x2880  }
0xae: {  	[tilespmem:s19], [sflag:$0x3] =	stream.linear.gather [hbm4b:s21+s12], $0x50, $0x38;
	[tilespmem:$0x1FD00] =	vst v63  }
0xaf: {  	_ =	swait.ge [sflag:s28], $0x2800  }
0xb0: {  	[sflag:s28] =	ssyncset.done $0x0  }
0xb1: {  	[sflag:s28] =	ssyncadd.s32 $0xFFFFD800  }
0xb2: {  	[spmem:s3] =	stream.indirect.scatter.add.f32 [tilespmem:s26], [sflag:$0x5], $0x80, s29, s31, $0xb8;
	[tilespmem:$0x1FD00] =	vst v63  }
0xb3: {  	_ =	swait.ge [sflag:s25], $0x2800  }
0xb4: {  	[sflag:s25] =	ssyncset.done $0x0  }
0xb5: {  	s23 =	simm.s32 $0xA0;
	[sflag:s25] =	ssyncadd.s32 $0xFFFFD800  }
0xb6: {  	[tilespmem:s26], [sflag:$0x1] =	stream.indirect.gather [hbm4b:s1+s31], $0x80, s23, s31, $0xb8;
	[tilespmem:$0x1FD00] =	vst v63  }
0xb7: {  	_ = 	snop  }
0xb8: {  	[spmem:s4] =	stream.indirect.scatter.add.f32 [tilespmem:s0], [sflag:$0x4], $0x1, s29, s31, $0xb8;
	[tilespmem:$0x1FD00] =	vst v63  }
0xb9: {  	s24 =	simm.s32 $0x2900  }
0xba: {  	[tilespmem:s24], [sflag:$0x3] =	stream.linear.gather [hbm4b:s22+s12], $0x50, $0x38;
	[tilespmem:$0x1FD00] =	vst v63  }
0xbb: {  	_ =	swait.ge [sflag:s7], $0x2800  }
0xbc: {  	[sflag:s7] =	ssyncset.done $0x0  }
0xbd: {  	[sflag:s7] =	ssyncadd.s32 $0xFFFFD800  }
0xbe: {  	[spmem:s3] =	stream.indirect.scatter.add.f32 [tilespmem:s2], [sflag:$0x5], $0x80, s30, s31, $0xb8;
	[tilespmem:$0x1FD00] =	vst v63  }
0xbf: {  	_ =	swait.ge [sflag:s25], $0x2800  }
0xc0: {  	[sflag:s25] =	ssyncset.done $0x0  }
0xc1: {  	[sflag:s25] =	ssyncadd.s32 $0xFFFFD800  }
0xc2: {  	[spmem:s4] =	stream.indirect.scatter.add.f32 [tilespmem:s0], [sflag:$0x4], $0x1, s30, s31, $0xb8;
	[tilespmem:$0x1FD00] =	vst v63  }
0xc3: {  	_ =	swait.ge [sflag:s8], $0x50  }
0xc4: {  	[sflag:s8] =	ssyncset.done $0x0  }
0xc5: {  	[sflag:s8] =	ssyncadd.s32 $0xFFFFFFB0  }
0xc6: {  	_ =	swait.ge [sflag:s8], $0x50  }
0xc7: {  	s13 =	simm.s32 $0xF0;
	[sflag:s8] =	ssyncset.done $0x0  }
0xc8: {  	s23 =	smov.u32 s16;
	s24 =	smov.u32 s14;
	[sflag:s8] =	ssyncadd.s32 $0xFFFFFFB0  }
.LBB2_4:
0xc9: {  	[tilespmem:s2], [sflag:$0x2] =	stream.indirect.gather [hbm4b:s1+s31], $0x80, s13, s31, $0xb8;
	[tilespmem:$0x1FD00] =	vst v63  }
0xca: {  	s17 =	sshra.s32 s12, $0x2  }
0xcb: {  	s18 =	sadd.s32 $0x2980, s17  }
0xcc: {  	[tilespmem:s18], [sflag:$0x3] =	stream.linear.gather [hbm4b:s23+s5], $0x50, $0x38;
	[tilespmem:$0x1FD00] =	vst v63  }
0xcd: {  	_ =	swait.ge [sflag:s28], $0x2800  }
0xce: {  	[sflag:s28] =	ssyncset.done $0x0  }
0xcf: {  	s18 =	sadd.s32 $0x2880, s17;
	[sflag:s28] =	ssyncadd.s32 $0xFFFFD800  }
0xd0: {  	[spmem:s3] =	stream.indirect.scatter.add.f32 [tilespmem:s26], [sflag:$0x5], $0x80, s18, s31, $0xb8;
	[tilespmem:$0x1FD00] =	vst v63  }
0xd1: {  	_ =	swait.ge [sflag:s25], $0x2800  }
0xd2: {  	[sflag:s25] =	ssyncset.done $0x0  }
0xd3: {  	s19 =	sadd.s32 $0x50, s13;
	[sflag:s25] =	ssyncadd.s32 $0xFFFFD800  }
0xd4: {  	[tilespmem:s26], [sflag:$0x1] =	stream.indirect.gather [hbm4b:s1+s31], $0x80, s19, s31, $0xb8;
	[tilespmem:$0x1FD00] =	vst v63  }
0xd5: {  	p0 =	seq.s32 s12, $0xF000  }
0xd6: {  	[spmem:s4] =	stream.indirect.scatter.add.f32 [tilespmem:s0], [sflag:$0x4], $0x1, s18, s31, $0xb8;
	[tilespmem:$0x1FD00] =	vst v63  }
0xd7: {  	s18 =	sshra.s32 @!p0 s12, $0x2  }
0xd8: {  	s19 =	simm.s32 @!p0 $0x0;
	s18 =	sadd.s32 @!p0 $0x2A00, s18  }
0xd9: {  	[tilespmem:s18], [sflag:$0x3] =	stream.linear.gather @!p0 [hbm4b:s24+s19], $0x50, $0x38;
	[tilespmem:$0x1FD00] =	vst v63  }
0xda: {  	_ =	swait.ge [sflag:s7], $0x2800  }
0xdb: {  	[sflag:s7] =	ssyncset.done $0x0  }
0xdc: {  	s17 =	sadd.s32 $0x2900, s17;
	[sflag:s7] =	ssyncadd.s32 $0xFFFFD800  }
0xdd: {  	[spmem:s3] =	stream.indirect.scatter.add.f32 [tilespmem:s2], [sflag:$0x5], $0x80, s17, s31, $0xb8;
	[tilespmem:$0x1FD00] =	vst v63  }
0xde: {  	_ =	swait.ge [sflag:s25], $0x2800  }
0xdf: {  	[sflag:s25] =	ssyncset.done $0x0  }
0xe0: {  	[sflag:s25] =	ssyncadd.s32 $0xFFFFD800  }
0xe1: {  	[spmem:s4] =	stream.indirect.scatter.add.f32 [tilespmem:s0], [sflag:$0x4], $0x1, s17, s31, $0xb8;
	[tilespmem:$0x1FD00] =	vst v63  }
0xe2: {  	_ =	swait.ge [sflag:s9], $0x50  }
0xe3: {  	[sflag:s9] =	ssyncset.done $0x0  }
0xe4: {  	[sflag:s9] =	ssyncadd.s32 $0xFFFFFFB0  }
0xe5: {  	_ =	swait.ge [sflag:s9], $0x50  }
.Ltmp3:
0xe6: {  	[sflag:s9] =	ssyncset.done $0x0;
	(pc) =	sbr.rel @p0 .LBB2_6-.Ltmp3, $4  }
0xe7: {  	[sflag:s9] =	ssyncadd.s32 $0xFFFFFFB0  }
0xe8: {  	_ =	swait.ge [sflag:s8], $0x50  }
0xe9: {  	[sflag:s8] =	ssyncset.done $0x0  }
0xea: {  	[sflag:s8] =	ssyncadd.s32 $0xFFFFFFB0  }
.Ltmp4:
0xeb: {  	(pc) =	sbr.rel .LBB2_4-.Ltmp4, $4  }
0xec: {  	_ = 	snop  }
0xed: {  	_ =	swait.ge [sflag:s8], $0x50  }
0xee: {  	s12 =	sadd.s32 $0x400, s12;
	s13 =	sadd.s32 $0xA0, s13;
	[sflag:s8] =	ssyncset.done $0x0  }
0xef: {  	s23 =	sadd.s32 $0x14, s23;
	s24 =	sadd.s32 $0x14, s24;
	[sflag:s8] =	ssyncadd.s32 $0xFFFFFFB0  }
.LBB2_7:
0xf0: {  	_ =	sfence.sel $0x180000  }
0xf1: {  	[bflag:$0x0] =	sbarrier.arrive $0xFFFF  }
0xf2: {  	_ =	strace $0x9000004A  }
0xf3: {  	s0 =	stileid.u32;
	[bflag:$0x2] =	sbarrier.arrive $0xFFFF  }
0xf4: {  	p0 =	sne.s32 s0, $0x0;
	s0 =	rddreg [dreg:$0x4]  }
0xf5: {  	s0 =	sadd.s32 @!p0 $0x100000, s0  }
0xf6: {  	[sflag:s0] =	ssyncadd.tile.s32 @!p0 $0x1;
	_ =	shalt  }
.Lfunc_end2:
_tile_overlayer_lowered:
.L_overlay_start_2:
0xf7: {  	(tag) =	ssettag $0x2  }
0xf8: {  	s0 =	rddreg [dreg:$0x0];
	s2 =	stileid.u32  }
0xf9: {  	s1 =	rddreg [dreg:$0x1];
	p0 =	sne.s32 s2, $0x0  }
0xfa: {  	s3 =	rddreg [dreg:$0x2];
	[bflag:$0x3] =	sbarrier.arrive $0xFFFF;
	s2 =	simm.s32 @!p0 $0x1C05  }
0xfb: {  	[timem:s3], [sflag:s2] =	dma.local @!p0 [hbm:s0], s1  }
0xfc: {  	s0 =	simm.s32 @!p0 $0x5  }
0xfd: {  	_ =	swait.ge @!p0 [sflag:s0], s1  }
0xfe: {  	s1 =	ssub.s32 @!p0 $0x0, s1;
	[sflag:s0] =	ssyncset.done @!p0 $0x0  }
0xff: {  	[sflag:s0] =	ssyncadd.s32 @!p0 s1  }
0x100: {  	[bflag:$0x3] =	sbarrier.arrive $0xFFFF  }
0x101: {  	_ =	shalt  }

// kernel: kernel.7.cloned.1.call-start
scs
__scs_entry_jumppad:
0x0: {  	(pc) =	sbr.rel $0x88, $3  }
0x1: {  	(tag) =	ssettag $0x0;
	lr =	simm.s32 $0x1  }
0x2: {  	[smem:$0x3F9B] =	sst lr;
	_ =	strace $0xD0000000  }
0x3: {  	_ = 	snop  }
0x4: {  	_ = 	snop  }
0x5: {  	_ = 	snop  }
0x6: {  	_ = 	snop  }
0x7: {  	_ = 	snop  }
__scs_overlays_trampoline_lowered:
0x8: {  	[smem:$0x3FAA] =	sst s0  }
0x9: {  	[smem:$0x3FAB] =	sst s1  }
0xa: {  	[smem:$0x3FAC] =	sst s2  }
0xb: {  	[smem:$0x3FAD] =	sst s3  }
0xc: {  	[smem:$0x3FAE] =	sst s4  }
0xd: {  	[smem:$0x3FAF] =	sst s5  }
0xe: {  	[smem:$0x3FB0] =	sst s6  }
0xf: {  	[smem:$0x3FB1] =	sst s7  }
0x10: {  	[smem:$0x3FB2] =	sst s8  }
0x11: {  	[smem:$0x3FB3] =	sst s9;
	s0 =	simm.s32 @!p0 $0x0  }
0x12: {  	s1 =	sld [smem:$0x3F99];
	s0 =	simm.s32 @p0 $0x1  }
0x13: {  	[smem:$0x3FB4] =	sst s0;
	s0 =	simm.s32 @!p1 $0x0  }
0x14: {  	s2 =	sld [smem:$0x3F98];
	s0 =	simm.s32 @p1 $0x1  }
0x15: {  	[smem:$0x3FB5] =	sst s0;
	s0 =	simm.s32 @!p2 $0x0  }
0x16: {  	s3 =	sld [smem:$0x3FDB];
	s0 =	simm.s32 @p2 $0x1  }
0x17: {  	s4 =	simm.s32 $0x1BF5;
	[smem:$0x3FB7] =	sst s0  }
0x18: {  	s0 =	sld [smem:$0x3F9A];
	_ =	swait.ge [sflag:s4], $0x0  }
0x19: {  	s7 =	sld [smem:$0x3F9B]  }
0x1a: {  	s8 =	sadd.s32 $0xFFFFE003, lr  }
0x1b: {  	s9 =	sadd.s32 $0xFFFFFEF7, lr;
	s5 =	simm.s32 $0xFFFFFFFF;
	p2 =	slt.u32 s8, $0xFFFFF086  }
0x1c: {  	p1 =	slt.u32 s9, $0xF7A;
	s5 =	simm.s32 @!p2 $0x0  }
0x1d: {  	s5 =	simm.s32 @p1 $0x1;
	p0 =	seq.s32 s7, s2  }
0x1e: {  	s7 =	smul.u32 @!p0 $0xF7A, s2;
	p2 =	seq.s32 @!p0 s5, $0x0  }
0x1f: {  	s9 =	smul.u32 $0xF7A, s1;
	s8 =	simm.s32 @!p0 $0x1BF5;
	p2 =	por !p2, p0  }
0x20: {  	[sflag:s8] =	ssyncset.s32 @!p0 $0xFFFFF086;
	s6 =	sadd.s32 @!p0 s3, s7;
	s7 =	simm.s32 @!p0 $0x108  }
0x21: {  	s3 =	sadd.s32 s3, s9;
	s6 =	sadd.s32 @!p0 $0x88, s6;
	s7 =	simm.s32 @p2 $0x1082  }
0x22: {  	[simem:s7], [sflag:s8] =	dma.local @!p0 [hbm:s6], $0xF7A  }
0x23: {  	s9 =	sor.u32 $0xD0000000, s2;
	s6 =	simm.s32 $0x108;
	_ =	swait.ge @!p0 [sflag:s8], $0x0  }
0x24: {  	s3 =	sadd.s32 $0x88, s3;
	s6 =	simm.s32 @!p1 $0x1082;
	[sflag:s4] =	ssyncset.s32 $0xFFFFF086  }
0x25: {  	[simem:s6], [sflag:s4] =	dma.local [hbm:s3], $0xF7A  }
0x26: {  	[smem:$0x3F9B] =	sst s1;
	(tag) =	ssettag s2;
	_ =	strace s9  }
0x27: {  	s1 =	sld [smem:$0x3FAB]  }
0x28: {  	s2 =	sld [smem:$0x3FAC]  }
0x29: {  	s4 =	sld [smem:$0x3FAE]  }
0x2a: {  	p0 =	seq.s32 s5, $0x0;
	s5 =	sld [smem:$0x3FAF]  }
0x2b: {  	s6 =	sld [smem:$0x3FB0]  }
0x2c: {  	s7 =	sld [smem:$0x3FB1]  }
0x2d: {  	s3 =	simm.s32 $0x108;
	s8 =	sld [smem:$0x3FB2]  }
0x2e: {  	s3 =	simm.s32 @!p0 $0x1082;
	s9 =	sld [smem:$0x3FB3]  }
0x2f: {  	lr =	sadd.s32 s0, s3;
	s0 =	sld [smem:$0x3FAA]  }
0x30: {  	s3 =	sld [smem:$0x3FAD]  }
0x31: {  	[smem:$0x3FB6] =	sst s10  }
0x32: {  	s10 =	sld [smem:$0x3FB4];
	_ =	sdelay $0x3  }
0x33: {  	p0 =	seq.s32 s10, $0x1;
	s10 =	sld [smem:$0x3FB6];
	_ =	sdelay $0x3  }
0x34: {  	[smem:$0x3FB6] =	sst s10  }
0x35: {  	s10 =	sld [smem:$0x3FB5];
	_ =	sdelay $0x3  }
0x36: {  	p1 =	seq.s32 s10, $0x1;
	s10 =	sld [smem:$0x3FB6];
	_ =	sdelay $0x3  }
0x37: {  	[smem:$0x3FB6] =	sst s10  }
0x38: {  	s10 =	sld [smem:$0x3FB7]  }
0x39: {  	_ = 	snop;
	(pc) =	sbr.ind lr, $3  }
0x3a: {  	_ = 	snop  }
0x3b: {  	_ = 	snop  }
0x3c: {  	p2 =	seq.s32 s10, $0x1;
	s10 =	sld [smem:$0x3FB6]  }
0x3d: {  	_ =	shalt  }
0x3e: {  	_ =	shalt  }
0x3f: {  	_ =	shalt  }
0x40: {  	_ =	shalt  }
0x41: {  	_ =	shalt  }
0x42: {  	_ =	shalt  }
0x43: {  	_ =	shalt  }
0x44: {  	_ =	shalt  }
0x45: {  	_ =	shalt  }
0x46: {  	_ =	shalt  }
0x47: {  	_ =	shalt  }
0x48: {  	_ =	shalt  }
0x49: {  	_ =	shalt  }
0x4a: {  	_ =	shalt  }
0x4b: {  	_ =	shalt  }
0x4c: {  	_ =	shalt  }
0x4d: {  	_ =	shalt  }
0x4e: {  	_ =	shalt  }
0x4f: {  	_ =	shalt  }
0x50: {  	_ =	shalt  }
0x51: {  	_ =	shalt  }
0x52: {  	_ =	shalt  }
0x53: {  	_ =	shalt  }
0x54: {  	_ =	shalt  }
0x55: {  	_ =	shalt  }
0x56: {  	_ =	shalt  }
0x57: {  	_ =	shalt  }
0x58: {  	_ =	shalt  }
0x59: {  	_ =	shalt  }
0x5a: {  	_ =	shalt  }
0x5b: {  	_ =	shalt  }
0x5c: {  	_ =	shalt  }
0x5d: {  	_ =	shalt  }
0x5e: {  	_ =	shalt  }
0x5f: {  	_ =	shalt  }
0x60: {  	_ =	shalt  }
0x61: {  	_ =	shalt  }
0x62: {  	_ =	shalt  }
0x63: {  	_ =	shalt  }
0x64: {  	_ =	shalt  }
0x65: {  	_ =	shalt  }
0x66: {  	_ =	shalt  }
0x67: {  	_ =	shalt  }
0x68: {  	_ =	shalt  }
0x69: {  	_ =	shalt  }
0x6a: {  	_ =	shalt  }
0x6b: {  	_ =	shalt  }
0x6c: {  	_ =	shalt  }
0x6d: {  	_ =	shalt  }
0x6e: {  	_ =	shalt  }
0x6f: {  	_ =	shalt  }
0x70: {  	_ =	shalt  }
0x71: {  	_ =	shalt  }
0x72: {  	_ =	shalt  }
0x73: {  	_ =	shalt  }
0x74: {  	_ =	shalt  }
0x75: {  	_ =	shalt  }
0x76: {  	_ =	shalt  }
0x77: {  	_ =	shalt  }
0x78: {  	_ =	shalt  }
0x79: {  	_ =	shalt  }
0x7a: {  	_ =	shalt  }
0x7b: {  	_ =	shalt  }
0x7c: {  	_ =	shalt  }
0x7d: {  	_ =	shalt  }
0x7e: {  	_ =	shalt  }
0x7f: {  	_ =	shalt  }
0x80: {  	_ =	shalt  }
0x81: {  	_ =	shalt  }
0x82: {  	_ =	shalt  }
0x83: {  	_ =	shalt  }
0x84: {  	_ =	shalt  }
0x85: {  	_ =	shalt  }
0x86: {  	_ =	shalt  }
0x87: {  	_ =	shalt  }
.Lfunc_end0:
.L_simem_size_0:
called_computation_lowered:
.L_overlay_start_0:
0x88: {  	s2 =	sld [smem:$0x3FD9]  }
0x89: {  	s3 =	sld [smem:$0x3FFE];
	_ =	sdelay $0x1  }
0x8a: {  	s1 =	srdreg.scid  }
0x8b: {  	s0 =	sand.u32 $0x1, s1  }
0x8c: {  	s17 =	sshll.u32 s0, $0xA;
	s2 =	sadd.s32 s3, s2  }
0x8d: {  	s2 =	sadd.s32 s2, s17  }
0x8e: {  	[smem:$0x3FC2] =	sst s2  }
0x8f: {  	_ = 	snop  }
0x90: {  	s2 =	sld [smem:$0x3FD0];
	(tm) =	ssettm $0x1  }
0x91: {  	s18 =	sld [smem:$0x3FFB];
	_ =	sdelay $0x3  }
0x92: {  	_ =	strace s18  }
0x93: {  	s3 =	sld [smem:$0x3FFC];
	_ =	sdelay $0x3  }
0x94: {  	_ =	strace s3  }
0x95: {  	s3 =	sld [smem:$0x3FFD];
	_ =	sdelay $0x3  }
0x96: {  	_ =	strace s3  }
0x97: {  	_ =	strace $0x8FFFFFFF  }
0x98: {  	s19 =	sld [smem:$0x3FDB];
	_ =	sdelay $0x1  }
0x99: {  	s4 =	simm.s32 $_scs_section_size  }
0x9a: {  	s5 =	simm.s32 $_size__tile_overlayer_lowered;
	s6 =	simm.s32 $_tile_overlayer_lowered  }
0x9b: {  	s22 =	simm.s32 $0x1BFF;
	s21 =	sshll.u32 s6, $0x1;
	s3 =	sadd.s32 s4, s19  }
0x9c: {  	s7 =	simm.s32 $0x0;
	s20 =	sshll.u32 s5, $0x1;
	s5 =	sadd.s32 s21, s3  }
0x9d: {  	[timem:s7], [sflag:s22] =	dma.local [hbm:s5], s20  }
0x9e: {  	_ =	swait.ge [sflag:s22], s20  }
0x9f: {  	s4 =	ssub.s32 $0x0, s20;
	[sflag:s22] =	ssyncset.done $0x0  }
0xa0: {  	[sflag:s22] =	ssyncadd.s32 s4;
	_ =	sdelay $0x1  }
0xa1: {  	s23 =	simm.s32 $0x1B8B  }
0xa2: {  	_ =	swait.ge [sflag:s23], $0x1  }
0xa3: {  	[sflag:s23] =	ssyncset.done $0x0  }
0xa4: {  	s25 =	simm.s32 $0x1B8E;
	s24 =	sld [smem:$0x3FFE];
	[sflag:s23] =	ssyncadd.s32 $0xFFFFFFFF  }
0xa5: {  	s26 =	simm.s32 $execute0_lowered;
	[smem:$0x3FD2] =	sst s25  }
0xa6: {  	s5 =	sshll.u32 s26, $0x1;
	_ =	strace $0x80000046;
	[dreg:$0x1] =	wrdreg $0xFFFFFFFF  }
0xa7: {  	s28 =	simm.s32 $_size_execute0_lowered;
	s3 =	sadd.s32 s3, s5;
	[dreg:$0x0] =	wrdreg $0x0  }
0xa8: {  	s5 =	sshll.u32 s28, $0x1;
	[dreg:$0x2] =	wrdreg s3  }
0xa9: {  	[dreg:$0x3] =	wrdreg s5  }
0xaa: {  	[dreg:$0x4] =	wrdreg $0xC0  }
0xab: {  	_ =	task [dreg:s7], $0x5FFFF  }
0xac: {  	[dreg:$0x1] =	wrdreg $0xFFFFFFFF  }
0xad: {  	[dreg:$0x0] =	wrdreg $0x60  }
0xae: {  	[dreg:$0x2] =	wrdreg s2  }
0xaf: {  	[dreg:$0x3] =	wrdreg s24  }
0xb0: {  	[dreg:$0x4] =	wrdreg $0xBA800  }
0xb1: {  	[dreg:$0x5] =	wrdreg $0x1FA800  }
0xb2: {  	[dreg:$0x6] =	wrdreg $0x9  }
0xb3: {  	_ =	task.clear_ibuf [dreg:s7], $0x7FFFF;
	_ =	strace $0x90000046  }
0xb4: {  	s29 =	simm.s32 $0x9;
	_ =	strace $0x80000048  }
0xb5: {  	_ =	swait.ge [sflag:s29], $0x1  }
0xb6: {  	[sflag:s29] =	ssyncadd.s32 $0xFFFFFFFF  }
0xb7: {  	_ =	strace $0x90000048  }
0xb8: {  	_ =	sfence  }
0xb9: {  	s30 =	sld [smem:$0x0];
	_ =	sdelay $0x2  }
0xba: {  	s31 =	sshll.u32 s1, $0xD;
	s1 =	sshrl.u32 s1, $0x2  }
0xbb: {  	s3 =	sand.u32 $0x4000, s31;
	s1 =	sadd.s32 s1, s30  }
0xbc: {  	s0 =	sor.u32 s3, s0;
	s1 =	sshll.u32 s1, $0x11  }
0xbd: {  	s0 =	sor.u32 s1, s0  }
0xbe: {  	s0 =	sadd.s32 $0x8F2B, s0  }
0xbf: {  	[sflag:s0] =	ssyncadd.remote.s32 $0x1  }
0xc0: {  	_ =	sfence.sel $0xFFFF  }
0xc1: {  	[dreg:$0x0] =	wrdreg $0xFFFFFFFF;
	(pc) =	sbr.abs _section_cstart, $3  }
0xc2: {  	[dreg:$0x1] =	wrdreg $0xFFFFFFFF  }
0xc3: {  	_ =	task.clear_ibuf [dreg:s7], $0x2FFFF;
	_ =	strace $0x9FFFFFFF  }
0xc4: {  	(tm) =	ssettm $0x7FFFFFFF  }
0xc5: {  	_ =	shalt  }
tec
execute0_lowered:
.L_overlay_start_1:
0x0: {  	(tag) =	ssettag $0x1  }
0x1: {  	s1 =	rddreg [dreg:$0x0]  }
0x2: {  	s0 =	rddreg [dreg:$0x1]  }
0x3: {  	s3 =	rddreg [dreg:$0x2]  }
0x4: {  	s4 =	rddreg [dreg:$0x3]  }
0x5: {  	s2 =	srdreg.scid;
	s13 =	stileid.u32;
	s5 =	simm.s32 $0x0  }
0x6: {  	s29 =	simm.s32 $0x2780;
	s30 =	simm.s32 $0x2800;
	s8 =	smul.u32 $0x280, s13  }
0x7: {  	s31 =	simm.s32 $0x50;
	s28 =	simm.s32 $0x1;
	s7 =	smul.u32 $0x500, s13  }
0x8: {  	s2 =	sand.u32 $0x1, s2;
	[smem:$0x7FF] =	sst s5;
	s21 =	smul.u32 $0x50000, s13  }
0x9: {  	s9 =	sadd.s32 $0x2A00, s0;
	s6 =	smul.u32 $0x2800, s2;
	_ =	strace $0x80000047  }
0xa: {  	s10 =	sshll.u32 s2, $0x7;
	s11 =	sshll.u32 s2, $0x4;
	s24 =	ssub.s32 $0x2, s2  }
0xb: {  	s2 =	smul.u32 $0x27100, s2;
	s7 =	sor.u32 s10, s7;
	s20 =	sor.u32 s13, s11  }
0xc: {  	s25 =	sshrl.u32 s21, $0x2;
	s26 =	sshrl.u32 s24, $0x1;
	s21 =	smul.u32 $0x2710, s13  }
0xd: {  	s11 =	simm.s32 $0x6580;
	s6 =	sadd.s32 s8, s6;
	s22 =	sshrl.u32 s7, $0x3  }
0xe: {  	s23 =	smul.u32 $0x2710, s20;
	s10 =	ssub.s32 s24, s26;
	s6 =	sshll.u32 s6, $0x4  }
0xf: {  	s26 =	sadd.s32 s21, s2;
	s12 =	sadd.s32 s6, s0;
	s0 =	sadd.s32 s22, s0  }
0x10: {  	s7 =	sshrl.u32 s23, $0x3;
	s6 =	sadd.s32 s25, s3;
	s25 =	smax.u32 s10, $0x1  }
0x11: {  	s2 =	sadd.s32 $0x4E340, s26;
	s14 =	sadd.s32 $0x2800, s6;
	[dreg:$0x10] =	wrdreg s25  }
0x12: {  	s10 =	simm.s32 $0x4;
	s15 =	sadd.s32 $0x5000, s6;
	[dreg:$0x5] =	wrdreg s14  }
0x13: {  	s7 =	sadd.s32 s9, s7;
	s16 =	sadd.s32 $0x7800, s6;
	[dreg:$0x6] =	wrdreg s15  }
0x14: {  	s17 =	sadd.s32 $0xA000, s6;
	s18 =	sadd.s32 $0xC800, s6;
	[dreg:$0x7] =	wrdreg s16  }
0x15: {  	s19 =	sadd.s32 $0xF000, s6;
	s20 =	sadd.s32 $0x11800, s6;
	[dreg:$0x8] =	wrdreg s17  }
0x16: {  	s24 =	sadd.s32 $0x29C00, s12;
	s0 =	sadd.s32 $0x79C00, s0;
	[dreg:$0x9] =	wrdreg s18  }
0x17: {  	s2 =	sshrl.u32 s2, $0x3;
	s25 =	simm.s32 $0x5;
	[dreg:$0xa] =	wrdreg s19  }
0x18: {  	s12 =	simm.s32 $0x0;
	[dreg:$0xb] =	wrdreg s20;
	s15 =	sadd.s32 s8, s4  }
0x19: {  	s22 =	sadd.s32 $0x9C40, s7;
	s23 =	sadd.s32 $0x9C4A, s7;
	[dreg:$0xe] =	wrdreg s24  }
.Ltmp0:
0x1a: {  	[dreg:$0xf] =	wrdreg s0;
	s21 =	sadd.s32 $0x9C54, s7;
	(pc) =	sbr.rel .LBB2_1-.Ltmp0, $4  }
0x1b: {  	s0 =	sadd.s32 $0x4E390, s26;
	s17 =	sadd.s32 s2, s9;
	s26 =	simm.s32 $0x6780  }
0x1c: {  	s2 =	simm.s32 $0xB780;
	s8 =	simm.s32 $0x2;
	[dreg:$0xc] =	wrdreg s22  }
0x1d: {  	[dreg:$0xd] =	wrdreg s23;
	s22 =	sadd.s32 $0x9C5E, s7;
	s0 =	sshrl.u32 s0, $0x3  }
0x1e: {  	v0 =	vimm.f32 $1.000000000e+00;
	v1 =	vimm.f32 $0.0e+00;
	s16 =	sadd.s32 s0, s9;
	s0 =	simm.s32 $0x8F80;
	s9 =	simm.s32 $0x3  }
.LBB2_6:
0x1f: {  	_ =	swait.ge [sflag:s28], $0x2800  }
0x20: {  	[sflag:s28] =	ssyncset.done $0x0  }
0x21: {  	[sflag:s28] =	ssyncadd.s32 $0xFFFFD800  }
0x22: {  	[spmem:s3] =	stream.indirect.scatter.add.f32 [tilespmem:s26], [sflag:$0x5], $0x80, s11, s31, $0xb8;
	[tilespmem:$0x1FD00] =	vst v63  }
0x23: {  	_ =	swait.ge [sflag:s25], $0x2800  }
0x24: {  	[sflag:s25] =	ssyncset.done $0x0  }
0x25: {  	[sflag:s25] =	ssyncadd.s32 $0xFFFFD800  }
0x26: {  	[spmem:s4] =	stream.indirect.scatter.add.f32 [tilespmem:s2], [sflag:$0x5], $0x1, s11, s31, $0xb8;
	[tilespmem:$0x1FD00] =	vst v63  }
0x27: {  	_ =	swait.ge [sflag:s25], $0x50  }
0x28: {  	[sflag:s25] =	ssyncset.done $0x0  }
0x29: {  	[sflag:s25] =	ssyncadd.s32 $0xFFFFFFB0  }
0x2a: {  	_ =	swait.ge [sflag:s10], $0x50  }
0x2b: {  	[sflag:s10] =	ssyncset.done $0x0  }
0x2c: {  	[sflag:s10] =	ssyncadd.s32 $0xFFFFFFB0  }
0x2d: {  	_ =	swait.ge [sflag:s10], $0x50  }
0x2e: {  	[sflag:s10] =	ssyncset.done $0x0  }
0x2f: {  	s13 =	stileid.u32;
	[sflag:s10] =	ssyncadd.s32 $0xFFFFFFB0  }
0x30: {  	s13 =	sshll.u32 s13, $0x6;
	[bflag:$0x0] =	sbarrier.arrive $0xFFFF  }
0x31: {  	s14 =	sshrl.u32 s6, $0x3;
	s13 =	sor.u32 $0x1C05, s13;
	s18 =	rddreg [dreg:$0xe]  }
0x32: {  	[hbm:s18], [sflag:s13] =	dma.local [spmem:s14], $0x2800  }
0x33: {  	_ =	swait.ge [sflag:s25], $0x2800  }
0x34: {  	s19 =	simm.s32 $0x20;
	s20 =	simm.s32 $0x10;
	[sflag:s25] =	ssyncset.done $0x0  }
0x35: {  	s18 =	sshrl.u32 s15, $0x3;
	s23 =	rddreg [dreg:$0xf];
	[sflag:s25] =	ssyncadd.s32 $0xFFFFD800  }
0x36: {  	[hbm:s23@s19], [sflag:s13] =	dma.strided [spmem:s18@s20], $0x50, s28, $0x10   }
0x37: {  	_ =	swait.ge [sflag:s25], $0x50  }
0x38: {  	s12 =	sadd.s32 $0x1, s12;
	s24 =	rddreg [dreg:$0x10]  }
0x39: {  	p0 =	sne.s32 s12, s24  }
.Ltmp1:
0x3a: {  	_ = 	snop;
	(pc) =	sbr.rel @!p0 .LBB2_7-.Ltmp1, $3  }
0x3b: {  	_ =	sdelay $0x1  }
0x3c: {  	[sflag:s25] =	ssyncset.done $0x0  }
0x3d: {  	[sflag:s25] =	ssyncadd.s32 $0xFFFFFFB0  }
.LBB2_1:
0x3e: {  	[tilespmem:s5], [sflag:$0x5] =	stream.linear.gather [hbm4b:s7+s5], $0x2710, $0x38;
	[tilespmem:$0x1FD00] =	vst v63  }
0x3f: {  	_ =	swait.ge [sflag:s25], $0x2710  }
0x40: {  	[sflag:s25] =	ssyncset.done $0x0  }
0x41: {  	[sflag:s25] =	ssyncadd.s32 $0xFFFFD8F0  }
0x42: {  	[tilespmem:$0xB780] =	vst v0  }
0x43: {  	[tilespmem:$0xB790] =	vst v0  }
0x44: {  	[tilespmem:$0xB7A0] =	vst v0  }
0x45: {  	[tilespmem:$0xB7B0] =	vst v0  }
0x46: {  	s13 =	simm.s32 $0x0;
	s14 =	simm.s32 $0x200;
	[tilespmem:$0xB7C0] =	vst v0  }
.LBB2_2:
0x47: {  	p0 =	sne.s32 s14, $0x9E00;
	[tilespmem:s13+$0x67F0] =	vst v1  }
0x48: {  	[tilespmem:s13+$0x6780] =	vst v1  }
0x49: {  	[tilespmem:s13+$0x6790] =	vst v1  }
.Ltmp2:
0x4a: {  	[tilespmem:s13+$0x67A0] =	vst v1;
	(pc) =	sbr.rel @p0 .LBB2_2-.Ltmp2, $4  }
0x4b: {  	[tilespmem:s13+$0x67B0] =	vst v1  }
0x4c: {  	[tilespmem:s13+$0x67C0] =	vst v1  }
0x4d: {  	[tilespmem:s13+$0x67D0] =	vst v1  }
0x4e: {  	[tilespmem:s13+$0x67E0] =	vst v1;
	s13 =	sshra.s32 s14, $0x2;
	s14 =	sadd.s32 $0x200, s14  }
0x4f: {  	[tilespmem:s13+$0x67F0] =	vst v1  }
0x50: {  	[tilespmem:s13+$0x6780] =	vst v1  }
0x51: {  	[tilespmem:s13+$0x6790] =	vst v1  }
0x52: {  	[tilespmem:s13+$0x67A0] =	vst v1  }
0x53: {  	[tilespmem:s13+$0x67B0] =	vst v1  }
0x54: {  	[tilespmem:s13+$0x67C0] =	vst v1  }
0x55: {  	[tilespmem:s13+$0x67D0] =	vst v1  }
0x56: {  	[tilespmem:s13+$0x67E0] =	vst v1  }
0x57: {  	[tilespmem:$0xB800] =	vst v1  }
0x58: {  	[tilespmem:$0xB810] =	vst v1  }
0x59: {  	[tilespmem:$0xB820] =	vst v1  }
0x5a: {  	[tilespmem:$0xB830] =	vst v1  }
0x5b: {  	[tilespmem:$0xB840] =	vst v1  }
0x5c: {  	[tilespmem:$0xB850] =	vst v1  }
0x5d: {  	[tilespmem:$0xB860] =	vst v1  }
0x5e: {  	[tilespmem:$0xB870] =	vst v1  }
0x5f: {  	[tilespmem:$0xB880] =	vst v1  }
0x60: {  	[tilespmem:$0xB890] =	vst v1  }
0x61: {  	[tilespmem:$0xB8A0] =	vst v1  }
0x62: {  	[tilespmem:$0xB8B0] =	vst v1  }
0x63: {  	[tilespmem:$0xB8C0] =	vst v1  }
0x64: {  	[tilespmem:$0xB8D0] =	vst v1  }
0x65: {  	[tilespmem:$0xB8E0] =	vst v1  }
0x66: {  	[tilespmem:$0xB8F0] =	vst v1  }
0x67: {  	[tilespmem:$0xB900] =	vst v1  }
0x68: {  	[tilespmem:$0xB910] =	vst v1  }
0x69: {  	[tilespmem:$0xB920] =	vst v1  }
0x6a: {  	[tilespmem:$0xB930] =	vst v1  }
0x6b: {  	[tilespmem:$0xB940] =	vst v1  }
0x6c: {  	[tilespmem:$0xB950] =	vst v1  }
0x6d: {  	[tilespmem:$0xB960] =	vst v1  }
0x6e: {  	[tilespmem:$0xB970] =	vst v1  }
0x6f: {  	[tilespmem:$0xB980] =	vst v1  }
0x70: {  	[tilespmem:$0xB990] =	vst v1  }
0x71: {  	[tilespmem:$0xB9A0] =	vst v1  }
0x72: {  	[tilespmem:$0xB9B0] =	vst v1  }
0x73: {  	[tilespmem:$0xB9C0] =	vst v1  }
0x74: {  	[tilespmem:$0xB9D0] =	vst v1  }
0x75: {  	[tilespmem:$0xB9E0] =	vst v1  }
0x76: {  	[tilespmem:$0xB9F0] =	vst v1  }
0x77: {  	[tilespmem:$0xBA00] =	vst v1  }
0x78: {  	[tilespmem:$0xBA10] =	vst v1  }
0x79: {  	[tilespmem:$0xBA20] =	vst v1  }
0x7a: {  	[tilespmem:$0xBA30] =	vst v1  }
0x7b: {  	[tilespmem:$0xBA40] =	vst v1  }
0x7c: {  	[tilespmem:$0xBA50] =	vst v1  }
0x7d: {  	[tilespmem:$0xBA60] =	vst v1  }
0x7e: {  	[tilespmem:$0xBA70] =	vst v1  }
0x7f: {  	[spmem:s6] =	stream.linear.scatter [tilespmem:s26], [sflag:$0x5], $0x2800, $0x38;
	[tilespmem:$0x1FD00] =	vst v63  }
0x80: {  	_ =	swait.ge [sflag:s25], $0x2800  }
0x81: {  	[sflag:s25] =	ssyncset.done $0x0  }
0x82: {  	s14 =	rddreg [dreg:$0x5];
	[sflag:s25] =	ssyncadd.s32 $0xFFFFD800  }
0x83: {  	[spmem:s14] =	stream.linear.scatter [tilespmem:s26], [sflag:$0x5], $0x2800, $0x38;
	[tilespmem:$0x1FD00] =	vst v63  }
0x84: {  	_ =	swait.ge [sflag:s25], $0x2800  }
0x85: {  	[sflag:s25] =	ssyncset.done $0x0  }
0x86: {  	s18 =	rddreg [dreg:$0x6];
	[sflag:s25] =	ssyncadd.s32 $0xFFFFD800  }
0x87: {  	[spmem:s18] =	stream.linear.scatter [tilespmem:s26], [sflag:$0x5], $0x2800, $0x38;
	[tilespmem:$0x1FD00] =	vst v63  }
0x88: {  	_ =	swait.ge [sflag:s25], $0x2800  }
0x89: {  	[sflag:s25] =	ssyncset.done $0x0  }
0x8a: {  	s19 =	rddreg [dreg:$0x7];
	[sflag:s25] =	ssyncadd.s32 $0xFFFFD800  }
0x8b: {  	[spmem:s19] =	stream.linear.scatter [tilespmem:s26], [sflag:$0x5], $0x2800, $0x38;
	[tilespmem:$0x1FD00] =	vst v63  }
0x8c: {  	_ =	swait.ge [sflag:s25], $0x2800  }
0x8d: {  	[sflag:s25] =	ssyncset.done $0x0  }
0x8e: {  	s20 =	rddreg [dreg:$0x8];
	[sflag:s25] =	ssyncadd.s32 $0xFFFFD800  }
0x8f: {  	[spmem:s20] =	stream.linear.scatter [tilespmem:s26], [sflag:$0x5], $0x2800, $0x38;
	[tilespmem:$0x1FD00] =	vst v63  }
0x90: {  	_ =	swait.ge [sflag:s25], $0x2800  }
0x91: {  	[sflag:s25] =	ssyncset.done $0x0  }
0x92: {  	s23 =	rddreg [dreg:$0x9];
	[sflag:s25] =	ssyncadd.s32 $0xFFFFD800  }
0x93: {  	[spmem:s23] =	stream.linear.scatter [tilespmem:s26], [sflag:$0x5], $0x2800, $0x38;
	[tilespmem:$0x1FD00] =	vst v63  }
0x94: {  	_ =	swait.ge [sflag:s25], $0x2800  }
0x95: {  	[sflag:s25] =	ssyncset.done $0x0  }
0x96: {  	s24 =	rddreg [dreg:$0xa];
	[sflag:s25] =	ssyncadd.s32 $0xFFFFD800  }
0x97: {  	[spmem:s24] =	stream.linear.scatter [tilespmem:s26], [sflag:$0x5], $0x2800, $0x38;
	[tilespmem:$0x1FD00] =	vst v63  }
0x98: {  	_ =	swait.ge [sflag:s25], $0x2800  }
0x99: {  	[sflag:s25] =	ssyncset.done $0x0  }
0x9a: {  	s14 =	rddreg [dreg:$0xb];
	[sflag:s25] =	ssyncadd.s32 $0xFFFFD800  }
0x9b: {  	[spmem:s14] =	stream.linear.scatter [tilespmem:s26], [sflag:$0x5], $0x2800, $0x38;
	[tilespmem:$0x1FD00] =	vst v63  }
0x9c: {  	_ =	swait.ge [sflag:s25], $0x2800  }
0x9d: {  	[sflag:s25] =	ssyncset.done $0x0  }
0x9e: {  	s18 =	simm.s32 $0xB800;
	[sflag:s25] =	ssyncadd.s32 $0xFFFFD800  }
0x9f: {  	[spmem:s15] =	stream.linear.scatter [tilespmem:s18], [sflag:$0x5], $0x280, $0x38;
	[tilespmem:$0x1FD00] =	vst v63  }
0xa0: {  	_ =	swait.ge [sflag:s25], $0x280  }
0xa1: {  	[sflag:s25] =	ssyncset.done $0x0  }
0xa2: {  	[sflag:s25] =	ssyncadd.s32 $0xFFFFFD80  }
0xa3: {  	[bflag:$0x0] =	sbarrier.arrive $0xFFFF  }
0xa4: {  	s13 =	simm.s32 $0x0;
	s14 =	rddreg [dreg:$0xc]  }
0xa5: {  	[tilespmem:s29], [sflag:$0x5] =	stream.linear.gather [hbm4b:s14+s13], $0x50, $0x38;
	[tilespmem:$0x1FD00] =	vst v63  }
0xa6: {  	_ =	swait.ge [sflag:s25], $0x50  }
0xa7: {  	[sflag:s25] =	ssyncset.done $0x0  }
0xa8: {  	s19 =	rddreg [dreg:$0xd];
	[sflag:s25] =	ssyncadd.s32 $0xFFFFFFB0  }
0xa9: {  	[tilespmem:s30], [sflag:$0x5] =	stream.linear.gather [hbm4b:s19+s13], $0x50, $0x38;
	[tilespmem:$0x1FD00] =	vst v63  }
0xaa: {  	_ =	swait.ge [sflag:s25], $0x50  }
0xab: {  	[sflag:s25] =	ssyncset.done $0x0  }
0xac: {  	[sflag:s25] =	ssyncadd.s32 $0xFFFFFFB0  }
0xad: {  	[tilespmem:s26], [sflag:$0x1] =	stream.indirect.gather [hbm4b:s1+s31], $0x80, s13, s31, $0xb8;
	[tilespmem:$0x1FD00] =	vst v63  }
0xae: {  	_ = 	snop  }
0xaf: {  	[tilespmem:s0], [sflag:$0x2] =	stream.indirect.gather [hbm4b:s1+s31], $0x80, s31, s31, $0xb8;
	[tilespmem:$0x1FD00] =	vst v63  }
0xb0: {  	s20 =	simm.s32 $0x2880  }
0xb1: {  	[tilespmem:s20], [sflag:$0x3] =	stream.linear.gather [hbm4b:s21+s13], $0x50, $0x38;
	[tilespmem:$0x1FD00] =	vst v63  }
0xb2: {  	_ =	swait.ge [sflag:s28], $0x2800  }
0xb3: {  	[sflag:s28] =	ssyncset.done $0x0  }
0xb4: {  	[sflag:s28] =	ssyncadd.s32 $0xFFFFD800  }
0xb5: {  	[spmem:s3] =	stream.indirect.scatter.add.f32 [tilespmem:s26], [sflag:$0x5], $0x80, s29, s31, $0xb8;
	[tilespmem:$0x1FD00] =	vst v63  }
0xb6: {  	_ =	swait.ge [sflag:s25], $0x2800  }
0xb7: {  	[sflag:s25] =	ssyncset.done $0x0  }
0xb8: {  	s23 =	simm.s32 $0xA0;
	[sflag:s25] =	ssyncadd.s32 $0xFFFFD800  }
0xb9: {  	[tilespmem:s26], [sflag:$0x1] =	stream.indirect.gather [hbm4b:s1+s31], $0x80, s23, s31, $0xb8;
	[tilespmem:$0x1FD00] =	vst v63  }
0xba: {  	_ = 	snop  }
0xbb: {  	[spmem:s4] =	stream.indirect.scatter.add.f32 [tilespmem:s2], [sflag:$0x4], $0x1, s29, s31, $0xb8;
	[tilespmem:$0x1FD00] =	vst v63  }
0xbc: {  	s24 =	simm.s32 $0x2900  }
0xbd: {  	[tilespmem:s24], [sflag:$0x3] =	stream.linear.gather [hbm4b:s22+s13], $0x50, $0x38;
	[tilespmem:$0x1FD00] =	vst v63  }
0xbe: {  	_ =	swait.ge [sflag:s8], $0x2800  }
0xbf: {  	[sflag:s8] =	ssyncset.done $0x0  }
0xc0: {  	[sflag:s8] =	ssyncadd.s32 $0xFFFFD800  }
0xc1: {  	[spmem:s3] =	stream.indirect.scatter.add.f32 [tilespmem:s0], [sflag:$0x5], $0x80, s30, s31, $0xb8;
	[tilespmem:$0x1FD00] =	vst v63  }
0xc2: {  	_ =	swait.ge [sflag:s25], $0x2800  }
0xc3: {  	[sflag:s25] =	ssyncset.done $0x0  }
0xc4: {  	[sflag:s25] =	ssyncadd.s32 $0xFFFFD800  }
0xc5: {  	[spmem:s4] =	stream.indirect.scatter.add.f32 [tilespmem:s2], [sflag:$0x4], $0x1, s30, s31, $0xb8;
	[tilespmem:$0x1FD00] =	vst v63  }
0xc6: {  	_ =	swait.ge [sflag:s9], $0x50  }
0xc7: {  	[sflag:s9] =	ssyncset.done $0x0  }
0xc8: {  	[sflag:s9] =	ssyncadd.s32 $0xFFFFFFB0  }
0xc9: {  	_ =	swait.ge [sflag:s9], $0x50  }
0xca: {  	s14 =	simm.s32 $0xF0;
	[sflag:s9] =	ssyncset.done $0x0  }
0xcb: {  	s23 =	smov.u32 s17;
	s24 =	smov.u32 s16;
	[sflag:s9] =	ssyncadd.s32 $0xFFFFFFB0  }
.LBB2_4:
0xcc: {  	[tilespmem:s0], [sflag:$0x2] =	stream.indirect.gather [hbm4b:s1+s31], $0x80, s14, s31, $0xb8;
	[tilespmem:$0x1FD00] =	vst v63  }
0xcd: {  	s18 =	sshra.s32 s13, $0x2  }
0xce: {  	s19 =	sadd.s32 $0x2980, s18  }
0xcf: {  	[tilespmem:s19], [sflag:$0x3] =	stream.linear.gather [hbm4b:s23+s5], $0x50, $0x38;
	[tilespmem:$0x1FD00] =	vst v63  }
0xd0: {  	_ =	swait.ge [sflag:s28], $0x2800  }
0xd1: {  	[sflag:s28] =	ssyncset.done $0x0  }
0xd2: {  	s19 =	sadd.s32 $0x2880, s18;
	[sflag:s28] =	ssyncadd.s32 $0xFFFFD800  }
0xd3: {  	[spmem:s3] =	stream.indirect.scatter.add.f32 [tilespmem:s26], [sflag:$0x5], $0x80, s19, s31, $0xb8;
	[tilespmem:$0x1FD00] =	vst v63  }
0xd4: {  	_ =	swait.ge [sflag:s25], $0x2800  }
0xd5: {  	[sflag:s25] =	ssyncset.done $0x0  }
0xd6: {  	s20 =	sadd.s32 $0x50, s14;
	[sflag:s25] =	ssyncadd.s32 $0xFFFFD800  }
0xd7: {  	[tilespmem:s26], [sflag:$0x1] =	stream.indirect.gather [hbm4b:s1+s31], $0x80, s20, s31, $0xb8;
	[tilespmem:$0x1FD00] =	vst v63  }
0xd8: {  	p0 =	seq.s32 s13, $0xF000  }
0xd9: {  	[spmem:s4] =	stream.indirect.scatter.add.f32 [tilespmem:s2], [sflag:$0x4], $0x1, s19, s31, $0xb8;
	[tilespmem:$0x1FD00] =	vst v63  }
0xda: {  	s19 =	sshra.s32 @!p0 s13, $0x2  }
0xdb: {  	s20 =	simm.s32 @!p0 $0x0;
	s19 =	sadd.s32 @!p0 $0x2A00, s19  }
0xdc: {  	[tilespmem:s19], [sflag:$0x3] =	stream.linear.gather @!p0 [hbm4b:s24+s20], $0x50, $0x38;
	[tilespmem:$0x1FD00] =	vst v63  }
0xdd: {  	_ =	swait.ge [sflag:s8], $0x2800  }
0xde: {  	[sflag:s8] =	ssyncset.done $0x0  }
0xdf: {  	s18 =	sadd.s32 $0x2900, s18;
	[sflag:s8] =	ssyncadd.s32 $0xFFFFD800  }
0xe0: {  	[spmem:s3] =	stream.indirect.scatter.add.f32 [tilespmem:s0], [sflag:$0x5], $0x80, s18, s31, $0xb8;
	[tilespmem:$0x1FD00] =	vst v63  }
0xe1: {  	_ =	swait.ge [sflag:s25], $0x2800  }
0xe2: {  	[sflag:s25] =	ssyncset.done $0x0  }
0xe3: {  	[sflag:s25] =	ssyncadd.s32 $0xFFFFD800  }
0xe4: {  	[spmem:s4] =	stream.indirect.scatter.add.f32 [tilespmem:s2], [sflag:$0x4], $0x1, s18, s31, $0xb8;
	[tilespmem:$0x1FD00] =	vst v63  }
0xe5: {  	_ =	swait.ge [sflag:s10], $0x50  }
0xe6: {  	[sflag:s10] =	ssyncset.done $0x0  }
0xe7: {  	[sflag:s10] =	ssyncadd.s32 $0xFFFFFFB0  }
0xe8: {  	_ =	swait.ge [sflag:s10], $0x50  }
.Ltmp3:
0xe9: {  	[sflag:s10] =	ssyncset.done $0x0;
	(pc) =	sbr.rel @p0 .LBB2_6-.Ltmp3, $4  }
0xea: {  	[sflag:s10] =	ssyncadd.s32 $0xFFFFFFB0  }
0xeb: {  	_ =	swait.ge [sflag:s9], $0x50  }
0xec: {  	[sflag:s9] =	ssyncset.done $0x0  }
0xed: {  	[sflag:s9] =	ssyncadd.s32 $0xFFFFFFB0  }
.Ltmp4:
0xee: {  	(pc) =	sbr.rel .LBB2_4-.Ltmp4, $4  }
0xef: {  	_ = 	snop  }
0xf0: {  	_ =	swait.ge [sflag:s9], $0x50  }
0xf1: {  	s13 =	sadd.s32 $0x400, s13;
	s14 =	sadd.s32 $0xA0, s14;
	[sflag:s9] =	ssyncset.done $0x0  }
0xf2: {  	s23 =	sadd.s32 $0x14, s23;
	s24 =	sadd.s32 $0x14, s24;
	[sflag:s9] =	ssyncadd.s32 $0xFFFFFFB0  }
.LBB2_7:
0xf3: {  	_ =	sfence.sel $0x180000  }
0xf4: {  	[bflag:$0x0] =	sbarrier.arrive $0xFFFF  }
0xf5: {  	_ =	strace $0x90000047  }
0xf6: {  	s0 =	stileid.u32;
	[bflag:$0x2] =	sbarrier.arrive $0xFFFF  }
0xf7: {  	p0 =	sne.s32 s0, $0x0;
	s0 =	rddreg [dreg:$0x4]  }
0xf8: {  	s0 =	sadd.s32 @!p0 $0x100000, s0  }
0xf9: {  	[sflag:s0] =	ssyncadd.tile.s32 @!p0 $0x1;
	_ =	shalt  }
.Lfunc_end2:
_tile_overlayer_lowered:
.L_overlay_start_2:
0xfa: {  	(tag) =	ssettag $0x2  }
0xfb: {  	s0 =	rddreg [dreg:$0x0];
	s2 =	stileid.u32  }
0xfc: {  	s1 =	rddreg [dreg:$0x1];
	p0 =	sne.s32 s2, $0x0  }
0xfd: {  	s3 =	rddreg [dreg:$0x2];
	[bflag:$0x3] =	sbarrier.arrive $0xFFFF;
	s2 =	simm.s32 @!p0 $0x1C05  }
0xfe: {  	[timem:s3], [sflag:s2] =	dma.local @!p0 [hbm:s0], s1  }
0xff: {  	s0 =	simm.s32 @!p0 $0x5  }
0x100: {  	_ =	swait.ge @!p0 [sflag:s0], s1  }
0x101: {  	s1 =	ssub.s32 @!p0 $0x0, s1;
	[sflag:s0] =	ssyncset.done @!p0 $0x0  }
0x102: {  	[sflag:s0] =	ssyncadd.s32 @!p0 s1  }
0x103: {  	[bflag:$0x3] =	sbarrier.arrive $0xFFFF  }
0x104: {  	_ =	shalt  }

</sc_bundles>
